<compile_context>
chip_gen: v7x
topology: tpu7x:2x2x1
jax: 0.10.2.dev20260603
libtpu: 0.0.44.dev20260713+nightly
codegen_flags: <defaults>
</compile_context>

<pallas_src>
import functools

import jax
import jax.numpy as jnp
from jax import lax
from jax.experimental import pallas as pl
from jax.experimental.pallas import tpu as pltpu
from jax.experimental.pallas import tpu_sc as plsc

VOCAB = 3
EMBED = 512
LANES = 16
ROWS = 4 * 8192
NUM_CORES = 2
NUM_SUBCORES = 16
NW = NUM_CORES * NUM_SUBCORES
R_PER_W = ROWS // NW
CHUNK = 64
NBUF = 2
NCHUNK = R_PER_W // CHUNK

_mesh = plsc.VectorSubcoreMesh(core_axis_name="c", subcore_axis_name="s")


@functools.partial(
    pl.kernel,
    mesh=_mesh,
    out_type=jax.ShapeDtypeStruct((ROWS, EMBED), jnp.float32),
    scratch_types=[
        pltpu.VMEM((R_PER_W,), jnp.int32),
        pltpu.VMEM((VOCAB, EMBED), jnp.float32),
        pltpu.VMEM((NBUF, CHUNK, EMBED), jnp.float32),
        pltpu.VMEM_SHARED((NUM_SUBCORES, R_PER_W), jnp.int32),
        pltpu.SMEM((2, CHUNK), jnp.int32),
        pltpu.SemaphoreType.DMA((NBUF,)),
        pltpu.SemaphoreType.DMA((2,)),
    ],
)
def _embed_sc(idx_hbm, w_hbm, out_hbm, idx_v, tbl_v, bufn, idx_sh,
              idx_sm, ssem, isem):
    sid = lax.axis_index("s")
    wid = sid * NUM_CORES + lax.axis_index("c")
    base = wid * R_PER_W

    pltpu.sync_copy(w_hbm, tbl_v)
    pltpu.sync_copy(idx_hbm.at[pl.ds(base, R_PER_W)], idx_v)
    pltpu.sync_copy(idx_v, idx_sh.at[sid])

    bufs = tuple(bufn.at[b] for b in range(NBUF))

    def start_idx_fetch(c, p):
        pltpu.async_copy(
            idx_sh.at[sid, pl.ds(c * CHUNK, CHUNK)], idx_sm.at[p], isem.at[p]
        )

    def wait_idx_fetch(c, p):
        pltpu.make_async_copy(
            idx_sh.at[sid, pl.ds(c * CHUNK, CHUNK)], idx_sm.at[p], isem.at[p]
        ).wait()

    def fill(c, buf, p):
        wait_idx_fetch(c, p)

        @pl.when(c + 1 < NCHUNK)
        def _():
            start_idx_fetch(c + 1, 1 - p)

        @plsc.parallel_loop(0, CHUNK, 1, unroll=8)
        def row(i):
            r = idx_sm[p, i]
            for k in range(EMBED // LANES):
                buf[i, pl.ds(k * LANES, LANES)] = tbl_v[r, pl.ds(k * LANES, LANES)]

    def wait_scatter(b):
        pltpu.make_async_copy(
            bufs[b], out_hbm.at[pl.ds(base, CHUNK)], ssem.at[b]
        ).wait()

    def start_scatter(c, b):
        pltpu.async_copy(
            bufs[b], out_hbm.at[pl.ds(base + c * CHUNK, CHUNK)], ssem.at[b]
        )

    assert NBUF % 2 == 0
    start_idx_fetch(0, 0)

    def outer(g, carry):
        for b in range(NBUF):
            c = g * NBUF + b

            @pl.when(c >= NBUF)
            def _():
                wait_scatter(b)

            fill(c, bufs[b], b % 2)
            start_scatter(c, b)
        return carry

    lax.fori_loop(0, NCHUNK // NBUF, outer, 0)
    for b in range(NBUF):
        wait_scatter(b)


def kernel(input, weight):
    idx = input.reshape(-1).astype(jnp.int32)
    out = _embed_sc(idx, weight)
    return out.reshape(input.shape + (EMBED,))

# --- scband reference (transcript-rebuilt; emitter-appended) ---
"""Pipeline reference for scband-segment-embedding-32719060861117 (READ-ONLY COPY).

The authoritative reference and input builder live on the scoring server;
editing this copy changes nothing except your own understanding.
"""

import jax, jax.numpy as jnp
import numpy as np

VOCAB = 3
EMBED = 512
B, S = 4, 8192

def setup_inputs(seed: int = 0) -> dict:
    key = jax.random.key(seed)
    k_idx, k_w = jax.random.split(key)
    indices = jax.random.randint(k_idx, (B, S), 0, VOCAB, dtype=jnp.int64 if jax.config.jax_enable_x64 else jnp.int32)
    # nn.Embedding default init: N(0, 1)
    weight = jax.random.normal(k_w, (VOCAB, EMBED), dtype=jnp.float32)
    return {"input": indices, "weight": weight}

def reference(input, weight):
    # SegmentEmbedding.forward == nn.Embedding.forward: gather rows of weight
    return jnp.take(weight, input, axis=0)

if __name__ == "__main__":
    import jax
    _d = setup_inputs()
    print(jax.jit(kernel)(*tuple(_d.values())))

</pallas_src>

<mosaic_0001>
#map = affine_map<(d0, d1) -> (0)>
#map1 = affine_map<(d0, d1) -> (0, 0)>
module attributes {stable_mosaic.version = 14 : i64} {
  func.func @_embed_sc(%arg0: i32, %arg1: i32, %arg2: memref<32768xi32, #tpu.memory_space<hbm>>, %arg3: memref<3x512xf32, #tpu.memory_space<hbm>>, %arg4: memref<32768x512xf32, #tpu.memory_space<hbm>>, %arg5: memref<1024xi32, #tpu.memory_space<vmem>>, %arg6: memref<3x512xf32, #tpu.memory_space<vmem>>, %arg7: memref<2x64x512xf32, #tpu.memory_space<vmem>>, %arg8: memref<16x1024xi32, #tpu.memory_space<vmem_shared>>, %arg9: memref<2x64xi32, #tpu.memory_space<smem>>, %arg10: memref<2x!tpu.dma_semaphore, #tpu.memory_space<semaphore_mem>>, %arg11: memref<2x!tpu.dma_semaphore, #tpu.memory_space<semaphore_mem>>) attributes {dimension_semantics = [#tpu.dimension_semantics<core_parallel>, #tpu.dimension_semantics<subcore_parallel>], iteration_bounds = array<i64: 2, 16>, scalar_prefetch = 0 : i64, scratch_operands = 7 : i64, tpu.core_type = #tpu.core_type<sc_vector_subcore>, window_params = [{transform_indices = #map}, {transform_indices = #map1}, {transform_indices = #map1}]} {
    %mul3A = arith.constant 2 : i32
    %mul3A_0 = arith.muli %arg1, %mul3A : i32
    %add3A = arith.addi %mul3A_0, %arg0 : i32
    %mul3A_1 = arith.constant 1024 : i32
    %mul3A_2 = arith.muli %add3A, %mul3A_1 : i32
    "tpu.region"() ({
      %run_scoped3A = tpu.sem_alloc : memref<!tpu.dma_semaphore, #tpu.memory_space<semaphore_mem>>
      tpu.enqueue_dma source(%arg3 : memref<3x512xf32, #tpu.memory_space<hbm>>) target(%arg6 : memref<3x512xf32, #tpu.memory_space<vmem>>) target_semaphore(%run_scoped3A : memref<!tpu.dma_semaphore, #tpu.memory_space<semaphore_mem>>)
      tpu.wait_dma2 semaphore(%run_scoped3A : memref<!tpu.dma_semaphore, #tpu.memory_space<semaphore_mem>>) src(%arg3 : memref<3x512xf32, #tpu.memory_space<hbm>>) dst(%arg6 : memref<3x512xf32, #tpu.memory_space<vmem>>)
      tpu.yield
    }) : () -> ()
    "tpu.region"() ({
      %run_scoped3A = tpu.sem_alloc : memref<!tpu.dma_semaphore, #tpu.memory_space<semaphore_mem>>
      %dma_start3A_50 = tpu.memref_slice %arg2[%mul3A_2] : memref<32768xi32, #tpu.memory_space<hbm>> -> memref<1024xi32, #tpu.memory_space<hbm>>
      %dma_start3A_51 = tpu.memref_slice %arg2[%mul3A_2] : memref<32768xi32, #tpu.memory_space<hbm>> -> memref<1024xi32, #tpu.memory_space<hbm>>
      tpu.enqueue_dma source(%dma_start3A_51 : memref<1024xi32, #tpu.memory_space<hbm>>) target(%arg5 : memref<1024xi32, #tpu.memory_space<vmem>>) target_semaphore(%run_scoped3A : memref<!tpu.dma_semaphore, #tpu.memory_space<semaphore_mem>>)
      %dma_wait3A_52 = tpu.memref_slice %arg2[%mul3A_2] : memref<32768xi32, #tpu.memory_space<hbm>> -> memref<1024xi32, #tpu.memory_space<hbm>>
      %dma_wait3A_53 = tpu.memref_slice %arg2[%mul3A_2] : memref<32768xi32, #tpu.memory_space<hbm>> -> memref<1024xi32, #tpu.memory_space<hbm>>
      tpu.wait_dma2 semaphore(%run_scoped3A : memref<!tpu.dma_semaphore, #tpu.memory_space<semaphore_mem>>) src(%dma_wait3A_53 : memref<1024xi32, #tpu.memory_space<hbm>>) dst(%arg5 : memref<1024xi32, #tpu.memory_space<vmem>>)
      tpu.yield
    }) : () -> ()
    "tpu.region"() ({
      %run_scoped3A = tpu.sem_alloc : memref<!tpu.dma_semaphore, #tpu.memory_space<semaphore_mem>>
      %dma_start3A_50 = arith.constant 0 : i32
      %dma_start3A_51 = tpu.memref_slice %arg8[%arg1, %dma_start3A_50] : memref<16x1024xi32, #tpu.memory_space<vmem_shared>> -> memref<1x1024xi32, #tpu.memory_space<vmem_shared>>
      %dma_start3A_52 = tpu.memref_squeeze %dma_start3A_51 : memref<1x1024xi32, #tpu.memory_space<vmem_shared>> -> memref<1024xi32, #tpu.memory_space<vmem_shared>>
      %dma_start3A_53 = arith.constant 0 : i32
      %dma_start3A_54 = tpu.memref_slice %arg8[%arg1, %dma_start3A_53] : memref<16x1024xi32, #tpu.memory_space<vmem_shared>> -> memref<1x1024xi32, #tpu.memory_space<vmem_shared>>
      %dma_start3A_55 = tpu.memref_squeeze %dma_start3A_54 : memref<1x1024xi32, #tpu.memory_space<vmem_shared>> -> memref<1024xi32, #tpu.memory_space<vmem_shared>>
      tpu.enqueue_dma source(%arg5 : memref<1024xi32, #tpu.memory_space<vmem>>) target(%dma_start3A_55 : memref<1024xi32, #tpu.memory_space<vmem_shared>>) target_semaphore(%run_scoped3A : memref<!tpu.dma_semaphore, #tpu.memory_space<semaphore_mem>>)
      %dma_wait3A_56 = arith.constant 0 : i32
      %dma_wait3A_57 = tpu.memref_slice %arg8[%arg1, %dma_wait3A_56] : memref<16x1024xi32, #tpu.memory_space<vmem_shared>> -> memref<1x1024xi32, #tpu.memory_space<vmem_shared>>
      %dma_wait3A_58 = tpu.memref_squeeze %dma_wait3A_57 : memref<1x1024xi32, #tpu.memory_space<vmem_shared>> -> memref<1024xi32, #tpu.memory_space<vmem_shared>>
      %dma_wait3A_59 = arith.constant 0 : i32
      %dma_wait3A_60 = tpu.memref_slice %arg8[%arg1, %dma_wait3A_59] : memref<16x1024xi32, #tpu.memory_space<vmem_shared>> -> memref<1x1024xi32, #tpu.memory_space<vmem_shared>>
      %dma_wait3A_61 = tpu.memref_squeeze %dma_wait3A_60 : memref<1x1024xi32, #tpu.memory_space<vmem_shared>> -> memref<1024xi32, #tpu.memory_space<vmem_shared>>
      tpu.wait_dma2 semaphore(%run_scoped3A : memref<!tpu.dma_semaphore, #tpu.memory_space<semaphore_mem>>) src(%arg5 : memref<1024xi32, #tpu.memory_space<vmem>>) dst(%dma_wait3A_61 : memref<1024xi32, #tpu.memory_space<vmem_shared>>)
      tpu.yield
    }) : () -> ()
    %dma_start3A = arith.constant 0 : i32
    %dma_start3A_3 = arith.constant 0 : i32
    %dma_start3A_4 = tpu.memref_slice %arg11[%dma_start3A_3] : memref<2x!tpu.dma_semaphore, #tpu.memory_space<semaphore_mem>> -> memref<1x!tpu.dma_semaphore, #tpu.memory_space<semaphore_mem>>
    %dma_start3A_5 = tpu.memref_squeeze %dma_start3A_4 : memref<1x!tpu.dma_semaphore, #tpu.memory_space<semaphore_mem>> -> memref<!tpu.dma_semaphore, #tpu.memory_space<semaphore_mem>>
    %dma_start3A_6 = arith.constant 0 : i32
    %dma_start3A_7 = tpu.memref_slice %arg9[%dma_start3A, %dma_start3A_6] : memref<2x64xi32, #tpu.memory_space<smem>> -> memref<1x64xi32, #tpu.memory_space<smem>>
    %dma_start3A_8 = tpu.memref_squeeze %dma_start3A_7 : memref<1x64xi32, #tpu.memory_space<smem>> -> memref<64xi32, #tpu.memory_space<smem>>
    %dma_start3A_9 = arith.constant 0 : i32
    %dma_start3A_10 = tpu.memref_slice %arg8[%arg1, %dma_start3A_9] : memref<16x1024xi32, #tpu.memory_space<vmem_shared>> -> memref<1x64xi32, #tpu.memory_space<vmem_shared>>
    %dma_start3A_11 = tpu.memref_squeeze %dma_start3A_10 : memref<1x64xi32, #tpu.memory_space<vmem_shared>> -> memref<64xi32, #tpu.memory_space<vmem_shared>>
    tpu.enqueue_dma source(%dma_start3A_11 : memref<64xi32, #tpu.memory_space<vmem_shared>>) target(%dma_start3A_8 : memref<64xi32, #tpu.memory_space<smem>>) target_semaphore(%dma_start3A_5 : memref<!tpu.dma_semaphore, #tpu.memory_space<semaphore_mem>>)
    %scan3A = arith.constant 0 : i32
    %scan3A_12 = arith.constant 0 : i32
    %scan3A_13 = arith.constant 1 : i32
    %scan3A_14 = arith.constant 0 : i32
    %scan3A_15 = arith.constant 8 : i32
    %scan3A_16 = arith.addi %scan3A_14, %scan3A_15 : i32
    %scan3A_17 = arith.constant 1 : i32
    scf.for %scan3A_50 = %scan3A_14 to %scan3A_16 step %scan3A_17  : i32 {
      %mul3A_51 = arith.constant 2 : i32
      %mul3A_52 = arith.muli %scan3A_50, %mul3A_51 : i32
      %add3A_53 = arith.constant 0 : i32
      %add3A_54 = arith.addi %mul3A_52, %add3A_53 : i32
      %ge3A = arith.constant 2 : i32
      %ge3A_55 = arith.cmpi sge, %add3A_54, %ge3A : i32
      %convert_element_type3A = arith.extui %ge3A_55 : i1 to i32
      %cond3A = arith.constant 0 : i32
      %cond3A_56 = arith.cmpi ne, %convert_element_type3A, %cond3A : i32
      scf.if %cond3A_56 {
        %dma_wait3A_142 = arith.constant 0 : i32
        %dma_wait3A_143 = arith.constant 0 : i32
        %dma_wait3A_144 = arith.constant 0 : i32
        %dma_wait3A_145 = tpu.memref_slice %arg7[%scan3A_12, %dma_wait3A_143, %dma_wait3A_144] : memref<2x64x512xf32, #tpu.memory_space<vmem>> -> memref<1x64x512xf32, #tpu.memory_space<vmem>>
        %dma_wait3A_146 = tpu.memref_squeeze %dma_wait3A_145 : memref<1x64x512xf32, #tpu.memory_space<vmem>> -> memref<64x512xf32, #tpu.memory_space<vmem>>
        %dma_wait3A_147 = arith.constant 0 : i32
        %dma_wait3A_148 = tpu.memref_slice %arg4[%mul3A_2, %dma_wait3A_147] : memref<32768x512xf32, #tpu.memory_space<hbm>> -> memref<64x512xf32, #tpu.memory_space<hbm>>
        %dma_wait3A_149 = tpu.memref_slice %arg10[%dma_wait3A_142] : memref<2x!tpu.dma_semaphore, #tpu.memory_space<semaphore_mem>> -> memref<1x!tpu.dma_semaphore, #tpu.memory_space<semaphore_mem>>
        %dma_wait3A_150 = tpu.memref_squeeze %dma_wait3A_149 : memref<1x!tpu.dma_semaphore, #tpu.memory_space<semaphore_mem>> -> memref<!tpu.dma_semaphore, #tpu.memory_space<semaphore_mem>>
        %dma_wait3A_151 = arith.constant 0 : i32
        %dma_wait3A_152 = tpu.memref_slice %arg4[%mul3A_2, %dma_wait3A_151] : memref<32768x512xf32, #tpu.memory_space<hbm>> -> memref<64x512xf32, #tpu.memory_space<hbm>>
        %dma_wait3A_153 = arith.constant 0 : i32
        %dma_wait3A_154 = arith.constant 0 : i32
        %dma_wait3A_155 = tpu.memref_slice %arg7[%scan3A_12, %dma_wait3A_153, %dma_wait3A_154] : memref<2x64x512xf32, #tpu.memory_space<vmem>> -> memref<1x64x512xf32, #tpu.memory_space<vmem>>
        %dma_wait3A_156 = tpu.memref_squeeze %dma_wait3A_155 : memref<1x64x512xf32, #tpu.memory_space<vmem>> -> memref<64x512xf32, #tpu.memory_space<vmem>>
        tpu.wait_dma2 semaphore(%dma_wait3A_150 : memref<!tpu.dma_semaphore, #tpu.memory_space<semaphore_mem>>) src(%dma_wait3A_156 : memref<64x512xf32, #tpu.memory_space<vmem>>) dst(%dma_wait3A_152 : memref<64x512xf32, #tpu.memory_space<hbm>>)
      } else {
      }
      %mul3A_57 = arith.constant 64 : i32
      %mul3A_58 = arith.muli %add3A_54, %mul3A_57 : i32
      %dma_wait3A_59 = arith.constant 0 : i32
      %dma_wait3A_60 = arith.constant 0 : i32
      %dma_wait3A_61 = tpu.memref_slice %arg11[%dma_wait3A_60] : memref<2x!tpu.dma_semaphore, #tpu.memory_space<semaphore_mem>> -> memref<1x!tpu.dma_semaphore, #tpu.memory_space<semaphore_mem>>
      %dma_wait3A_62 = tpu.memref_squeeze %dma_wait3A_61 : memref<1x!tpu.dma_semaphore, #tpu.memory_space<semaphore_mem>> -> memref<!tpu.dma_semaphore, #tpu.memory_space<semaphore_mem>>
      %dma_wait3A_63 = arith.constant 0 : i32
      %dma_wait3A_64 = tpu.memref_slice %arg9[%dma_wait3A_59, %dma_wait3A_63] : memref<2x64xi32, #tpu.memory_space<smem>> -> memref<1x64xi32, #tpu.memory_space<smem>>
      %dma_wait3A_65 = tpu.memref_squeeze %dma_wait3A_64 : memref<1x64xi32, #tpu.memory_space<smem>> -> memref<64xi32, #tpu.memory_space<smem>>
      %dma_wait3A_66 = tpu.memref_slice %arg8[%arg1, %mul3A_58] : memref<16x1024xi32, #tpu.memory_space<vmem_shared>> -> memref<1x64xi32, #tpu.memory_space<vmem_shared>>
      %dma_wait3A_67 = tpu.memref_squeeze %dma_wait3A_66 : memref<1x64xi32, #tpu.memory_space<vmem_shared>> -> memref<64xi32, #tpu.memory_space<vmem_shared>>
      tpu.wait_dma2 semaphore(%dma_wait3A_62 : memref<!tpu.dma_semaphore, #tpu.memory_space<semaphore_mem>>) src(%dma_wait3A_67 : memref<64xi32, #tpu.memory_space<vmem_shared>>) dst(%dma_wait3A_65 : memref<64xi32, #tpu.memory_space<smem>>)
      %add3A_68 = arith.constant 1 : i32
      %add3A_69 = arith.addi %add3A_54, %add3A_68 : i32
      %lt3A = arith.constant 16 : i32
      %lt3A_70 = arith.cmpi slt, %add3A_69, %lt3A : i32
      %convert_element_type3A_71 = arith.extui %lt3A_70 : i1 to i32
      %cond3A_72 = arith.constant 0 : i32
      %cond3A_73 = arith.cmpi ne, %convert_element_type3A_71, %cond3A_72 : i32
      scf.if %cond3A_73 {
        %add3A_142 = arith.constant 1 : i32
        %add3A_143 = arith.addi %add3A_54, %add3A_142 : i32
        %mul3A_144 = arith.constant 64 : i32
        %mul3A_145 = arith.muli %add3A_143, %mul3A_144 : i32
        %dma_start3A_146 = arith.constant 1 : i32
        %dma_start3A_147 = arith.constant 1 : i32
        %dma_start3A_148 = tpu.memref_slice %arg11[%dma_start3A_147] : memref<2x!tpu.dma_semaphore, #tpu.memory_space<semaphore_mem>> -> memref<1x!tpu.dma_semaphore, #tpu.memory_space<semaphore_mem>>
        %dma_start3A_149 = tpu.memref_squeeze %dma_start3A_148 : memref<1x!tpu.dma_semaphore, #tpu.memory_space<semaphore_mem>> -> memref<!tpu.dma_semaphore, #tpu.memory_space<semaphore_mem>>
        %dma_start3A_150 = arith.constant 0 : i32
        %dma_start3A_151 = tpu.memref_slice %arg9[%dma_start3A_146, %dma_start3A_150] : memref<2x64xi32, #tpu.memory_space<smem>> -> memref<1x64xi32, #tpu.memory_space<smem>>
        %dma_start3A_152 = tpu.memref_squeeze %dma_start3A_151 : memref<1x64xi32, #tpu.memory_space<smem>> -> memref<64xi32, #tpu.memory_space<smem>>
        %dma_start3A_153 = tpu.memref_slice %arg8[%arg1, %mul3A_145] : memref<16x1024xi32, #tpu.memory_space<vmem_shared>> -> memref<1x64xi32, #tpu.memory_space<vmem_shared>>
        %dma_start3A_154 = tpu.memref_squeeze %dma_start3A_153 : memref<1x64xi32, #tpu.memory_space<vmem_shared>> -> memref<64xi32, #tpu.memory_space<vmem_shared>>
        tpu.enqueue_dma source(%dma_start3A_154 : memref<64xi32, #tpu.memory_space<vmem_shared>>) target(%dma_start3A_152 : memref<64xi32, #tpu.memory_space<smem>>) target_semaphore(%dma_start3A_149 : memref<!tpu.dma_semaphore, #tpu.memory_space<semaphore_mem>>)
      } else {
      }
      %parallel_loop3A = arith.constant 0 : i32
      %parallel_loop3A_74 = arith.constant 64 : i32
      %parallel_loop3A_75 = arith.constant 1 : i32
      scf.for %parallel_loop3A_142 = %parallel_loop3A to %parallel_loop3A_74 step %parallel_loop3A_75  : i32 {
        %parallel_loop3A_143 = arith.constant 0 : i32
        %parallel_loop3A_144 = arith.index_cast %parallel_loop3A_143 : i32 to index
        %parallel_loop3A_145 = arith.index_cast %parallel_loop3A_142 : i32 to index
        %parallel_loop3A_146 = memref.load %arg9[%parallel_loop3A_144, %parallel_loop3A_145] : memref<2x64xi32, #tpu.memory_space<smem>>
        %parallel_loop3A_147 = arith.index_cast %parallel_loop3A_146 : i32 to index
        %parallel_loop3A_148 = arith.constant 0 : index
        %parallel_loop3A_149 = tpu.vector_load %arg6[%parallel_loop3A_147, %parallel_loop3A_148] {strides = array<i32>} : memref<3x512xf32, #tpu.memory_space<vmem>>, vector<1x16xf32>,
        %parallel_loop3A_150 = vector.shape_cast %parallel_loop3A_149 : vector<1x16xf32> to vector<16xf32>
        %parallel_loop3A_151 = arith.constant 0 : i32
        %parallel_loop3A_152 = arith.constant 0 : i32
        %parallel_loop3A_153 = tpu.memref_slice %arg7[%scan3A_12, %parallel_loop3A_151, %parallel_loop3A_152] : memref<2x64x512xf32, #tpu.memory_space<vmem>> -> memref<1x64x512xf32, #tpu.memory_space<vmem>>
        %parallel_loop3A_154 = tpu.memref_squeeze %parallel_loop3A_153 : memref<1x64x512xf32, #tpu.memory_space<vmem>> -> memref<64x512xf32, #tpu.memory_space<vmem>>
        %parallel_loop3A_155 = arith.index_cast %parallel_loop3A_142 : i32 to index
        %parallel_loop3A_156 = arith.constant 0 : index
        %parallel_loop3A_157 = tpu.vector_load %parallel_loop3A_154[%parallel_loop3A_155, %parallel_loop3A_156] {strides = array<i32>} : memref<64x512xf32, #tpu.memory_space<vmem>>, vector<1x16xf32>,
        %parallel_loop3A_158 = vector.shape_cast %parallel_loop3A_157 : vector<1x16xf32> to vector<16xf32>
        %parallel_loop3A_159 = vector.shape_cast %parallel_loop3A_150 : vector<16xf32> to vector<1x16xf32>
        tpu.vector_store %parallel_loop3A_154[%parallel_loop3A_155, %parallel_loop3A_156], %parallel_loop3A_159 {strides = array<i32>} : memref<64x512xf32, #tpu.memory_space<vmem>>, vector<1x16xf32>,
        %parallel_loop3A_160 = arith.index_cast %parallel_loop3A_146 : i32 to index
        %parallel_loop3A_161 = arith.constant 16 : index
        %parallel_loop3A_162 = tpu.vector_load %arg6[%parallel_loop3A_160, %parallel_loop3A_161] {strides = array<i32>} : memref<3x512xf32, #tpu.memory_space<vmem>>, vector<1x16xf32>,
        %parallel_loop3A_163 = vector.shape_cast %parallel_loop3A_162 : vector<1x16xf32> to vector<16xf32>
        %parallel_loop3A_164 = arith.constant 0 : i32
        %parallel_loop3A_165 = arith.constant 0 : i32
        %parallel_loop3A_166 = tpu.memref_slice %arg7[%scan3A_12, %parallel_loop3A_164, %parallel_loop3A_165] : memref<2x64x512xf32, #tpu.memory_space<vmem>> -> memref<1x64x512xf32, #tpu.memory_space<vmem>>
        %parallel_loop3A_167 = tpu.memref_squeeze %parallel_loop3A_166 : memref<1x64x512xf32, #tpu.memory_space<vmem>> -> memref<64x512xf32, #tpu.memory_space<vmem>>
        %parallel_loop3A_168 = arith.index_cast %parallel_loop3A_142 : i32 to index
        %parallel_loop3A_169 = arith.constant 16 : index
        %parallel_loop3A_170 = tpu.vector_load %parallel_loop3A_167[%parallel_loop3A_168, %parallel_loop3A_169] {strides = array<i32>} : memref<64x512xf32, #tpu.memory_space<vmem>>, vector<1x16xf32>,
        %parallel_loop3A_171 = vector.shape_cast %parallel_loop3A_170 : vector<1x16xf32> to vector<16xf32>
        %parallel_loop3A_172 = vector.shape_cast %parallel_loop3A_163 : vector<16xf32> to vector<1x16xf32>
        tpu.vector_store %parallel_loop3A_167[%parallel_loop3A_168, %parallel_loop3A_169], %parallel_loop3A_172 {strides = array<i32>} : memref<64x512xf32, #tpu.memory_space<vmem>>, vector<1x16xf32>,
        %parallel_loop3A_173 = arith.index_cast %parallel_loop3A_146 : i32 to index
        %parallel_loop3A_174 = arith.constant 32 : index
        %parallel_loop3A_175 = tpu.vector_load %arg6[%parallel_loop3A_173, %parallel_loop3A_174] {strides = array<i32>} : memref<3x512xf32, #tpu.memory_space<vmem>>, vector<1x16xf32>,
        %parallel_loop3A_176 = vector.shape_cast %parallel_loop3A_175 : vector<1x16xf32> to vector<16xf32>
        %parallel_loop3A_177 = arith.constant 0 : i32
        %parallel_loop3A_178 = arith.constant 0 : i32
        %parallel_loop3A_179 = tpu.memref_slice %arg7[%scan3A_12, %parallel_loop3A_177, %parallel_loop3A_178] : memref<2x64x512xf32, #tpu.memory_space<vmem>> -> memref<1x64x512xf32, #tpu.memory_space<vmem>>
        %parallel_loop3A_180 = tpu.memref_squeeze %parallel_loop3A_179 : memref<1x64x512xf32, #tpu.memory_space<vmem>> -> memref<64x512xf32, #tpu.memory_space<vmem>>
        %parallel_loop3A_181 = arith.index_cast %parallel_loop3A_142 : i32 to index
        %parallel_loop3A_182 = arith.constant 32 : index
        %parallel_loop3A_183 = tpu.vector_load %parallel_loop3A_180[%parallel_loop3A_181, %parallel_loop3A_182] {strides = array<i32>} : memref<64x512xf32, #tpu.memory_space<vmem>>, vector<1x16xf32>,
        %parallel_loop3A_184 = vector.shape_cast %parallel_loop3A_183 : vector<1x16xf32> to vector<16xf32>
        %parallel_loop3A_185 = vector.shape_cast %parallel_loop3A_176 : vector<16xf32> to vector<1x16xf32>
        tpu.vector_store %parallel_loop3A_180[%parallel_loop3A_181, %parallel_loop3A_182], %parallel_loop3A_185 {strides = array<i32>} : memref<64x512xf32, #tpu.memory_space<vmem>>, vector<1x16xf32>,
        %parallel_loop3A_186 = arith.index_cast %parallel_loop3A_146 : i32 to index
        %parallel_loop3A_187 = arith.constant 48 : index
        %parallel_loop3A_188 = tpu.vector_load %arg6[%parallel_loop3A_186, %parallel_loop3A_187] {strides = array<i32>} : memref<3x512xf32, #tpu.memory_space<vmem>>, vector<1x16xf32>,
        %parallel_loop3A_189 = vector.shape_cast %parallel_loop3A_188 : vector<1x16xf32> to vector<16xf32>
        %parallel_loop3A_190 = arith.constant 0 : i32
        %parallel_loop3A_191 = arith.constant 0 : i32
        %parallel_loop3A_192 = tpu.memref_slice %arg7[%scan3A_12, %parallel_loop3A_190, %parallel_loop3A_191] : memref<2x64x512xf32, #tpu.memory_space<vmem>> -> memref<1x64x512xf32, #tpu.memory_space<vmem>>
        %parallel_loop3A_193 = tpu.memref_squeeze %parallel_loop3A_192 : memref<1x64x512xf32, #tpu.memory_space<vmem>> -> memref<64x512xf32, #tpu.memory_space<vmem>>
        %parallel_loop3A_194 = arith.index_cast %parallel_loop3A_142 : i32 to index
        %parallel_loop3A_195 = arith.constant 48 : index
        %parallel_loop3A_196 = tpu.vector_load %parallel_loop3A_193[%parallel_loop3A_194, %parallel_loop3A_195] {strides = array<i32>} : memref<64x512xf32, #tpu.memory_space<vmem>>, vector<1x16xf32>,
        %parallel_loop3A_197 = vector.shape_cast %parallel_loop3A_196 : vector<1x16xf32> to vector<16xf32>
        %parallel_loop3A_198 = vector.shape_cast %parallel_loop3A_189 : vector<16xf32> to vector<1x16xf32>
        tpu.vector_store %parallel_loop3A_193[%parallel_loop3A_194, %parallel_loop3A_195], %parallel_loop3A_198 {strides = array<i32>} : memref<64x512xf32, #tpu.memory_space<vmem>>, vector<1x16xf32>,
        %parallel_loop3A_199 = arith.index_cast %parallel_loop3A_146 : i32 to index
        %parallel_loop3A_200 = arith.constant 64 : index
        %parallel_loop3A_201 = tpu.vector_load %arg6[%parallel_loop3A_199, %parallel_loop3A_200] {strides = array<i32>} : memref<3x512xf32, #tpu.memory_space<vmem>>, vector<1x16xf32>,
        %parallel_loop3A_202 = vector.shape_cast %parallel_loop3A_201 : vector<1x16xf32> to vector<16xf32>
        %parallel_loop3A_203 = arith.constant 0 : i32
        %parallel_loop3A_204 = arith.constant 0 : i32
        %parallel_loop3A_205 = tpu.memref_slice %arg7[%scan3A_12, %parallel_loop3A_203, %parallel_loop3A_204] : memref<2x64x512xf32, #tpu.memory_space<vmem>> -> memref<1x64x512xf32, #tpu.memory_space<vmem>>
        %parallel_loop3A_206 = tpu.memref_squeeze %parallel_loop3A_205 : memref<1x64x512xf32, #tpu.memory_space<vmem>> -> memref<64x512xf32, #tpu.memory_space<vmem>>
        %parallel_loop3A_207 = arith.index_cast %parallel_loop3A_142 : i32 to index
        %parallel_loop3A_208 = arith.constant 64 : index
        %parallel_loop3A_209 = tpu.vector_load %parallel_loop3A_206[%parallel_loop3A_207, %parallel_loop3A_208] {strides = array<i32>} : memref<64x512xf32, #tpu.memory_space<vmem>>, vector<1x16xf32>,
        %parallel_loop3A_210 = vector.shape_cast %parallel_loop3A_209 : vector<1x16xf32> to vector<16xf32>
        %parallel_loop3A_211 = vector.shape_cast %parallel_loop3A_202 : vector<16xf32> to vector<1x16xf32>
        tpu.vector_store %parallel_loop3A_206[%parallel_loop3A_207, %parallel_loop3A_208], %parallel_loop3A_211 {strides = array<i32>} : memref<64x512xf32, #tpu.memory_space<vmem>>, vector<1x16xf32>,
        %parallel_loop3A_212 = arith.index_cast %parallel_loop3A_146 : i32 to index
        %parallel_loop3A_213 = arith.constant 80 : index
        %parallel_loop3A_214 = tpu.vector_load %arg6[%parallel_loop3A_212, %parallel_loop3A_213] {strides = array<i32>} : memref<3x512xf32, #tpu.memory_space<vmem>>, vector<1x16xf32>,
        %parallel_loop3A_215 = vector.shape_cast %parallel_loop3A_214 : vector<1x16xf32> to vector<16xf32>
        %parallel_loop3A_216 = arith.constant 0 : i32
        %parallel_loop3A_217 = arith.constant 0 : i32
        %parallel_loop3A_218 = tpu.memref_slice %arg7[%scan3A_12, %parallel_loop3A_216, %parallel_loop3A_217] : memref<2x64x512xf32, #tpu.memory_space<vmem>> -> memref<1x64x512xf32, #tpu.memory_space<vmem>>
        %parallel_loop3A_219 = tpu.memref_squeeze %parallel_loop3A_218 : memref<1x64x512xf32, #tpu.memory_space<vmem>> -> memref<64x512xf32, #tpu.memory_space<vmem>>
        %parallel_loop3A_220 = arith.index_cast %parallel_loop3A_142 : i32 to index
        %parallel_loop3A_221 = arith.constant 80 : index
        %parallel_loop3A_222 = tpu.vector_load %parallel_loop3A_219[%parallel_loop3A_220, %parallel_loop3A_221] {strides = array<i32>} : memref<64x512xf32, #tpu.memory_space<vmem>>, vector<1x16xf32>,
        %parallel_loop3A_223 = vector.shape_cast %parallel_loop3A_222 : vector<1x16xf32> to vector<16xf32>
        %parallel_loop3A_224 = vector.shape_cast %parallel_loop3A_215 : vector<16xf32> to vector<1x16xf32>
        tpu.vector_store %parallel_loop3A_219[%parallel_loop3A_220, %parallel_loop3A_221], %parallel_loop3A_224 {strides = array<i32>} : memref<64x512xf32, #tpu.memory_space<vmem>>, vector<1x16xf32>,
        %parallel_loop3A_225 = arith.index_cast %parallel_loop3A_146 : i32 to index
        %parallel_loop3A_226 = arith.constant 96 : index
        %parallel_loop3A_227 = tpu.vector_load %arg6[%parallel_loop3A_225, %parallel_loop3A_226] {strides = array<i32>} : memref<3x512xf32, #tpu.memory_space<vmem>>, vector<1x16xf32>,
        %parallel_loop3A_228 = vector.shape_cast %parallel_loop3A_227 : vector<1x16xf32> to vector<16xf32>
        %parallel_loop3A_229 = arith.constant 0 : i32
        %parallel_loop3A_230 = arith.constant 0 : i32
        %parallel_loop3A_231 = tpu.memref_slice %arg7[%scan3A_12, %parallel_loop3A_229, %parallel_loop3A_230] : memref<2x64x512xf32, #tpu.memory_space<vmem>> -> memref<1x64x512xf32, #tpu.memory_space<vmem>>
        %parallel_loop3A_232 = tpu.memref_squeeze %parallel_loop3A_231 : memref<1x64x512xf32, #tpu.memory_space<vmem>> -> memref<64x512xf32, #tpu.memory_space<vmem>>
        %parallel_loop3A_233 = arith.index_cast %parallel_loop3A_142 : i32 to index
        %parallel_loop3A_234 = arith.constant 96 : index
        %parallel_loop3A_235 = tpu.vector_load %parallel_loop3A_232[%parallel_loop3A_233, %parallel_loop3A_234] {strides = array<i32>} : memref<64x512xf32, #tpu.memory_space<vmem>>, vector<1x16xf32>,
        %parallel_loop3A_236 = vector.shape_cast %parallel_loop3A_235 : vector<1x16xf32> to vector<16xf32>
        %parallel_loop3A_237 = vector.shape_cast %parallel_loop3A_228 : vector<16xf32> to vector<1x16xf32>
        tpu.vector_store %parallel_loop3A_232[%parallel_loop3A_233, %parallel_loop3A_234], %parallel_loop3A_237 {strides = array<i32>} : memref<64x512xf32, #tpu.memory_space<vmem>>, vector<1x16xf32>,
        %parallel_loop3A_238 = arith.index_cast %parallel_loop3A_146 : i32 to index
        %parallel_loop3A_239 = arith.constant 112 : index
        %parallel_loop3A_240 = tpu.vector_load %arg6[%parallel_loop3A_238, %parallel_loop3A_239] {strides = array<i32>} : memref<3x512xf32, #tpu.memory_space<vmem>>, vector<1x16xf32>,
        %parallel_loop3A_241 = vector.shape_cast %parallel_loop3A_240 : vector<1x16xf32> to vector<16xf32>
        %parallel_loop3A_242 = arith.constant 0 : i32
        %parallel_loop3A_243 = arith.constant 0 : i32
        %parallel_loop3A_244 = tpu.memref_slice %arg7[%scan3A_12, %parallel_loop3A_242, %parallel_loop3A_243] : memref<2x64x512xf32, #tpu.memory_space<vmem>> -> memref<1x64x512xf32, #tpu.memory_space<vmem>>
        %parallel_loop3A_245 = tpu.memref_squeeze %parallel_loop3A_244 : memref<1x64x512xf32, #tpu.memory_space<vmem>> -> memref<64x512xf32, #tpu.memory_space<vmem>>
        %parallel_loop3A_246 = arith.index_cast %parallel_loop3A_142 : i32 to index
        %parallel_loop3A_247 = arith.constant 112 : index
        %parallel_loop3A_248 = tpu.vector_load %parallel_loop3A_245[%parallel_loop3A_246, %parallel_loop3A_247] {strides = array<i32>} : memref<64x512xf32, #tpu.memory_space<vmem>>, vector<1x16xf32>,
        %parallel_loop3A_249 = vector.shape_cast %parallel_loop3A_248 : vector<1x16xf32> to vector<16xf32>
        %parallel_loop3A_250 = vector.shape_cast %parallel_loop3A_241 : vector<16xf32> to vector<1x16xf32>
        tpu.vector_store %parallel_loop3A_245[%parallel_loop3A_246, %parallel_loop3A_247], %parallel_loop3A_250 {strides = array<i32>} : memref<64x512xf32, #tpu.memory_space<vmem>>, vector<1x16xf32>,
        %parallel_loop3A_251 = arith.index_cast %parallel_loop3A_146 : i32 to index
        %parallel_loop3A_252 = arith.constant 128 : index
        %parallel_loop3A_253 = tpu.vector_load %arg6[%parallel_loop3A_251, %parallel_loop3A_252] {strides = array<i32>} : memref<3x512xf32, #tpu.memory_space<vmem>>, vector<1x16xf32>,
        %parallel_loop3A_254 = vector.shape_cast %parallel_loop3A_253 : vector<1x16xf32> to vector<16xf32>
        %parallel_loop3A_255 = arith.constant 0 : i32
        %parallel_loop3A_256 = arith.constant 0 : i32
        %parallel_loop3A_257 = tpu.memref_slice %arg7[%scan3A_12, %parallel_loop3A_255, %parallel_loop3A_256] : memref<2x64x512xf32, #tpu.memory_space<vmem>> -> memref<1x64x512xf32, #tpu.memory_space<vmem>>
        %parallel_loop3A_258 = tpu.memref_squeeze %parallel_loop3A_257 : memref<1x64x512xf32, #tpu.memory_space<vmem>> -> memref<64x512xf32, #tpu.memory_space<vmem>>
        %parallel_loop3A_259 = arith.index_cast %parallel_loop3A_142 : i32 to index
        %parallel_loop3A_260 = arith.constant 128 : index
        %parallel_loop3A_261 = tpu.vector_load %parallel_loop3A_258[%parallel_loop3A_259, %parallel_loop3A_260] {strides = array<i32>} : memref<64x512xf32, #tpu.memory_space<vmem>>, vector<1x16xf32>,
        %parallel_loop3A_262 = vector.shape_cast %parallel_loop3A_261 : vector<1x16xf32> to vector<16xf32>
        %parallel_loop3A_263 = vector.shape_cast %parallel_loop3A_254 : vector<16xf32> to vector<1x16xf32>
        tpu.vector_store %parallel_loop3A_258[%parallel_loop3A_259, %parallel_loop3A_260], %parallel_loop3A_263 {strides = array<i32>} : memref<64x512xf32, #tpu.memory_space<vmem>>, vector<1x16xf32>,
        %parallel_loop3A_264 = arith.index_cast %parallel_loop3A_146 : i32 to index
        %parallel_loop3A_265 = arith.constant 144 : index
        %parallel_loop3A_266 = tpu.vector_load %arg6[%parallel_loop3A_264, %parallel_loop3A_265] {strides = array<i32>} : memref<3x512xf32, #tpu.memory_space<vmem>>, vector<1x16xf32>,
        %parallel_loop3A_267 = vector.shape_cast %parallel_loop3A_266 : vector<1x16xf32> to vector<16xf32>
        %parallel_loop3A_268 = arith.constant 0 : i32
        %parallel_loop3A_269 = arith.constant 0 : i32
        %parallel_loop3A_270 = tpu.memref_slice %arg7[%scan3A_12, %parallel_loop3A_268, %parallel_loop3A_269] : memref<2x64x512xf32, #tpu.memory_space<vmem>> -> memref<1x64x512xf32, #tpu.memory_space<vmem>>
        %parallel_loop3A_271 = tpu.memref_squeeze %parallel_loop3A_270 : memref<1x64x512xf32, #tpu.memory_space<vmem>> -> memref<64x512xf32, #tpu.memory_space<vmem>>
        %parallel_loop3A_272 = arith.index_cast %parallel_loop3A_142 : i32 to index
        %parallel_loop3A_273 = arith.constant 144 : index
        %parallel_loop3A_274 = tpu.vector_load %parallel_loop3A_271[%parallel_loop3A_272, %parallel_loop3A_273] {strides = array<i32>} : memref<64x512xf32, #tpu.memory_space<vmem>>, vector<1x16xf32>,
        %parallel_loop3A_275 = vector.shape_cast %parallel_loop3A_274 : vector<1x16xf32> to vector<16xf32>
        %parallel_loop3A_276 = vector.shape_cast %parallel_loop3A_267 : vector<16xf32> to vector<1x16xf32>
        tpu.vector_store %parallel_loop3A_271[%parallel_loop3A_272, %parallel_loop3A_273], %parallel_loop3A_276 {strides = array<i32>} : memref<64x512xf32, #tpu.memory_space<vmem>>, vector<1x16xf32>,
        %parallel_loop3A_277 = arith.index_cast %parallel_loop3A_146 : i32 to index
        %parallel_loop3A_278 = arith.constant 160 : index
        %parallel_loop3A_279 = tpu.vector_load %arg6[%parallel_loop3A_277, %parallel_loop3A_278] {strides = array<i32>} : memref<3x512xf32, #tpu.memory_space<vmem>>, vector<1x16xf32>,
        %parallel_loop3A_280 = vector.shape_cast %parallel_loop3A_279 : vector<1x16xf32> to vector<16xf32>
        %parallel_loop3A_281 = arith.constant 0 : i32
        %parallel_loop3A_282 = arith.constant 0 : i32
        %parallel_loop3A_283 = tpu.memref_slice %arg7[%scan3A_12, %parallel_loop3A_281, %parallel_loop3A_282] : memref<2x64x512xf32, #tpu.memory_space<vmem>> -> memref<1x64x512xf32, #tpu.memory_space<vmem>>
        %parallel_loop3A_284 = tpu.memref_squeeze %parallel_loop3A_283 : memref<1x64x512xf32, #tpu.memory_space<vmem>> -> memref<64x512xf32, #tpu.memory_space<vmem>>
        %parallel_loop3A_285 = arith.index_cast %parallel_loop3A_142 : i32 to index
        %parallel_loop3A_286 = arith.constant 160 : index
        %parallel_loop3A_287 = tpu.vector_load %parallel_loop3A_284[%parallel_loop3A_285, %parallel_loop3A_286] {strides = array<i32>} : memref<64x512xf32, #tpu.memory_space<vmem>>, vector<1x16xf32>,
        %parallel_loop3A_288 = vector.shape_cast %parallel_loop3A_287 : vector<1x16xf32> to vector<16xf32>
        %parallel_loop3A_289 = vector.shape_cast %parallel_loop3A_280 : vector<16xf32> to vector<1x16xf32>
        tpu.vector_store %parallel_loop3A_284[%parallel_loop3A_285, %parallel_loop3A_286], %parallel_loop3A_289 {strides = array<i32>} : memref<64x512xf32, #tpu.memory_space<vmem>>, vector<1x16xf32>,
        %parallel_loop3A_290 = arith.index_cast %parallel_loop3A_146 : i32 to index
        %parallel_loop3A_291 = arith.constant 176 : index
        %parallel_loop3A_292 = tpu.vector_load %arg6[%parallel_loop3A_290, %parallel_loop3A_291] {strides = array<i32>} : memref<3x512xf32, #tpu.memory_space<vmem>>, vector<1x16xf32>,
        %parallel_loop3A_293 = vector.shape_cast %parallel_loop3A_292 : vector<1x16xf32> to vector<16xf32>
        %parallel_loop3A_294 = arith.constant 0 : i32
        %parallel_loop3A_295 = arith.constant 0 : i32
        %parallel_loop3A_296 = tpu.memref_slice %arg7[%scan3A_12, %parallel_loop3A_294, %parallel_loop3A_295] : memref<2x64x512xf32, #tpu.memory_space<vmem>> -> memref<1x64x512xf32, #tpu.memory_space<vmem>>
        %parallel_loop3A_297 = tpu.memref_squeeze %parallel_loop3A_296 : memref<1x64x512xf32, #tpu.memory_space<vmem>> -> memref<64x512xf32, #tpu.memory_space<vmem>>
        %parallel_loop3A_298 = arith.index_cast %parallel_loop3A_142 : i32 to index
        %parallel_loop3A_299 = arith.constant 176 : index
        %parallel_loop3A_300 = tpu.vector_load %parallel_loop3A_297[%parallel_loop3A_298, %parallel_loop3A_299] {strides = array<i32>} : memref<64x512xf32, #tpu.memory_space<vmem>>, vector<1x16xf32>,
        %parallel_loop3A_301 = vector.shape_cast %parallel_loop3A_300 : vector<1x16xf32> to vector<16xf32>
        %parallel_loop3A_302 = vector.shape_cast %parallel_loop3A_293 : vector<16xf32> to vector<1x16xf32>
        tpu.vector_store %parallel_loop3A_297[%parallel_loop3A_298, %parallel_loop3A_299], %parallel_loop3A_302 {strides = array<i32>} : memref<64x512xf32, #tpu.memory_space<vmem>>, vector<1x16xf32>,
        %parallel_loop3A_303 = arith.index_cast %parallel_loop3A_146 : i32 to index
        %parallel_loop3A_304 = arith.constant 192 : index
        %parallel_loop3A_305 = tpu.vector_load %arg6[%parallel_loop3A_303, %parallel_loop3A_304] {strides = array<i32>} : memref<3x512xf32, #tpu.memory_space<vmem>>, vector<1x16xf32>,
        %parallel_loop3A_306 = vector.shape_cast %parallel_loop3A_305 : vector<1x16xf32> to vector<16xf32>
        %parallel_loop3A_307 = arith.constant 0 : i32
        %parallel_loop3A_308 = arith.constant 0 : i32
        %parallel_loop3A_309 = tpu.memref_slice %arg7[%scan3A_12, %parallel_loop3A_307, %parallel_loop3A_308] : memref<2x64x512xf32, #tpu.memory_space<vmem>> -> memref<1x64x512xf32, #tpu.memory_space<vmem>>
        %parallel_loop3A_310 = tpu.memref_squeeze %parallel_loop3A_309 : memref<1x64x512xf32, #tpu.memory_space<vmem>> -> memref<64x512xf32, #tpu.memory_space<vmem>>
        %parallel_loop3A_311 = arith.index_cast %parallel_loop3A_142 : i32 to index
        %parallel_loop3A_312 = arith.constant 192 : index
        %parallel_loop3A_313 = tpu.vector_load %parallel_loop3A_310[%parallel_loop3A_311, %parallel_loop3A_312] {strides = array<i32>} : memref<64x512xf32, #tpu.memory_space<vmem>>, vector<1x16xf32>,
        %parallel_loop3A_314 = vector.shape_cast %parallel_loop3A_313 : vector<1x16xf32> to vector<16xf32>
        %parallel_loop3A_315 = vector.shape_cast %parallel_loop3A_306 : vector<16xf32> to vector<1x16xf32>
        tpu.vector_store %parallel_loop3A_310[%parallel_loop3A_311, %parallel_loop3A_312], %parallel_loop3A_315 {strides = array<i32>} : memref<64x512xf32, #tpu.memory_space<vmem>>, vector<1x16xf32>,
        %parallel_loop3A_316 = arith.index_cast %parallel_loop3A_146 : i32 to index
        %parallel_loop3A_317 = arith.constant 208 : index
        %parallel_loop3A_318 = tpu.vector_load %arg6[%parallel_loop3A_316, %parallel_loop3A_317] {strides = array<i32>} : memref<3x512xf32, #tpu.memory_space<vmem>>, vector<1x16xf32>,
        %parallel_loop3A_319 = vector.shape_cast %parallel_loop3A_318 : vector<1x16xf32> to vector<16xf32>
        %parallel_loop3A_320 = arith.constant 0 : i32
        %parallel_loop3A_321 = arith.constant 0 : i32
        %parallel_loop3A_322 = tpu.memref_slice %arg7[%scan3A_12, %parallel_loop3A_320, %parallel_loop3A_321] : memref<2x64x512xf32, #tpu.memory_space<vmem>> -> memref<1x64x512xf32, #tpu.memory_space<vmem>>
        %parallel_loop3A_323 = tpu.memref_squeeze %parallel_loop3A_322 : memref<1x64x512xf32, #tpu.memory_space<vmem>> -> memref<64x512xf32, #tpu.memory_space<vmem>>
        %parallel_loop3A_324 = arith.index_cast %parallel_loop3A_142 : i32 to index
        %parallel_loop3A_325 = arith.constant 208 : index
        %parallel_loop3A_326 = tpu.vector_load %parallel_loop3A_323[%parallel_loop3A_324, %parallel_loop3A_325] {strides = array<i32>} : memref<64x512xf32, #tpu.memory_space<vmem>>, vector<1x16xf32>,
        %parallel_loop3A_327 = vector.shape_cast %parallel_loop3A_326 : vector<1x16xf32> to vector<16xf32>
        %parallel_loop3A_328 = vector.shape_cast %parallel_loop3A_319 : vector<16xf32> to vector<1x16xf32>
        tpu.vector_store %parallel_loop3A_323[%parallel_loop3A_324, %parallel_loop3A_325], %parallel_loop3A_328 {strides = array<i32>} : memref<64x512xf32, #tpu.memory_space<vmem>>, vector<1x16xf32>,
        %parallel_loop3A_329 = arith.index_cast %parallel_loop3A_146 : i32 to index
        %parallel_loop3A_330 = arith.constant 224 : index
        %parallel_loop3A_331 = tpu.vector_load %arg6[%parallel_loop3A_329, %parallel_loop3A_330] {strides = array<i32>} : memref<3x512xf32, #tpu.memory_space<vmem>>, vector<1x16xf32>,
        %parallel_loop3A_332 = vector.shape_cast %parallel_loop3A_331 : vector<1x16xf32> to vector<16xf32>
        %parallel_loop3A_333 = arith.constant 0 : i32
        %parallel_loop3A_334 = arith.constant 0 : i32
        %parallel_loop3A_335 = tpu.memref_slice %arg7[%scan3A_12, %parallel_loop3A_333, %parallel_loop3A_334] : memref<2x64x512xf32, #tpu.memory_space<vmem>> -> memref<1x64x512xf32, #tpu.memory_space<vmem>>
        %parallel_loop3A_336 = tpu.memref_squeeze %parallel_loop3A_335 : memref<1x64x512xf32, #tpu.memory_space<vmem>> -> memref<64x512xf32, #tpu.memory_space<vmem>>
        %parallel_loop3A_337 = arith.index_cast %parallel_loop3A_142 : i32 to index
        %parallel_loop3A_338 = arith.constant 224 : index
        %parallel_loop3A_339 = tpu.vector_load %parallel_loop3A_336[%parallel_loop3A_337, %parallel_loop3A_338] {strides = array<i32>} : memref<64x512xf32, #tpu.memory_space<vmem>>, vector<1x16xf32>,
        %parallel_loop3A_340 = vector.shape_cast %parallel_loop3A_339 : vector<1x16xf32> to vector<16xf32>
        %parallel_loop3A_341 = vector.shape_cast %parallel_loop3A_332 : vector<16xf32> to vector<1x16xf32>
        tpu.vector_store %parallel_loop3A_336[%parallel_loop3A_337, %parallel_loop3A_338], %parallel_loop3A_341 {strides = array<i32>} : memref<64x512xf32, #tpu.memory_space<vmem>>, vector<1x16xf32>,
        %parallel_loop3A_342 = arith.index_cast %parallel_loop3A_146 : i32 to index
        %parallel_loop3A_343 = arith.constant 240 : index
        %parallel_loop3A_344 = tpu.vector_load %arg6[%parallel_loop3A_342, %parallel_loop3A_343] {strides = array<i32>} : memref<3x512xf32, #tpu.memory_space<vmem>>, vector<1x16xf32>,
        %parallel_loop3A_345 = vector.shape_cast %parallel_loop3A_344 : vector<1x16xf32> to vector<16xf32>
        %parallel_loop3A_346 = arith.constant 0 : i32
        %parallel_loop3A_347 = arith.constant 0 : i32
        %parallel_loop3A_348 = tpu.memref_slice %arg7[%scan3A_12, %parallel_loop3A_346, %parallel_loop3A_347] : memref<2x64x512xf32, #tpu.memory_space<vmem>> -> memref<1x64x512xf32, #tpu.memory_space<vmem>>
        %parallel_loop3A_349 = tpu.memref_squeeze %parallel_loop3A_348 : memref<1x64x512xf32, #tpu.memory_space<vmem>> -> memref<64x512xf32, #tpu.memory_space<vmem>>
        %parallel_loop3A_350 = arith.index_cast %parallel_loop3A_142 : i32 to index
        %parallel_loop3A_351 = arith.constant 240 : index
        %parallel_loop3A_352 = tpu.vector_load %parallel_loop3A_349[%parallel_loop3A_350, %parallel_loop3A_351] {strides = array<i32>} : memref<64x512xf32, #tpu.memory_space<vmem>>, vector<1x16xf32>,
        %parallel_loop3A_353 = vector.shape_cast %parallel_loop3A_352 : vector<1x16xf32> to vector<16xf32>
        %parallel_loop3A_354 = vector.shape_cast %parallel_loop3A_345 : vector<16xf32> to vector<1x16xf32>
        tpu.vector_store %parallel_loop3A_349[%parallel_loop3A_350, %parallel_loop3A_351], %parallel_loop3A_354 {strides = array<i32>} : memref<64x512xf32, #tpu.memory_space<vmem>>, vector<1x16xf32>,
        %parallel_loop3A_355 = arith.index_cast %parallel_loop3A_146 : i32 to index
        %parallel_loop3A_356 = arith.constant 256 : index
        %parallel_loop3A_357 = tpu.vector_load %arg6[%parallel_loop3A_355, %parallel_loop3A_356] {strides = array<i32>} : memref<3x512xf32, #tpu.memory_space<vmem>>, vector<1x16xf32>,
        %parallel_loop3A_358 = vector.shape_cast %parallel_loop3A_357 : vector<1x16xf32> to vector<16xf32>
        %parallel_loop3A_359 = arith.constant 0 : i32
        %parallel_loop3A_360 = arith.constant 0 : i32
        %parallel_loop3A_361 = tpu.memref_slice %arg7[%scan3A_12, %parallel_loop3A_359, %parallel_loop3A_360] : memref<2x64x512xf32, #tpu.memory_space<vmem>> -> memref<1x64x512xf32, #tpu.memory_space<vmem>>
        %parallel_loop3A_362 = tpu.memref_squeeze %parallel_loop3A_361 : memref<1x64x512xf32, #tpu.memory_space<vmem>> -> memref<64x512xf32, #tpu.memory_space<vmem>>
        %parallel_loop3A_363 = arith.index_cast %parallel_loop3A_142 : i32 to index
        %parallel_loop3A_364 = arith.constant 256 : index
        %parallel_loop3A_365 = tpu.vector_load %parallel_loop3A_362[%parallel_loop3A_363, %parallel_loop3A_364] {strides = array<i32>} : memref<64x512xf32, #tpu.memory_space<vmem>>, vector<1x16xf32>,
        %parallel_loop3A_366 = vector.shape_cast %parallel_loop3A_365 : vector<1x16xf32> to vector<16xf32>
        %parallel_loop3A_367 = vector.shape_cast %parallel_loop3A_358 : vector<16xf32> to vector<1x16xf32>
        tpu.vector_store %parallel_loop3A_362[%parallel_loop3A_363, %parallel_loop3A_364], %parallel_loop3A_367 {strides = array<i32>} : memref<64x512xf32, #tpu.memory_space<vmem>>, vector<1x16xf32>,
        %parallel_loop3A_368 = arith.index_cast %parallel_loop3A_146 : i32 to index
        %parallel_loop3A_369 = arith.constant 272 : index
        %parallel_loop3A_370 = tpu.vector_load %arg6[%parallel_loop3A_368, %parallel_loop3A_369] {strides = array<i32>} : memref<3x512xf32, #tpu.memory_space<vmem>>, vector<1x16xf32>,
        %parallel_loop3A_371 = vector.shape_cast %parallel_loop3A_370 : vector<1x16xf32> to vector<16xf32>
        %parallel_loop3A_372 = arith.constant 0 : i32
        %parallel_loop3A_373 = arith.constant 0 : i32
        %parallel_loop3A_374 = tpu.memref_slice %arg7[%scan3A_12, %parallel_loop3A_372, %parallel_loop3A_373] : memref<2x64x512xf32, #tpu.memory_space<vmem>> -> memref<1x64x512xf32, #tpu.memory_space<vmem>>
        %parallel_loop3A_375 = tpu.memref_squeeze %parallel_loop3A_374 : memref<1x64x512xf32, #tpu.memory_space<vmem>> -> memref<64x512xf32, #tpu.memory_space<vmem>>
        %parallel_loop3A_376 = arith.index_cast %parallel_loop3A_142 : i32 to index
        %parallel_loop3A_377 = arith.constant 272 : index
        %parallel_loop3A_378 = tpu.vector_load %parallel_loop3A_375[%parallel_loop3A_376, %parallel_loop3A_377] {strides = array<i32>} : memref<64x512xf32, #tpu.memory_space<vmem>>, vector<1x16xf32>,
        %parallel_loop3A_379 = vector.shape_cast %parallel_loop3A_378 : vector<1x16xf32> to vector<16xf32>
        %parallel_loop3A_380 = vector.shape_cast %parallel_loop3A_371 : vector<16xf32> to vector<1x16xf32>
        tpu.vector_store %parallel_loop3A_375[%parallel_loop3A_376, %parallel_loop3A_377], %parallel_loop3A_380 {strides = array<i32>} : memref<64x512xf32, #tpu.memory_space<vmem>>, vector<1x16xf32>,
        %parallel_loop3A_381 = arith.index_cast %parallel_loop3A_146 : i32 to index
        %parallel_loop3A_382 = arith.constant 288 : index
        %parallel_loop3A_383 = tpu.vector_load %arg6[%parallel_loop3A_381, %parallel_loop3A_382] {strides = array<i32>} : memref<3x512xf32, #tpu.memory_space<vmem>>, vector<1x16xf32>,
        %parallel_loop3A_384 = vector.shape_cast %parallel_loop3A_383 : vector<1x16xf32> to vector<16xf32>
        %parallel_loop3A_385 = arith.constant 0 : i32
        %parallel_loop3A_386 = arith.constant 0 : i32
        %parallel_loop3A_387 = tpu.memref_slice %arg7[%scan3A_12, %parallel_loop3A_385, %parallel_loop3A_386] : memref<2x64x512xf32, #tpu.memory_space<vmem>> -> memref<1x64x512xf32, #tpu.memory_space<vmem>>
        %parallel_loop3A_388 = tpu.memref_squeeze %parallel_loop3A_387 : memref<1x64x512xf32, #tpu.memory_space<vmem>> -> memref<64x512xf32, #tpu.memory_space<vmem>>
        %parallel_loop3A_389 = arith.index_cast %parallel_loop3A_142 : i32 to index
        %parallel_loop3A_390 = arith.constant 288 : index
        %parallel_loop3A_391 = tpu.vector_load %parallel_loop3A_388[%parallel_loop3A_389, %parallel_loop3A_390] {strides = array<i32>} : memref<64x512xf32, #tpu.memory_space<vmem>>, vector<1x16xf32>,
        %parallel_loop3A_392 = vector.shape_cast %parallel_loop3A_391 : vector<1x16xf32> to vector<16xf32>
        %parallel_loop3A_393 = vector.shape_cast %parallel_loop3A_384 : vector<16xf32> to vector<1x16xf32>
        tpu.vector_store %parallel_loop3A_388[%parallel_loop3A_389, %parallel_loop3A_390], %parallel_loop3A_393 {strides = array<i32>} : memref<64x512xf32, #tpu.memory_space<vmem>>, vector<1x16xf32>,
        %parallel_loop3A_394 = arith.index_cast %parallel_loop3A_146 : i32 to index
        %parallel_loop3A_395 = arith.constant 304 : index
        %parallel_loop3A_396 = tpu.vector_load %arg6[%parallel_loop3A_394, %parallel_loop3A_395] {strides = array<i32>} : memref<3x512xf32, #tpu.memory_space<vmem>>, vector<1x16xf32>,
        %parallel_loop3A_397 = vector.shape_cast %parallel_loop3A_396 : vector<1x16xf32> to vector<16xf32>
        %parallel_loop3A_398 = arith.constant 0 : i32
        %parallel_loop3A_399 = arith.constant 0 : i32
        %parallel_loop3A_400 = tpu.memref_slice %arg7[%scan3A_12, %parallel_loop3A_398, %parallel_loop3A_399] : memref<2x64x512xf32, #tpu.memory_space<vmem>> -> memref<1x64x512xf32, #tpu.memory_space<vmem>>
        %parallel_loop3A_401 = tpu.memref_squeeze %parallel_loop3A_400 : memref<1x64x512xf32, #tpu.memory_space<vmem>> -> memref<64x512xf32, #tpu.memory_space<vmem>>
        %parallel_loop3A_402 = arith.index_cast %parallel_loop3A_142 : i32 to index
        %parallel_loop3A_403 = arith.constant 304 : index
        %parallel_loop3A_404 = tpu.vector_load %parallel_loop3A_401[%parallel_loop3A_402, %parallel_loop3A_403] {strides = array<i32>} : memref<64x512xf32, #tpu.memory_space<vmem>>, vector<1x16xf32>,
        %parallel_loop3A_405 = vector.shape_cast %parallel_loop3A_404 : vector<1x16xf32> to vector<16xf32>
        %parallel_loop3A_406 = vector.shape_cast %parallel_loop3A_397 : vector<16xf32> to vector<1x16xf32>
        tpu.vector_store %parallel_loop3A_401[%parallel_loop3A_402, %parallel_loop3A_403], %parallel_loop3A_406 {strides = array<i32>} : memref<64x512xf32, #tpu.memory_space<vmem>>, vector<1x16xf32>,
        %parallel_loop3A_407 = arith.index_cast %parallel_loop3A_146 : i32 to index
        %parallel_loop3A_408 = arith.constant 320 : index
        %parallel_loop3A_409 = tpu.vector_load %arg6[%parallel_loop3A_407, %parallel_loop3A_408] {strides = array<i32>} : memref<3x512xf32, #tpu.memory_space<vmem>>, vector<1x16xf32>,
        %parallel_loop3A_410 = vector.shape_cast %parallel_loop3A_409 : vector<1x16xf32> to vector<16xf32>
        %parallel_loop3A_411 = arith.constant 0 : i32
        %parallel_loop3A_412 = arith.constant 0 : i32
        %parallel_loop3A_413 = tpu.memref_slice %arg7[%scan3A_12, %parallel_loop3A_411, %parallel_loop3A_412] : memref<2x64x512xf32, #tpu.memory_space<vmem>> -> memref<1x64x512xf32, #tpu.memory_space<vmem>>
        %parallel_loop3A_414 = tpu.memref_squeeze %parallel_loop3A_413 : memref<1x64x512xf32, #tpu.memory_space<vmem>> -> memref<64x512xf32, #tpu.memory_space<vmem>>
        %parallel_loop3A_415 = arith.index_cast %parallel_loop3A_142 : i32 to index
        %parallel_loop3A_416 = arith.constant 320 : index
        %parallel_loop3A_417 = tpu.vector_load %parallel_loop3A_414[%parallel_loop3A_415, %parallel_loop3A_416] {strides = array<i32>} : memref<64x512xf32, #tpu.memory_space<vmem>>, vector<1x16xf32>,
        %parallel_loop3A_418 = vector.shape_cast %parallel_loop3A_417 : vector<1x16xf32> to vector<16xf32>
        %parallel_loop3A_419 = vector.shape_cast %parallel_loop3A_410 : vector<16xf32> to vector<1x16xf32>
        tpu.vector_store %parallel_loop3A_414[%parallel_loop3A_415, %parallel_loop3A_416], %parallel_loop3A_419 {strides = array<i32>} : memref<64x512xf32, #tpu.memory_space<vmem>>, vector<1x16xf32>,
        %parallel_loop3A_420 = arith.index_cast %parallel_loop3A_146 : i32 to index
        %parallel_loop3A_421 = arith.constant 336 : index
        %parallel_loop3A_422 = tpu.vector_load %arg6[%parallel_loop3A_420, %parallel_loop3A_421] {strides = array<i32>} : memref<3x512xf32, #tpu.memory_space<vmem>>, vector<1x16xf32>,
        %parallel_loop3A_423 = vector.shape_cast %parallel_loop3A_422 : vector<1x16xf32> to vector<16xf32>
        %parallel_loop3A_424 = arith.constant 0 : i32
        %parallel_loop3A_425 = arith.constant 0 : i32
        %parallel_loop3A_426 = tpu.memref_slice %arg7[%scan3A_12, %parallel_loop3A_424, %parallel_loop3A_425] : memref<2x64x512xf32, #tpu.memory_space<vmem>> -> memref<1x64x512xf32, #tpu.memory_space<vmem>>
        %parallel_loop3A_427 = tpu.memref_squeeze %parallel_loop3A_426 : memref<1x64x512xf32, #tpu.memory_space<vmem>> -> memref<64x512xf32, #tpu.memory_space<vmem>>
        %parallel_loop3A_428 = arith.index_cast %parallel_loop3A_142 : i32 to index
        %parallel_loop3A_429 = arith.constant 336 : index
        %parallel_loop3A_430 = tpu.vector_load %parallel_loop3A_427[%parallel_loop3A_428, %parallel_loop3A_429] {strides = array<i32>} : memref<64x512xf32, #tpu.memory_space<vmem>>, vector<1x16xf32>,
        %parallel_loop3A_431 = vector.shape_cast %parallel_loop3A_430 : vector<1x16xf32> to vector<16xf32>
        %parallel_loop3A_432 = vector.shape_cast %parallel_loop3A_423 : vector<16xf32> to vector<1x16xf32>
        tpu.vector_store %parallel_loop3A_427[%parallel_loop3A_428, %parallel_loop3A_429], %parallel_loop3A_432 {strides = array<i32>} : memref<64x512xf32, #tpu.memory_space<vmem>>, vector<1x16xf32>,
        %parallel_loop3A_433 = arith.index_cast %parallel_loop3A_146 : i32 to index
        %parallel_loop3A_434 = arith.constant 352 : index
        %parallel_loop3A_435 = tpu.vector_load %arg6[%parallel_loop3A_433, %parallel_loop3A_434] {strides = array<i32>} : memref<3x512xf32, #tpu.memory_space<vmem>>, vector<1x16xf32>,
        %parallel_loop3A_436 = vector.shape_cast %parallel_loop3A_435 : vector<1x16xf32> to vector<16xf32>
        %parallel_loop3A_437 = arith.constant 0 : i32
        %parallel_loop3A_438 = arith.constant 0 : i32
        %parallel_loop3A_439 = tpu.memref_slice %arg7[%scan3A_12, %parallel_loop3A_437, %parallel_loop3A_438] : memref<2x64x512xf32, #tpu.memory_space<vmem>> -> memref<1x64x512xf32, #tpu.memory_space<vmem>>
        %parallel_loop3A_440 = tpu.memref_squeeze %parallel_loop3A_439 : memref<1x64x512xf32, #tpu.memory_space<vmem>> -> memref<64x512xf32, #tpu.memory_space<vmem>>
        %parallel_loop3A_441 = arith.index_cast %parallel_loop3A_142 : i32 to index
        %parallel_loop3A_442 = arith.constant 352 : index
        %parallel_loop3A_443 = tpu.vector_load %parallel_loop3A_440[%parallel_loop3A_441, %parallel_loop3A_442] {strides = array<i32>} : memref<64x512xf32, #tpu.memory_space<vmem>>, vector<1x16xf32>,
        %parallel_loop3A_444 = vector.shape_cast %parallel_loop3A_443 : vector<1x16xf32> to vector<16xf32>
        %parallel_loop3A_445 = vector.shape_cast %parallel_loop3A_436 : vector<16xf32> to vector<1x16xf32>
        tpu.vector_store %parallel_loop3A_440[%parallel_loop3A_441, %parallel_loop3A_442], %parallel_loop3A_445 {strides = array<i32>} : memref<64x512xf32, #tpu.memory_space<vmem>>, vector<1x16xf32>,
        %parallel_loop3A_446 = arith.index_cast %parallel_loop3A_146 : i32 to index
        %parallel_loop3A_447 = arith.constant 368 : index
        %parallel_loop3A_448 = tpu.vector_load %arg6[%parallel_loop3A_446, %parallel_loop3A_447] {strides = array<i32>} : memref<3x512xf32, #tpu.memory_space<vmem>>, vector<1x16xf32>,
        %parallel_loop3A_449 = vector.shape_cast %parallel_loop3A_448 : vector<1x16xf32> to vector<16xf32>
        %parallel_loop3A_450 = arith.constant 0 : i32
        %parallel_loop3A_451 = arith.constant 0 : i32
        %parallel_loop3A_452 = tpu.memref_slice %arg7[%scan3A_12, %parallel_loop3A_450, %parallel_loop3A_451] : memref<2x64x512xf32, #tpu.memory_space<vmem>> -> memref<1x64x512xf32, #tpu.memory_space<vmem>>
        %parallel_loop3A_453 = tpu.memref_squeeze %parallel_loop3A_452 : memref<1x64x512xf32, #tpu.memory_space<vmem>> -> memref<64x512xf32, #tpu.memory_space<vmem>>
        %parallel_loop3A_454 = arith.index_cast %parallel_loop3A_142 : i32 to index
        %parallel_loop3A_455 = arith.constant 368 : index
        %parallel_loop3A_456 = tpu.vector_load %parallel_loop3A_453[%parallel_loop3A_454, %parallel_loop3A_455] {strides = array<i32>} : memref<64x512xf32, #tpu.memory_space<vmem>>, vector<1x16xf32>,
        %parallel_loop3A_457 = vector.shape_cast %parallel_loop3A_456 : vector<1x16xf32> to vector<16xf32>
        %parallel_loop3A_458 = vector.shape_cast %parallel_loop3A_449 : vector<16xf32> to vector<1x16xf32>
        tpu.vector_store %parallel_loop3A_453[%parallel_loop3A_454, %parallel_loop3A_455], %parallel_loop3A_458 {strides = array<i32>} : memref<64x512xf32, #tpu.memory_space<vmem>>, vector<1x16xf32>,
        %parallel_loop3A_459 = arith.index_cast %parallel_loop3A_146 : i32 to index
        %parallel_loop3A_460 = arith.constant 384 : index
        %parallel_loop3A_461 = tpu.vector_load %arg6[%parallel_loop3A_459, %parallel_loop3A_460] {strides = array<i32>} : memref<3x512xf32, #tpu.memory_space<vmem>>, vector<1x16xf32>,
        %parallel_loop3A_462 = vector.shape_cast %parallel_loop3A_461 : vector<1x16xf32> to vector<16xf32>
        %parallel_loop3A_463 = arith.constant 0 : i32
        %parallel_loop3A_464 = arith.constant 0 : i32
        %parallel_loop3A_465 = tpu.memref_slice %arg7[%scan3A_12, %parallel_loop3A_463, %parallel_loop3A_464] : memref<2x64x512xf32, #tpu.memory_space<vmem>> -> memref<1x64x512xf32, #tpu.memory_space<vmem>>
        %parallel_loop3A_466 = tpu.memref_squeeze %parallel_loop3A_465 : memref<1x64x512xf32, #tpu.memory_space<vmem>> -> memref<64x512xf32, #tpu.memory_space<vmem>>
        %parallel_loop3A_467 = arith.index_cast %parallel_loop3A_142 : i32 to index
        %parallel_loop3A_468 = arith.constant 384 : index
        %parallel_loop3A_469 = tpu.vector_load %parallel_loop3A_466[%parallel_loop3A_467, %parallel_loop3A_468] {strides = array<i32>} : memref<64x512xf32, #tpu.memory_space<vmem>>, vector<1x16xf32>,
        %parallel_loop3A_470 = vector.shape_cast %parallel_loop3A_469 : vector<1x16xf32> to vector<16xf32>
        %parallel_loop3A_471 = vector.shape_cast %parallel_loop3A_462 : vector<16xf32> to vector<1x16xf32>
        tpu.vector_store %parallel_loop3A_466[%parallel_loop3A_467, %parallel_loop3A_468], %parallel_loop3A_471 {strides = array<i32>} : memref<64x512xf32, #tpu.memory_space<vmem>>, vector<1x16xf32>,
        %parallel_loop3A_472 = arith.index_cast %parallel_loop3A_146 : i32 to index
        %parallel_loop3A_473 = arith.constant 400 : index
        %parallel_loop3A_474 = tpu.vector_load %arg6[%parallel_loop3A_472, %parallel_loop3A_473] {strides = array<i32>} : memref<3x512xf32, #tpu.memory_space<vmem>>, vector<1x16xf32>,
        %parallel_loop3A_475 = vector.shape_cast %parallel_loop3A_474 : vector<1x16xf32> to vector<16xf32>
        %parallel_loop3A_476 = arith.constant 0 : i32
        %parallel_loop3A_477 = arith.constant 0 : i32
        %parallel_loop3A_478 = tpu.memref_slice %arg7[%scan3A_12, %parallel_loop3A_476, %parallel_loop3A_477] : memref<2x64x512xf32, #tpu.memory_space<vmem>> -> memref<1x64x512xf32, #tpu.memory_space<vmem>>
        %parallel_loop3A_479 = tpu.memref_squeeze %parallel_loop3A_478 : memref<1x64x512xf32, #tpu.memory_space<vmem>> -> memref<64x512xf32, #tpu.memory_space<vmem>>
        %parallel_loop3A_480 = arith.index_cast %parallel_loop3A_142 : i32 to index
        %parallel_loop3A_481 = arith.constant 400 : index
        %parallel_loop3A_482 = tpu.vector_load %parallel_loop3A_479[%parallel_loop3A_480, %parallel_loop3A_481] {strides = array<i32>} : memref<64x512xf32, #tpu.memory_space<vmem>>, vector<1x16xf32>,
        %parallel_loop3A_483 = vector.shape_cast %parallel_loop3A_482 : vector<1x16xf32> to vector<16xf32>
        %parallel_loop3A_484 = vector.shape_cast %parallel_loop3A_475 : vector<16xf32> to vector<1x16xf32>
        tpu.vector_store %parallel_loop3A_479[%parallel_loop3A_480, %parallel_loop3A_481], %parallel_loop3A_484 {strides = array<i32>} : memref<64x512xf32, #tpu.memory_space<vmem>>, vector<1x16xf32>,
        %parallel_loop3A_485 = arith.index_cast %parallel_loop3A_146 : i32 to index
        %parallel_loop3A_486 = arith.constant 416 : index
        %parallel_loop3A_487 = tpu.vector_load %arg6[%parallel_loop3A_485, %parallel_loop3A_486] {strides = array<i32>} : memref<3x512xf32, #tpu.memory_space<vmem>>, vector<1x16xf32>,
        %parallel_loop3A_488 = vector.shape_cast %parallel_loop3A_487 : vector<1x16xf32> to vector<16xf32>
        %parallel_loop3A_489 = arith.constant 0 : i32
        %parallel_loop3A_490 = arith.constant 0 : i32
        %parallel_loop3A_491 = tpu.memref_slice %arg7[%scan3A_12, %parallel_loop3A_489, %parallel_loop3A_490] : memref<2x64x512xf32, #tpu.memory_space<vmem>> -> memref<1x64x512xf32, #tpu.memory_space<vmem>>
        %parallel_loop3A_492 = tpu.memref_squeeze %parallel_loop3A_491 : memref<1x64x512xf32, #tpu.memory_space<vmem>> -> memref<64x512xf32, #tpu.memory_space<vmem>>
        %parallel_loop3A_493 = arith.index_cast %parallel_loop3A_142 : i32 to index
        %parallel_loop3A_494 = arith.constant 416 : index
        %parallel_loop3A_495 = tpu.vector_load %parallel_loop3A_492[%parallel_loop3A_493, %parallel_loop3A_494] {strides = array<i32>} : memref<64x512xf32, #tpu.memory_space<vmem>>, vector<1x16xf32>,
        %parallel_loop3A_496 = vector.shape_cast %parallel_loop3A_495 : vector<1x16xf32> to vector<16xf32>
        %parallel_loop3A_497 = vector.shape_cast %parallel_loop3A_488 : vector<16xf32> to vector<1x16xf32>
        tpu.vector_store %parallel_loop3A_492[%parallel_loop3A_493, %parallel_loop3A_494], %parallel_loop3A_497 {strides = array<i32>} : memref<64x512xf32, #tpu.memory_space<vmem>>, vector<1x16xf32>,
        %parallel_loop3A_498 = arith.index_cast %parallel_loop3A_146 : i32 to index
        %parallel_loop3A_499 = arith.constant 432 : index
        %parallel_loop3A_500 = tpu.vector_load %arg6[%parallel_loop3A_498, %parallel_loop3A_499] {strides = array<i32>} : memref<3x512xf32, #tpu.memory_space<vmem>>, vector<1x16xf32>,
        %parallel_loop3A_501 = vector.shape_cast %parallel_loop3A_500 : vector<1x16xf32> to vector<16xf32>
        %parallel_loop3A_502 = arith.constant 0 : i32
        %parallel_loop3A_503 = arith.constant 0 : i32
        %parallel_loop3A_504 = tpu.memref_slice %arg7[%scan3A_12, %parallel_loop3A_502, %parallel_loop3A_503] : memref<2x64x512xf32, #tpu.memory_space<vmem>> -> memref<1x64x512xf32, #tpu.memory_space<vmem>>
        %parallel_loop3A_505 = tpu.memref_squeeze %parallel_loop3A_504 : memref<1x64x512xf32, #tpu.memory_space<vmem>> -> memref<64x512xf32, #tpu.memory_space<vmem>>
        %parallel_loop3A_506 = arith.index_cast %parallel_loop3A_142 : i32 to index
        %parallel_loop3A_507 = arith.constant 432 : index
        %parallel_loop3A_508 = tpu.vector_load %parallel_loop3A_505[%parallel_loop3A_506, %parallel_loop3A_507] {strides = array<i32>} : memref<64x512xf32, #tpu.memory_space<vmem>>, vector<1x16xf32>,
        %parallel_loop3A_509 = vector.shape_cast %parallel_loop3A_508 : vector<1x16xf32> to vector<16xf32>
        %parallel_loop3A_510 = vector.shape_cast %parallel_loop3A_501 : vector<16xf32> to vector<1x16xf32>
        tpu.vector_store %parallel_loop3A_505[%parallel_loop3A_506, %parallel_loop3A_507], %parallel_loop3A_510 {strides = array<i32>} : memref<64x512xf32, #tpu.memory_space<vmem>>, vector<1x16xf32>,
        %parallel_loop3A_511 = arith.index_cast %parallel_loop3A_146 : i32 to index
        %parallel_loop3A_512 = arith.constant 448 : index
        %parallel_loop3A_513 = tpu.vector_load %arg6[%parallel_loop3A_511, %parallel_loop3A_512] {strides = array<i32>} : memref<3x512xf32, #tpu.memory_space<vmem>>, vector<1x16xf32>,
        %parallel_loop3A_514 = vector.shape_cast %parallel_loop3A_513 : vector<1x16xf32> to vector<16xf32>
        %parallel_loop3A_515 = arith.constant 0 : i32
        %parallel_loop3A_516 = arith.constant 0 : i32
        %parallel_loop3A_517 = tpu.memref_slice %arg7[%scan3A_12, %parallel_loop3A_515, %parallel_loop3A_516] : memref<2x64x512xf32, #tpu.memory_space<vmem>> -> memref<1x64x512xf32, #tpu.memory_space<vmem>>
        %parallel_loop3A_518 = tpu.memref_squeeze %parallel_loop3A_517 : memref<1x64x512xf32, #tpu.memory_space<vmem>> -> memref<64x512xf32, #tpu.memory_space<vmem>>
        %parallel_loop3A_519 = arith.index_cast %parallel_loop3A_142 : i32 to index
        %parallel_loop3A_520 = arith.constant 448 : index
        %parallel_loop3A_521 = tpu.vector_load %parallel_loop3A_518[%parallel_loop3A_519, %parallel_loop3A_520] {strides = array<i32>} : memref<64x512xf32, #tpu.memory_space<vmem>>, vector<1x16xf32>,
        %parallel_loop3A_522 = vector.shape_cast %parallel_loop3A_521 : vector<1x16xf32> to vector<16xf32>
        %parallel_loop3A_523 = vector.shape_cast %parallel_loop3A_514 : vector<16xf32> to vector<1x16xf32>
        tpu.vector_store %parallel_loop3A_518[%parallel_loop3A_519, %parallel_loop3A_520], %parallel_loop3A_523 {strides = array<i32>} : memref<64x512xf32, #tpu.memory_space<vmem>>, vector<1x16xf32>,
        %parallel_loop3A_524 = arith.index_cast %parallel_loop3A_146 : i32 to index
        %parallel_loop3A_525 = arith.constant 464 : index
        %parallel_loop3A_526 = tpu.vector_load %arg6[%parallel_loop3A_524, %parallel_loop3A_525] {strides = array<i32>} : memref<3x512xf32, #tpu.memory_space<vmem>>, vector<1x16xf32>,
        %parallel_loop3A_527 = vector.shape_cast %parallel_loop3A_526 : vector<1x16xf32> to vector<16xf32>
        %parallel_loop3A_528 = arith.constant 0 : i32
        %parallel_loop3A_529 = arith.constant 0 : i32
        %parallel_loop3A_530 = tpu.memref_slice %arg7[%scan3A_12, %parallel_loop3A_528, %parallel_loop3A_529] : memref<2x64x512xf32, #tpu.memory_space<vmem>> -> memref<1x64x512xf32, #tpu.memory_space<vmem>>
        %parallel_loop3A_531 = tpu.memref_squeeze %parallel_loop3A_530 : memref<1x64x512xf32, #tpu.memory_space<vmem>> -> memref<64x512xf32, #tpu.memory_space<vmem>>
        %parallel_loop3A_532 = arith.index_cast %parallel_loop3A_142 : i32 to index
        %parallel_loop3A_533 = arith.constant 464 : index
        %parallel_loop3A_534 = tpu.vector_load %parallel_loop3A_531[%parallel_loop3A_532, %parallel_loop3A_533] {strides = array<i32>} : memref<64x512xf32, #tpu.memory_space<vmem>>, vector<1x16xf32>,
        %parallel_loop3A_535 = vector.shape_cast %parallel_loop3A_534 : vector<1x16xf32> to vector<16xf32>
        %parallel_loop3A_536 = vector.shape_cast %parallel_loop3A_527 : vector<16xf32> to vector<1x16xf32>
        tpu.vector_store %parallel_loop3A_531[%parallel_loop3A_532, %parallel_loop3A_533], %parallel_loop3A_536 {strides = array<i32>} : memref<64x512xf32, #tpu.memory_space<vmem>>, vector<1x16xf32>,
        %parallel_loop3A_537 = arith.index_cast %parallel_loop3A_146 : i32 to index
        %parallel_loop3A_538 = arith.constant 480 : index
        %parallel_loop3A_539 = tpu.vector_load %arg6[%parallel_loop3A_537, %parallel_loop3A_538] {strides = array<i32>} : memref<3x512xf32, #tpu.memory_space<vmem>>, vector<1x16xf32>,
        %parallel_loop3A_540 = vector.shape_cast %parallel_loop3A_539 : vector<1x16xf32> to vector<16xf32>
        %parallel_loop3A_541 = arith.constant 0 : i32
        %parallel_loop3A_542 = arith.constant 0 : i32
        %parallel_loop3A_543 = tpu.memref_slice %arg7[%scan3A_12, %parallel_loop3A_541, %parallel_loop3A_542] : memref<2x64x512xf32, #tpu.memory_space<vmem>> -> memref<1x64x512xf32, #tpu.memory_space<vmem>>
        %parallel_loop3A_544 = tpu.memref_squeeze %parallel_loop3A_543 : memref<1x64x512xf32, #tpu.memory_space<vmem>> -> memref<64x512xf32, #tpu.memory_space<vmem>>
        %parallel_loop3A_545 = arith.index_cast %parallel_loop3A_142 : i32 to index
        %parallel_loop3A_546 = arith.constant 480 : index
        %parallel_loop3A_547 = tpu.vector_load %parallel_loop3A_544[%parallel_loop3A_545, %parallel_loop3A_546] {strides = array<i32>} : memref<64x512xf32, #tpu.memory_space<vmem>>, vector<1x16xf32>,
        %parallel_loop3A_548 = vector.shape_cast %parallel_loop3A_547 : vector<1x16xf32> to vector<16xf32>
        %parallel_loop3A_549 = vector.shape_cast %parallel_loop3A_540 : vector<16xf32> to vector<1x16xf32>
        tpu.vector_store %parallel_loop3A_544[%parallel_loop3A_545, %parallel_loop3A_546], %parallel_loop3A_549 {strides = array<i32>} : memref<64x512xf32, #tpu.memory_space<vmem>>, vector<1x16xf32>,
        %parallel_loop3A_550 = arith.index_cast %parallel_loop3A_146 : i32 to index
        %parallel_loop3A_551 = arith.constant 496 : index
        %parallel_loop3A_552 = tpu.vector_load %arg6[%parallel_loop3A_550, %parallel_loop3A_551] {strides = array<i32>} : memref<3x512xf32, #tpu.memory_space<vmem>>, vector<1x16xf32>,
        %parallel_loop3A_553 = vector.shape_cast %parallel_loop3A_552 : vector<1x16xf32> to vector<16xf32>
        %parallel_loop3A_554 = arith.constant 0 : i32
        %parallel_loop3A_555 = arith.constant 0 : i32
        %parallel_loop3A_556 = tpu.memref_slice %arg7[%scan3A_12, %parallel_loop3A_554, %parallel_loop3A_555] : memref<2x64x512xf32, #tpu.memory_space<vmem>> -> memref<1x64x512xf32, #tpu.memory_space<vmem>>
        %parallel_loop3A_557 = tpu.memref_squeeze %parallel_loop3A_556 : memref<1x64x512xf32, #tpu.memory_space<vmem>> -> memref<64x512xf32, #tpu.memory_space<vmem>>
        %parallel_loop3A_558 = arith.index_cast %parallel_loop3A_142 : i32 to index
        %parallel_loop3A_559 = arith.constant 496 : index
        %parallel_loop3A_560 = tpu.vector_load %parallel_loop3A_557[%parallel_loop3A_558, %parallel_loop3A_559] {strides = array<i32>} : memref<64x512xf32, #tpu.memory_space<vmem>>, vector<1x16xf32>,
        %parallel_loop3A_561 = vector.shape_cast %parallel_loop3A_560 : vector<1x16xf32> to vector<16xf32>
        %parallel_loop3A_562 = vector.shape_cast %parallel_loop3A_553 : vector<16xf32> to vector<1x16xf32>
        tpu.vector_store %parallel_loop3A_557[%parallel_loop3A_558, %parallel_loop3A_559], %parallel_loop3A_562 {strides = array<i32>} : memref<64x512xf32, #tpu.memory_space<vmem>>, vector<1x16xf32>,
      } {sc.loop_unroll_factor = 8 : i64, sc.parallel_access}
      %mul3A_76 = arith.constant 64 : i32
      %mul3A_77 = arith.muli %add3A_54, %mul3A_76 : i32
      %add3A_78 = arith.addi %mul3A_2, %mul3A_77 : i32
      %dma_start3A_79 = arith.constant 0 : i32
      %dma_start3A_80 = arith.constant 0 : i32
      %dma_start3A_81 = arith.constant 0 : i32
      %dma_start3A_82 = tpu.memref_slice %arg7[%scan3A_12, %dma_start3A_80, %dma_start3A_81] : memref<2x64x512xf32, #tpu.memory_space<vmem>> -> memref<1x64x512xf32, #tpu.memory_space<vmem>>
      %dma_start3A_83 = tpu.memref_squeeze %dma_start3A_82 : memref<1x64x512xf32, #tpu.memory_space<vmem>> -> memref<64x512xf32, #tpu.memory_space<vmem>>
      %dma_start3A_84 = arith.constant 0 : i32
      %dma_start3A_85 = tpu.memref_slice %arg4[%add3A_78, %dma_start3A_84] : memref<32768x512xf32, #tpu.memory_space<hbm>> -> memref<64x512xf32, #tpu.memory_space<hbm>>
      %dma_start3A_86 = tpu.memref_slice %arg10[%dma_start3A_79] : memref<2x!tpu.dma_semaphore, #tpu.memory_space<semaphore_mem>> -> memref<1x!tpu.dma_semaphore, #tpu.memory_space<semaphore_mem>>
      %dma_start3A_87 = tpu.memref_squeeze %dma_start3A_86 : memref<1x!tpu.dma_semaphore, #tpu.memory_space<semaphore_mem>> -> memref<!tpu.dma_semaphore, #tpu.memory_space<semaphore_mem>>
      %dma_start3A_88 = arith.constant 0 : i32
      %dma_start3A_89 = tpu.memref_slice %arg4[%add3A_78, %dma_start3A_88] : memref<32768x512xf32, #tpu.memory_space<hbm>> -> memref<64x512xf32, #tpu.memory_space<hbm>>
      %dma_start3A_90 = arith.constant 0 : i32
      %dma_start3A_91 = arith.constant 0 : i32
      %dma_start3A_92 = tpu.memref_slice %arg7[%scan3A_12, %dma_start3A_90, %dma_start3A_91] : memref<2x64x512xf32, #tpu.memory_space<vmem>> -> memref<1x64x512xf32, #tpu.memory_space<vmem>>
      %dma_start3A_93 = tpu.memref_squeeze %dma_start3A_92 : memref<1x64x512xf32, #tpu.memory_space<vmem>> -> memref<64x512xf32, #tpu.memory_space<vmem>>
      tpu.enqueue_dma source(%dma_start3A_93 : memref<64x512xf32, #tpu.memory_space<vmem>>) target(%dma_start3A_89 : memref<64x512xf32, #tpu.memory_space<hbm>>) target_semaphore(%dma_start3A_87 : memref<!tpu.dma_semaphore, #tpu.memory_space<semaphore_mem>>)
      %mul3A_94 = arith.constant 2 : i32
      %mul3A_95 = arith.muli %scan3A_50, %mul3A_94 : i32
      %add3A_96 = arith.constant 1 : i32
      %add3A_97 = arith.addi %mul3A_95, %add3A_96 : i32
      %ge3A_98 = arith.constant 2 : i32
      %ge3A_99 = arith.cmpi sge, %add3A_97, %ge3A_98 : i32
      %convert_element_type3A_100 = arith.extui %ge3A_99 : i1 to i32
      %cond3A_101 = arith.constant 0 : i32
      %cond3A_102 = arith.cmpi ne, %convert_element_type3A_100, %cond3A_101 : i32
      scf.if %cond3A_102 {
        %dma_wait3A_142 = arith.constant 1 : i32
        %dma_wait3A_143 = arith.constant 0 : i32
        %dma_wait3A_144 = arith.constant 0 : i32
        %dma_wait3A_145 = tpu.memref_slice %arg7[%scan3A_13, %dma_wait3A_143, %dma_wait3A_144] : memref<2x64x512xf32, #tpu.memory_space<vmem>> -> memref<1x64x512xf32, #tpu.memory_space<vmem>>
        %dma_wait3A_146 = tpu.memref_squeeze %dma_wait3A_145 : memref<1x64x512xf32, #tpu.memory_space<vmem>> -> memref<64x512xf32, #tpu.memory_space<vmem>>
        %dma_wait3A_147 = arith.constant 0 : i32
        %dma_wait3A_148 = tpu.memref_slice %arg4[%mul3A_2, %dma_wait3A_147] : memref<32768x512xf32, #tpu.memory_space<hbm>> -> memref<64x512xf32, #tpu.memory_space<hbm>>
        %dma_wait3A_149 = tpu.memref_slice %arg10[%dma_wait3A_142] : memref<2x!tpu.dma_semaphore, #tpu.memory_space<semaphore_mem>> -> memref<1x!tpu.dma_semaphore, #tpu.memory_space<semaphore_mem>>
        %dma_wait3A_150 = tpu.memref_squeeze %dma_wait3A_149 : memref<1x!tpu.dma_semaphore, #tpu.memory_space<semaphore_mem>> -> memref<!tpu.dma_semaphore, #tpu.memory_space<semaphore_mem>>
        %dma_wait3A_151 = arith.constant 0 : i32
        %dma_wait3A_152 = tpu.memref_slice %arg4[%mul3A_2, %dma_wait3A_151] : memref<32768x512xf32, #tpu.memory_space<hbm>> -> memref<64x512xf32, #tpu.memory_space<hbm>>
        %dma_wait3A_153 = arith.constant 0 : i32
        %dma_wait3A_154 = arith.constant 0 : i32
        %dma_wait3A_155 = tpu.memref_slice %arg7[%scan3A_13, %dma_wait3A_153, %dma_wait3A_154] : memref<2x64x512xf32, #tpu.memory_space<vmem>> -> memref<1x64x512xf32, #tpu.memory_space<vmem>>
        %dma_wait3A_156 = tpu.memref_squeeze %dma_wait3A_155 : memref<1x64x512xf32, #tpu.memory_space<vmem>> -> memref<64x512xf32, #tpu.memory_space<vmem>>
        tpu.wait_dma2 semaphore(%dma_wait3A_150 : memref<!tpu.dma_semaphore, #tpu.memory_space<semaphore_mem>>) src(%dma_wait3A_156 : memref<64x512xf32, #tpu.memory_space<vmem>>) dst(%dma_wait3A_152 : memref<64x512xf32, #tpu.memory_space<hbm>>)
      } else {
      }
      %mul3A_103 = arith.constant 64 : i32
      %mul3A_104 = arith.muli %add3A_97, %mul3A_103 : i32
      %dma_wait3A_105 = arith.constant 1 : i32
      %dma_wait3A_106 = arith.constant 1 : i32
      %dma_wait3A_107 = tpu.memref_slice %arg11[%dma_wait3A_106] : memref<2x!tpu.dma_semaphore, #tpu.memory_space<semaphore_mem>> -> memref<1x!tpu.dma_semaphore, #tpu.memory_space<semaphore_mem>>
      %dma_wait3A_108 = tpu.memref_squeeze %dma_wait3A_107 : memref<1x!tpu.dma_semaphore, #tpu.memory_space<semaphore_mem>> -> memref<!tpu.dma_semaphore, #tpu.memory_space<semaphore_mem>>
      %dma_wait3A_109 = arith.constant 0 : i32
      %dma_wait3A_110 = tpu.memref_slice %arg9[%dma_wait3A_105, %dma_wait3A_109] : memref<2x64xi32, #tpu.memory_space<smem>> -> memref<1x64xi32, #tpu.memory_space<smem>>
      %dma_wait3A_111 = tpu.memref_squeeze %dma_wait3A_110 : memref<1x64xi32, #tpu.memory_space<smem>> -> memref<64xi32, #tpu.memory_space<smem>>
      %dma_wait3A_112 = tpu.memref_slice %arg8[%arg1, %mul3A_104] : memref<16x1024xi32, #tpu.memory_space<vmem_shared>> -> memref<1x64xi32, #tpu.memory_space<vmem_shared>>
      %dma_wait3A_113 = tpu.memref_squeeze %dma_wait3A_112 : memref<1x64xi32, #tpu.memory_space<vmem_shared>> -> memref<64xi32, #tpu.memory_space<vmem_shared>>
      tpu.wait_dma2 semaphore(%dma_wait3A_108 : memref<!tpu.dma_semaphore, #tpu.memory_space<semaphore_mem>>) src(%dma_wait3A_113 : memref<64xi32, #tpu.memory_space<vmem_shared>>) dst(%dma_wait3A_111 : memref<64xi32, #tpu.memory_space<smem>>)
      %add3A_114 = arith.constant 1 : i32
      %add3A_115 = arith.addi %add3A_97, %add3A_114 : i32
      %lt3A_116 = arith.constant 16 : i32
      %lt3A_117 = arith.cmpi slt, %add3A_115, %lt3A_116 : i32
      %convert_element_type3A_118 = arith.extui %lt3A_117 : i1 to i32
      %cond3A_119 = arith.constant 0 : i32
      %cond3A_120 = arith.cmpi ne, %convert_element_type3A_118, %cond3A_119 : i32
      scf.if %cond3A_120 {
        %add3A_142 = arith.constant 1 : i32
        %add3A_143 = arith.addi %add3A_97, %add3A_142 : i32
        %mul3A_144 = arith.constant 64 : i32
        %mul3A_145 = arith.muli %add3A_143, %mul3A_144 : i32
        %dma_start3A_146 = arith.constant 0 : i32
        %dma_start3A_147 = arith.constant 0 : i32
        %dma_start3A_148 = tpu.memref_slice %arg11[%dma_start3A_147] : memref<2x!tpu.dma_semaphore, #tpu.memory_space<semaphore_mem>> -> memref<1x!tpu.dma_semaphore, #tpu.memory_space<semaphore_mem>>
        %dma_start3A_149 = tpu.memref_squeeze %dma_start3A_148 : memref<1x!tpu.dma_semaphore, #tpu.memory_space<semaphore_mem>> -> memref<!tpu.dma_semaphore, #tpu.memory_space<semaphore_mem>>
        %dma_start3A_150 = arith.constant 0 : i32
        %dma_start3A_151 = tpu.memref_slice %arg9[%dma_start3A_146, %dma_start3A_150] : memref<2x64xi32, #tpu.memory_space<smem>> -> memref<1x64xi32, #tpu.memory_space<smem>>
        %dma_start3A_152 = tpu.memref_squeeze %dma_start3A_151 : memref<1x64xi32, #tpu.memory_space<smem>> -> memref<64xi32, #tpu.memory_space<smem>>
        %dma_start3A_153 = tpu.memref_slice %arg8[%arg1, %mul3A_145] : memref<16x1024xi32, #tpu.memory_space<vmem_shared>> -> memref<1x64xi32, #tpu.memory_space<vmem_shared>>
        %dma_start3A_154 = tpu.memref_squeeze %dma_start3A_153 : memref<1x64xi32, #tpu.memory_space<vmem_shared>> -> memref<64xi32, #tpu.memory_space<vmem_shared>>
        tpu.enqueue_dma source(%dma_start3A_154 : memref<64xi32, #tpu.memory_space<vmem_shared>>) target(%dma_start3A_152 : memref<64xi32, #tpu.memory_space<smem>>) target_semaphore(%dma_start3A_149 : memref<!tpu.dma_semaphore, #tpu.memory_space<semaphore_mem>>)
      } else {
      }
      %parallel_loop3A_121 = arith.constant 0 : i32
      %parallel_loop3A_122 = arith.constant 64 : i32
      %parallel_loop3A_123 = arith.constant 1 : i32
      scf.for %parallel_loop3A_142 = %parallel_loop3A_121 to %parallel_loop3A_122 step %parallel_loop3A_123  : i32 {
        %parallel_loop3A_143 = arith.constant 1 : i32
        %parallel_loop3A_144 = arith.index_cast %parallel_loop3A_143 : i32 to index
        %parallel_loop3A_145 = arith.index_cast %parallel_loop3A_142 : i32 to index
        %parallel_loop3A_146 = memref.load %arg9[%parallel_loop3A_144, %parallel_loop3A_145] : memref<2x64xi32, #tpu.memory_space<smem>>
        %parallel_loop3A_147 = arith.index_cast %parallel_loop3A_146 : i32 to index
        %parallel_loop3A_148 = arith.constant 0 : index
        %parallel_loop3A_149 = tpu.vector_load %arg6[%parallel_loop3A_147, %parallel_loop3A_148] {strides = array<i32>} : memref<3x512xf32, #tpu.memory_space<vmem>>, vector<1x16xf32>,
        %parallel_loop3A_150 = vector.shape_cast %parallel_loop3A_149 : vector<1x16xf32> to vector<16xf32>
        %parallel_loop3A_151 = arith.constant 0 : i32
        %parallel_loop3A_152 = arith.constant 0 : i32
        %parallel_loop3A_153 = tpu.memref_slice %arg7[%scan3A_13, %parallel_loop3A_151, %parallel_loop3A_152] : memref<2x64x512xf32, #tpu.memory_space<vmem>> -> memref<1x64x512xf32, #tpu.memory_space<vmem>>
        %parallel_loop3A_154 = tpu.memref_squeeze %parallel_loop3A_153 : memref<1x64x512xf32, #tpu.memory_space<vmem>> -> memref<64x512xf32, #tpu.memory_space<vmem>>
        %parallel_loop3A_155 = arith.index_cast %parallel_loop3A_142 : i32 to index
        %parallel_loop3A_156 = arith.constant 0 : index
        %parallel_loop3A_157 = tpu.vector_load %parallel_loop3A_154[%parallel_loop3A_155, %parallel_loop3A_156] {strides = array<i32>} : memref<64x512xf32, #tpu.memory_space<vmem>>, vector<1x16xf32>,
        %parallel_loop3A_158 = vector.shape_cast %parallel_loop3A_157 : vector<1x16xf32> to vector<16xf32>
        %parallel_loop3A_159 = vector.shape_cast %parallel_loop3A_150 : vector<16xf32> to vector<1x16xf32>
        tpu.vector_store %parallel_loop3A_154[%parallel_loop3A_155, %parallel_loop3A_156], %parallel_loop3A_159 {strides = array<i32>} : memref<64x512xf32, #tpu.memory_space<vmem>>, vector<1x16xf32>,
        %parallel_loop3A_160 = arith.index_cast %parallel_loop3A_146 : i32 to index
        %parallel_loop3A_161 = arith.constant 16 : index
        %parallel_loop3A_162 = tpu.vector_load %arg6[%parallel_loop3A_160, %parallel_loop3A_161] {strides = array<i32>} : memref<3x512xf32, #tpu.memory_space<vmem>>, vector<1x16xf32>,
        %parallel_loop3A_163 = vector.shape_cast %parallel_loop3A_162 : vector<1x16xf32> to vector<16xf32>
        %parallel_loop3A_164 = arith.constant 0 : i32
        %parallel_loop3A_165 = arith.constant 0 : i32
        %parallel_loop3A_166 = tpu.memref_slice %arg7[%scan3A_13, %parallel_loop3A_164, %parallel_loop3A_165] : memref<2x64x512xf32, #tpu.memory_space<vmem>> -> memref<1x64x512xf32, #tpu.memory_space<vmem>>
        %parallel_loop3A_167 = tpu.memref_squeeze %parallel_loop3A_166 : memref<1x64x512xf32, #tpu.memory_space<vmem>> -> memref<64x512xf32, #tpu.memory_space<vmem>>
        %parallel_loop3A_168 = arith.index_cast %parallel_loop3A_142 : i32 to index
        %parallel_loop3A_169 = arith.constant 16 : index
        %parallel_loop3A_170 = tpu.vector_load %parallel_loop3A_167[%parallel_loop3A_168, %parallel_loop3A_169] {strides = array<i32>} : memref<64x512xf32, #tpu.memory_space<vmem>>, vector<1x16xf32>,
        %parallel_loop3A_171 = vector.shape_cast %parallel_loop3A_170 : vector<1x16xf32> to vector<16xf32>
        %parallel_loop3A_172 = vector.shape_cast %parallel_loop3A_163 : vector<16xf32> to vector<1x16xf32>
        tpu.vector_store %parallel_loop3A_167[%parallel_loop3A_168, %parallel_loop3A_169], %parallel_loop3A_172 {strides = array<i32>} : memref<64x512xf32, #tpu.memory_space<vmem>>, vector<1x16xf32>,
        %parallel_loop3A_173 = arith.index_cast %parallel_loop3A_146 : i32 to index
        %parallel_loop3A_174 = arith.constant 32 : index
        %parallel_loop3A_175 = tpu.vector_load %arg6[%parallel_loop3A_173, %parallel_loop3A_174] {strides = array<i32>} : memref<3x512xf32, #tpu.memory_space<vmem>>, vector<1x16xf32>,
        %parallel_loop3A_176 = vector.shape_cast %parallel_loop3A_175 : vector<1x16xf32> to vector<16xf32>
        %parallel_loop3A_177 = arith.constant 0 : i32
        %parallel_loop3A_178 = arith.constant 0 : i32
        %parallel_loop3A_179 = tpu.memref_slice %arg7[%scan3A_13, %parallel_loop3A_177, %parallel_loop3A_178] : memref<2x64x512xf32, #tpu.memory_space<vmem>> -> memref<1x64x512xf32, #tpu.memory_space<vmem>>
        %parallel_loop3A_180 = tpu.memref_squeeze %parallel_loop3A_179 : memref<1x64x512xf32, #tpu.memory_space<vmem>> -> memref<64x512xf32, #tpu.memory_space<vmem>>
        %parallel_loop3A_181 = arith.index_cast %parallel_loop3A_142 : i32 to index
        %parallel_loop3A_182 = arith.constant 32 : index
        %parallel_loop3A_183 = tpu.vector_load %parallel_loop3A_180[%parallel_loop3A_181, %parallel_loop3A_182] {strides = array<i32>} : memref<64x512xf32, #tpu.memory_space<vmem>>, vector<1x16xf32>,
        %parallel_loop3A_184 = vector.shape_cast %parallel_loop3A_183 : vector<1x16xf32> to vector<16xf32>
        %parallel_loop3A_185 = vector.shape_cast %parallel_loop3A_176 : vector<16xf32> to vector<1x16xf32>
        tpu.vector_store %parallel_loop3A_180[%parallel_loop3A_181, %parallel_loop3A_182], %parallel_loop3A_185 {strides = array<i32>} : memref<64x512xf32, #tpu.memory_space<vmem>>, vector<1x16xf32>,
        %parallel_loop3A_186 = arith.index_cast %parallel_loop3A_146 : i32 to index
        %parallel_loop3A_187 = arith.constant 48 : index
        %parallel_loop3A_188 = tpu.vector_load %arg6[%parallel_loop3A_186, %parallel_loop3A_187] {strides = array<i32>} : memref<3x512xf32, #tpu.memory_space<vmem>>, vector<1x16xf32>,
        %parallel_loop3A_189 = vector.shape_cast %parallel_loop3A_188 : vector<1x16xf32> to vector<16xf32>
        %parallel_loop3A_190 = arith.constant 0 : i32
        %parallel_loop3A_191 = arith.constant 0 : i32
        %parallel_loop3A_192 = tpu.memref_slice %arg7[%scan3A_13, %parallel_loop3A_190, %parallel_loop3A_191] : memref<2x64x512xf32, #tpu.memory_space<vmem>> -> memref<1x64x512xf32, #tpu.memory_space<vmem>>
        %parallel_loop3A_193 = tpu.memref_squeeze %parallel_loop3A_192 : memref<1x64x512xf32, #tpu.memory_space<vmem>> -> memref<64x512xf32, #tpu.memory_space<vmem>>
        %parallel_loop3A_194 = arith.index_cast %parallel_loop3A_142 : i32 to index
        %parallel_loop3A_195 = arith.constant 48 : index
        %parallel_loop3A_196 = tpu.vector_load %parallel_loop3A_193[%parallel_loop3A_194, %parallel_loop3A_195] {strides = array<i32>} : memref<64x512xf32, #tpu.memory_space<vmem>>, vector<1x16xf32>,
        %parallel_loop3A_197 = vector.shape_cast %parallel_loop3A_196 : vector<1x16xf32> to vector<16xf32>
        %parallel_loop3A_198 = vector.shape_cast %parallel_loop3A_189 : vector<16xf32> to vector<1x16xf32>
        tpu.vector_store %parallel_loop3A_193[%parallel_loop3A_194, %parallel_loop3A_195], %parallel_loop3A_198 {strides = array<i32>} : memref<64x512xf32, #tpu.memory_space<vmem>>, vector<1x16xf32>,
        %parallel_loop3A_199 = arith.index_cast %parallel_loop3A_146 : i32 to index
        %parallel_loop3A_200 = arith.constant 64 : index
        %parallel_loop3A_201 = tpu.vector_load %arg6[%parallel_loop3A_199, %parallel_loop3A_200] {strides = array<i32>} : memref<3x512xf32, #tpu.memory_space<vmem>>, vector<1x16xf32>,
        %parallel_loop3A_202 = vector.shape_cast %parallel_loop3A_201 : vector<1x16xf32> to vector<16xf32>
        %parallel_loop3A_203 = arith.constant 0 : i32
        %parallel_loop3A_204 = arith.constant 0 : i32
        %parallel_loop3A_205 = tpu.memref_slice %arg7[%scan3A_13, %parallel_loop3A_203, %parallel_loop3A_204] : memref<2x64x512xf32, #tpu.memory_space<vmem>> -> memref<1x64x512xf32, #tpu.memory_space<vmem>>
        %parallel_loop3A_206 = tpu.memref_squeeze %parallel_loop3A_205 : memref<1x64x512xf32, #tpu.memory_space<vmem>> -> memref<64x512xf32, #tpu.memory_space<vmem>>
        %parallel_loop3A_207 = arith.index_cast %parallel_loop3A_142 : i32 to index
        %parallel_loop3A_208 = arith.constant 64 : index
        %parallel_loop3A_209 = tpu.vector_load %parallel_loop3A_206[%parallel_loop3A_207, %parallel_loop3A_208] {strides = array<i32>} : memref<64x512xf32, #tpu.memory_space<vmem>>, vector<1x16xf32>,
        %parallel_loop3A_210 = vector.shape_cast %parallel_loop3A_209 : vector<1x16xf32> to vector<16xf32>
        %parallel_loop3A_211 = vector.shape_cast %parallel_loop3A_202 : vector<16xf32> to vector<1x16xf32>
        tpu.vector_store %parallel_loop3A_206[%parallel_loop3A_207, %parallel_loop3A_208], %parallel_loop3A_211 {strides = array<i32>} : memref<64x512xf32, #tpu.memory_space<vmem>>, vector<1x16xf32>,
        %parallel_loop3A_212 = arith.index_cast %parallel_loop3A_146 : i32 to index
        %parallel_loop3A_213 = arith.constant 80 : index
        %parallel_loop3A_214 = tpu.vector_load %arg6[%parallel_loop3A_212, %parallel_loop3A_213] {strides = array<i32>} : memref<3x512xf32, #tpu.memory_space<vmem>>, vector<1x16xf32>,
        %parallel_loop3A_215 = vector.shape_cast %parallel_loop3A_214 : vector<1x16xf32> to vector<16xf32>
        %parallel_loop3A_216 = arith.constant 0 : i32
        %parallel_loop3A_217 = arith.constant 0 : i32
        %parallel_loop3A_218 = tpu.memref_slice %arg7[%scan3A_13, %parallel_loop3A_216, %parallel_loop3A_217] : memref<2x64x512xf32, #tpu.memory_space<vmem>> -> memref<1x64x512xf32, #tpu.memory_space<vmem>>
        %parallel_loop3A_219 = tpu.memref_squeeze %parallel_loop3A_218 : memref<1x64x512xf32, #tpu.memory_space<vmem>> -> memref<64x512xf32, #tpu.memory_space<vmem>>
        %parallel_loop3A_220 = arith.index_cast %parallel_loop3A_142 : i32 to index
        %parallel_loop3A_221 = arith.constant 80 : index
        %parallel_loop3A_222 = tpu.vector_load %parallel_loop3A_219[%parallel_loop3A_220, %parallel_loop3A_221] {strides = array<i32>} : memref<64x512xf32, #tpu.memory_space<vmem>>, vector<1x16xf32>,
        %parallel_loop3A_223 = vector.shape_cast %parallel_loop3A_222 : vector<1x16xf32> to vector<16xf32>
        %parallel_loop3A_224 = vector.shape_cast %parallel_loop3A_215 : vector<16xf32> to vector<1x16xf32>
        tpu.vector_store %parallel_loop3A_219[%parallel_loop3A_220, %parallel_loop3A_221], %parallel_loop3A_224 {strides = array<i32>} : memref<64x512xf32, #tpu.memory_space<vmem>>, vector<1x16xf32>,
        %parallel_loop3A_225 = arith.index_cast %parallel_loop3A_146 : i32 to index
        %parallel_loop3A_226 = arith.constant 96 : index
        %parallel_loop3A_227 = tpu.vector_load %arg6[%parallel_loop3A_225, %parallel_loop3A_226] {strides = array<i32>} : memref<3x512xf32, #tpu.memory_space<vmem>>, vector<1x16xf32>,
        %parallel_loop3A_228 = vector.shape_cast %parallel_loop3A_227 : vector<1x16xf32> to vector<16xf32>
        %parallel_loop3A_229 = arith.constant 0 : i32
        %parallel_loop3A_230 = arith.constant 0 : i32
        %parallel_loop3A_231 = tpu.memref_slice %arg7[%scan3A_13, %parallel_loop3A_229, %parallel_loop3A_230] : memref<2x64x512xf32, #tpu.memory_space<vmem>> -> memref<1x64x512xf32, #tpu.memory_space<vmem>>
        %parallel_loop3A_232 = tpu.memref_squeeze %parallel_loop3A_231 : memref<1x64x512xf32, #tpu.memory_space<vmem>> -> memref<64x512xf32, #tpu.memory_space<vmem>>
        %parallel_loop3A_233 = arith.index_cast %parallel_loop3A_142 : i32 to index
        %parallel_loop3A_234 = arith.constant 96 : index
        %parallel_loop3A_235 = tpu.vector_load %parallel_loop3A_232[%parallel_loop3A_233, %parallel_loop3A_234] {strides = array<i32>} : memref<64x512xf32, #tpu.memory_space<vmem>>, vector<1x16xf32>,
        %parallel_loop3A_236 = vector.shape_cast %parallel_loop3A_235 : vector<1x16xf32> to vector<16xf32>
        %parallel_loop3A_237 = vector.shape_cast %parallel_loop3A_228 : vector<16xf32> to vector<1x16xf32>
        tpu.vector_store %parallel_loop3A_232[%parallel_loop3A_233, %parallel_loop3A_234], %parallel_loop3A_237 {strides = array<i32>} : memref<64x512xf32, #tpu.memory_space<vmem>>, vector<1x16xf32>,
        %parallel_loop3A_238 = arith.index_cast %parallel_loop3A_146 : i32 to index
        %parallel_loop3A_239 = arith.constant 112 : index
        %parallel_loop3A_240 = tpu.vector_load %arg6[%parallel_loop3A_238, %parallel_loop3A_239] {strides = array<i32>} : memref<3x512xf32, #tpu.memory_space<vmem>>, vector<1x16xf32>,
        %parallel_loop3A_241 = vector.shape_cast %parallel_loop3A_240 : vector<1x16xf32> to vector<16xf32>
        %parallel_loop3A_242 = arith.constant 0 : i32
        %parallel_loop3A_243 = arith.constant 0 : i32
        %parallel_loop3A_244 = tpu.memref_slice %arg7[%scan3A_13, %parallel_loop3A_242, %parallel_loop3A_243] : memref<2x64x512xf32, #tpu.memory_space<vmem>> -> memref<1x64x512xf32, #tpu.memory_space<vmem>>
        %parallel_loop3A_245 = tpu.memref_squeeze %parallel_loop3A_244 : memref<1x64x512xf32, #tpu.memory_space<vmem>> -> memref<64x512xf32, #tpu.memory_space<vmem>>
        %parallel_loop3A_246 = arith.index_cast %parallel_loop3A_142 : i32 to index
        %parallel_loop3A_247 = arith.constant 112 : index
        %parallel_loop3A_248 = tpu.vector_load %parallel_loop3A_245[%parallel_loop3A_246, %parallel_loop3A_247] {strides = array<i32>} : memref<64x512xf32, #tpu.memory_space<vmem>>, vector<1x16xf32>,
        %parallel_loop3A_249 = vector.shape_cast %parallel_loop3A_248 : vector<1x16xf32> to vector<16xf32>
        %parallel_loop3A_250 = vector.shape_cast %parallel_loop3A_241 : vector<16xf32> to vector<1x16xf32>
        tpu.vector_store %parallel_loop3A_245[%parallel_loop3A_246, %parallel_loop3A_247], %parallel_loop3A_250 {strides = array<i32>} : memref<64x512xf32, #tpu.memory_space<vmem>>, vector<1x16xf32>,
        %parallel_loop3A_251 = arith.index_cast %parallel_loop3A_146 : i32 to index
        %parallel_loop3A_252 = arith.constant 128 : index
        %parallel_loop3A_253 = tpu.vector_load %arg6[%parallel_loop3A_251, %parallel_loop3A_252] {strides = array<i32>} : memref<3x512xf32, #tpu.memory_space<vmem>>, vector<1x16xf32>,
        %parallel_loop3A_254 = vector.shape_cast %parallel_loop3A_253 : vector<1x16xf32> to vector<16xf32>
        %parallel_loop3A_255 = arith.constant 0 : i32
        %parallel_loop3A_256 = arith.constant 0 : i32
        %parallel_loop3A_257 = tpu.memref_slice %arg7[%scan3A_13, %parallel_loop3A_255, %parallel_loop3A_256] : memref<2x64x512xf32, #tpu.memory_space<vmem>> -> memref<1x64x512xf32, #tpu.memory_space<vmem>>
        %parallel_loop3A_258 = tpu.memref_squeeze %parallel_loop3A_257 : memref<1x64x512xf32, #tpu.memory_space<vmem>> -> memref<64x512xf32, #tpu.memory_space<vmem>>
        %parallel_loop3A_259 = arith.index_cast %parallel_loop3A_142 : i32 to index
        %parallel_loop3A_260 = arith.constant 128 : index
        %parallel_loop3A_261 = tpu.vector_load %parallel_loop3A_258[%parallel_loop3A_259, %parallel_loop3A_260] {strides = array<i32>} : memref<64x512xf32, #tpu.memory_space<vmem>>, vector<1x16xf32>,
        %parallel_loop3A_262 = vector.shape_cast %parallel_loop3A_261 : vector<1x16xf32> to vector<16xf32>
        %parallel_loop3A_263 = vector.shape_cast %parallel_loop3A_254 : vector<16xf32> to vector<1x16xf32>
        tpu.vector_store %parallel_loop3A_258[%parallel_loop3A_259, %parallel_loop3A_260], %parallel_loop3A_263 {strides = array<i32>} : memref<64x512xf32, #tpu.memory_space<vmem>>, vector<1x16xf32>,
        %parallel_loop3A_264 = arith.index_cast %parallel_loop3A_146 : i32 to index
        %parallel_loop3A_265 = arith.constant 144 : index
        %parallel_loop3A_266 = tpu.vector_load %arg6[%parallel_loop3A_264, %parallel_loop3A_265] {strides = array<i32>} : memref<3x512xf32, #tpu.memory_space<vmem>>, vector<1x16xf32>,
        %parallel_loop3A_267 = vector.shape_cast %parallel_loop3A_266 : vector<1x16xf32> to vector<16xf32>
        %parallel_loop3A_268 = arith.constant 0 : i32
        %parallel_loop3A_269 = arith.constant 0 : i32
        %parallel_loop3A_270 = tpu.memref_slice %arg7[%scan3A_13, %parallel_loop3A_268, %parallel_loop3A_269] : memref<2x64x512xf32, #tpu.memory_space<vmem>> -> memref<1x64x512xf32, #tpu.memory_space<vmem>>
        %parallel_loop3A_271 = tpu.memref_squeeze %parallel_loop3A_270 : memref<1x64x512xf32, #tpu.memory_space<vmem>> -> memref<64x512xf32, #tpu.memory_space<vmem>>
        %parallel_loop3A_272 = arith.index_cast %parallel_loop3A_142 : i32 to index
        %parallel_loop3A_273 = arith.constant 144 : index
        %parallel_loop3A_274 = tpu.vector_load %parallel_loop3A_271[%parallel_loop3A_272, %parallel_loop3A_273] {strides = array<i32>} : memref<64x512xf32, #tpu.memory_space<vmem>>, vector<1x16xf32>,
        %parallel_loop3A_275 = vector.shape_cast %parallel_loop3A_274 : vector<1x16xf32> to vector<16xf32>
        %parallel_loop3A_276 = vector.shape_cast %parallel_loop3A_267 : vector<16xf32> to vector<1x16xf32>
        tpu.vector_store %parallel_loop3A_271[%parallel_loop3A_272, %parallel_loop3A_273], %parallel_loop3A_276 {strides = array<i32>} : memref<64x512xf32, #tpu.memory_space<vmem>>, vector<1x16xf32>,
        %parallel_loop3A_277 = arith.index_cast %parallel_loop3A_146 : i32 to index
        %parallel_loop3A_278 = arith.constant 160 : index
        %parallel_loop3A_279 = tpu.vector_load %arg6[%parallel_loop3A_277, %parallel_loop3A_278] {strides = array<i32>} : memref<3x512xf32, #tpu.memory_space<vmem>>, vector<1x16xf32>,
        %parallel_loop3A_280 = vector.shape_cast %parallel_loop3A_279 : vector<1x16xf32> to vector<16xf32>
        %parallel_loop3A_281 = arith.constant 0 : i32
        %parallel_loop3A_282 = arith.constant 0 : i32
        %parallel_loop3A_283 = tpu.memref_slice %arg7[%scan3A_13, %parallel_loop3A_281, %parallel_loop3A_282] : memref<2x64x512xf32, #tpu.memory_space<vmem>> -> memref<1x64x512xf32, #tpu.memory_space<vmem>>
        %parallel_loop3A_284 = tpu.memref_squeeze %parallel_loop3A_283 : memref<1x64x512xf32, #tpu.memory_space<vmem>> -> memref<64x512xf32, #tpu.memory_space<vmem>>
        %parallel_loop3A_285 = arith.index_cast %parallel_loop3A_142 : i32 to index
        %parallel_loop3A_286 = arith.constant 160 : index
        %parallel_loop3A_287 = tpu.vector_load %parallel_loop3A_284[%parallel_loop3A_285, %parallel_loop3A_286] {strides = array<i32>} : memref<64x512xf32, #tpu.memory_space<vmem>>, vector<1x16xf32>,
        %parallel_loop3A_288 = vector.shape_cast %parallel_loop3A_287 : vector<1x16xf32> to vector<16xf32>
        %parallel_loop3A_289 = vector.shape_cast %parallel_loop3A_280 : vector<16xf32> to vector<1x16xf32>
        tpu.vector_store %parallel_loop3A_284[%parallel_loop3A_285, %parallel_loop3A_286], %parallel_loop3A_289 {strides = array<i32>} : memref<64x512xf32, #tpu.memory_space<vmem>>, vector<1x16xf32>,
        %parallel_loop3A_290 = arith.index_cast %parallel_loop3A_146 : i32 to index
        %parallel_loop3A_291 = arith.constant 176 : index
        %parallel_loop3A_292 = tpu.vector_load %arg6[%parallel_loop3A_290, %parallel_loop3A_291] {strides = array<i32>} : memref<3x512xf32, #tpu.memory_space<vmem>>, vector<1x16xf32>,
        %parallel_loop3A_293 = vector.shape_cast %parallel_loop3A_292 : vector<1x16xf32> to vector<16xf32>
        %parallel_loop3A_294 = arith.constant 0 : i32
        %parallel_loop3A_295 = arith.constant 0 : i32
        %parallel_loop3A_296 = tpu.memref_slice %arg7[%scan3A_13, %parallel_loop3A_294, %parallel_loop3A_295] : memref<2x64x512xf32, #tpu.memory_space<vmem>> -> memref<1x64x512xf32, #tpu.memory_space<vmem>>
        %parallel_loop3A_297 = tpu.memref_squeeze %parallel_loop3A_296 : memref<1x64x512xf32, #tpu.memory_space<vmem>> -> memref<64x512xf32, #tpu.memory_space<vmem>>
        %parallel_loop3A_298 = arith.index_cast %parallel_loop3A_142 : i32 to index
        %parallel_loop3A_299 = arith.constant 176 : index
        %parallel_loop3A_300 = tpu.vector_load %parallel_loop3A_297[%parallel_loop3A_298, %parallel_loop3A_299] {strides = array<i32>} : memref<64x512xf32, #tpu.memory_space<vmem>>, vector<1x16xf32>,
        %parallel_loop3A_301 = vector.shape_cast %parallel_loop3A_300 : vector<1x16xf32> to vector<16xf32>
        %parallel_loop3A_302 = vector.shape_cast %parallel_loop3A_293 : vector<16xf32> to vector<1x16xf32>
        tpu.vector_store %parallel_loop3A_297[%parallel_loop3A_298, %parallel_loop3A_299], %parallel_loop3A_302 {strides = array<i32>} : memref<64x512xf32, #tpu.memory_space<vmem>>, vector<1x16xf32>,
        %parallel_loop3A_303 = arith.index_cast %parallel_loop3A_146 : i32 to index
        %parallel_loop3A_304 = arith.constant 192 : index
        %parallel_loop3A_305 = tpu.vector_load %arg6[%parallel_loop3A_303, %parallel_loop3A_304] {strides = array<i32>} : memref<3x512xf32, #tpu.memory_space<vmem>>, vector<1x16xf32>,
        %parallel_loop3A_306 = vector.shape_cast %parallel_loop3A_305 : vector<1x16xf32> to vector<16xf32>
        %parallel_loop3A_307 = arith.constant 0 : i32
        %parallel_loop3A_308 = arith.constant 0 : i32
        %parallel_loop3A_309 = tpu.memref_slice %arg7[%scan3A_13, %parallel_loop3A_307, %parallel_loop3A_308] : memref<2x64x512xf32, #tpu.memory_space<vmem>> -> memref<1x64x512xf32, #tpu.memory_space<vmem>>
        %parallel_loop3A_310 = tpu.memref_squeeze %parallel_loop3A_309 : memref<1x64x512xf32, #tpu.memory_space<vmem>> -> memref<64x512xf32, #tpu.memory_space<vmem>>
        %parallel_loop3A_311 = arith.index_cast %parallel_loop3A_142 : i32 to index
        %parallel_loop3A_312 = arith.constant 192 : index
        %parallel_loop3A_313 = tpu.vector_load %parallel_loop3A_310[%parallel_loop3A_311, %parallel_loop3A_312] {strides = array<i32>} : memref<64x512xf32, #tpu.memory_space<vmem>>, vector<1x16xf32>,
        %parallel_loop3A_314 = vector.shape_cast %parallel_loop3A_313 : vector<1x16xf32> to vector<16xf32>
        %parallel_loop3A_315 = vector.shape_cast %parallel_loop3A_306 : vector<16xf32> to vector<1x16xf32>
        tpu.vector_store %parallel_loop3A_310[%parallel_loop3A_311, %parallel_loop3A_312], %parallel_loop3A_315 {strides = array<i32>} : memref<64x512xf32, #tpu.memory_space<vmem>>, vector<1x16xf32>,
        %parallel_loop3A_316 = arith.index_cast %parallel_loop3A_146 : i32 to index
        %parallel_loop3A_317 = arith.constant 208 : index
        %parallel_loop3A_318 = tpu.vector_load %arg6[%parallel_loop3A_316, %parallel_loop3A_317] {strides = array<i32>} : memref<3x512xf32, #tpu.memory_space<vmem>>, vector<1x16xf32>,
        %parallel_loop3A_319 = vector.shape_cast %parallel_loop3A_318 : vector<1x16xf32> to vector<16xf32>
        %parallel_loop3A_320 = arith.constant 0 : i32
        %parallel_loop3A_321 = arith.constant 0 : i32
        %parallel_loop3A_322 = tpu.memref_slice %arg7[%scan3A_13, %parallel_loop3A_320, %parallel_loop3A_321] : memref<2x64x512xf32, #tpu.memory_space<vmem>> -> memref<1x64x512xf32, #tpu.memory_space<vmem>>
        %parallel_loop3A_323 = tpu.memref_squeeze %parallel_loop3A_322 : memref<1x64x512xf32, #tpu.memory_space<vmem>> -> memref<64x512xf32, #tpu.memory_space<vmem>>
        %parallel_loop3A_324 = arith.index_cast %parallel_loop3A_142 : i32 to index
        %parallel_loop3A_325 = arith.constant 208 : index
        %parallel_loop3A_326 = tpu.vector_load %parallel_loop3A_323[%parallel_loop3A_324, %parallel_loop3A_325] {strides = array<i32>} : memref<64x512xf32, #tpu.memory_space<vmem>>, vector<1x16xf32>,
        %parallel_loop3A_327 = vector.shape_cast %parallel_loop3A_326 : vector<1x16xf32> to vector<16xf32>
        %parallel_loop3A_328 = vector.shape_cast %parallel_loop3A_319 : vector<16xf32> to vector<1x16xf32>
        tpu.vector_store %parallel_loop3A_323[%parallel_loop3A_324, %parallel_loop3A_325], %parallel_loop3A_328 {strides = array<i32>} : memref<64x512xf32, #tpu.memory_space<vmem>>, vector<1x16xf32>,
        %parallel_loop3A_329 = arith.index_cast %parallel_loop3A_146 : i32 to index
        %parallel_loop3A_330 = arith.constant 224 : index
        %parallel_loop3A_331 = tpu.vector_load %arg6[%parallel_loop3A_329, %parallel_loop3A_330] {strides = array<i32>} : memref<3x512xf32, #tpu.memory_space<vmem>>, vector<1x16xf32>,
        %parallel_loop3A_332 = vector.shape_cast %parallel_loop3A_331 : vector<1x16xf32> to vector<16xf32>
        %parallel_loop3A_333 = arith.constant 0 : i32
        %parallel_loop3A_334 = arith.constant 0 : i32
        %parallel_loop3A_335 = tpu.memref_slice %arg7[%scan3A_13, %parallel_loop3A_333, %parallel_loop3A_334] : memref<2x64x512xf32, #tpu.memory_space<vmem>> -> memref<1x64x512xf32, #tpu.memory_space<vmem>>
        %parallel_loop3A_336 = tpu.memref_squeeze %parallel_loop3A_335 : memref<1x64x512xf32, #tpu.memory_space<vmem>> -> memref<64x512xf32, #tpu.memory_space<vmem>>
        %parallel_loop3A_337 = arith.index_cast %parallel_loop3A_142 : i32 to index
        %parallel_loop3A_338 = arith.constant 224 : index
        %parallel_loop3A_339 = tpu.vector_load %parallel_loop3A_336[%parallel_loop3A_337, %parallel_loop3A_338] {strides = array<i32>} : memref<64x512xf32, #tpu.memory_space<vmem>>, vector<1x16xf32>,
        %parallel_loop3A_340 = vector.shape_cast %parallel_loop3A_339 : vector<1x16xf32> to vector<16xf32>
        %parallel_loop3A_341 = vector.shape_cast %parallel_loop3A_332 : vector<16xf32> to vector<1x16xf32>
        tpu.vector_store %parallel_loop3A_336[%parallel_loop3A_337, %parallel_loop3A_338], %parallel_loop3A_341 {strides = array<i32>} : memref<64x512xf32, #tpu.memory_space<vmem>>, vector<1x16xf32>,
        %parallel_loop3A_342 = arith.index_cast %parallel_loop3A_146 : i32 to index
        %parallel_loop3A_343 = arith.constant 240 : index
        %parallel_loop3A_344 = tpu.vector_load %arg6[%parallel_loop3A_342, %parallel_loop3A_343] {strides = array<i32>} : memref<3x512xf32, #tpu.memory_space<vmem>>, vector<1x16xf32>,
        %parallel_loop3A_345 = vector.shape_cast %parallel_loop3A_344 : vector<1x16xf32> to vector<16xf32>
        %parallel_loop3A_346 = arith.constant 0 : i32
        %parallel_loop3A_347 = arith.constant 0 : i32
        %parallel_loop3A_348 = tpu.memref_slice %arg7[%scan3A_13, %parallel_loop3A_346, %parallel_loop3A_347] : memref<2x64x512xf32, #tpu.memory_space<vmem>> -> memref<1x64x512xf32, #tpu.memory_space<vmem>>
        %parallel_loop3A_349 = tpu.memref_squeeze %parallel_loop3A_348 : memref<1x64x512xf32, #tpu.memory_space<vmem>> -> memref<64x512xf32, #tpu.memory_space<vmem>>
        %parallel_loop3A_350 = arith.index_cast %parallel_loop3A_142 : i32 to index
        %parallel_loop3A_351 = arith.constant 240 : index
        %parallel_loop3A_352 = tpu.vector_load %parallel_loop3A_349[%parallel_loop3A_350, %parallel_loop3A_351] {strides = array<i32>} : memref<64x512xf32, #tpu.memory_space<vmem>>, vector<1x16xf32>,
        %parallel_loop3A_353 = vector.shape_cast %parallel_loop3A_352 : vector<1x16xf32> to vector<16xf32>
        %parallel_loop3A_354 = vector.shape_cast %parallel_loop3A_345 : vector<16xf32> to vector<1x16xf32>
        tpu.vector_store %parallel_loop3A_349[%parallel_loop3A_350, %parallel_loop3A_351], %parallel_loop3A_354 {strides = array<i32>} : memref<64x512xf32, #tpu.memory_space<vmem>>, vector<1x16xf32>,
        %parallel_loop3A_355 = arith.index_cast %parallel_loop3A_146 : i32 to index
        %parallel_loop3A_356 = arith.constant 256 : index
        %parallel_loop3A_357 = tpu.vector_load %arg6[%parallel_loop3A_355, %parallel_loop3A_356] {strides = array<i32>} : memref<3x512xf32, #tpu.memory_space<vmem>>, vector<1x16xf32>,
        %parallel_loop3A_358 = vector.shape_cast %parallel_loop3A_357 : vector<1x16xf32> to vector<16xf32>
        %parallel_loop3A_359 = arith.constant 0 : i32
        %parallel_loop3A_360 = arith.constant 0 : i32
        %parallel_loop3A_361 = tpu.memref_slice %arg7[%scan3A_13, %parallel_loop3A_359, %parallel_loop3A_360] : memref<2x64x512xf32, #tpu.memory_space<vmem>> -> memref<1x64x512xf32, #tpu.memory_space<vmem>>
        %parallel_loop3A_362 = tpu.memref_squeeze %parallel_loop3A_361 : memref<1x64x512xf32, #tpu.memory_space<vmem>> -> memref<64x512xf32, #tpu.memory_space<vmem>>
        %parallel_loop3A_363 = arith.index_cast %parallel_loop3A_142 : i32 to index
        %parallel_loop3A_364 = arith.constant 256 : index
        %parallel_loop3A_365 = tpu.vector_load %parallel_loop3A_362[%parallel_loop3A_363, %parallel_loop3A_364] {strides = array<i32>} : memref<64x512xf32, #tpu.memory_space<vmem>>, vector<1x16xf32>,
        %parallel_loop3A_366 = vector.shape_cast %parallel_loop3A_365 : vector<1x16xf32> to vector<16xf32>
        %parallel_loop3A_367 = vector.shape_cast %parallel_loop3A_358 : vector<16xf32> to vector<1x16xf32>
        tpu.vector_store %parallel_loop3A_362[%parallel_loop3A_363, %parallel_loop3A_364], %parallel_loop3A_367 {strides = array<i32>} : memref<64x512xf32, #tpu.memory_space<vmem>>, vector<1x16xf32>,
        %parallel_loop3A_368 = arith.index_cast %parallel_loop3A_146 : i32 to index
        %parallel_loop3A_369 = arith.constant 272 : index
        %parallel_loop3A_370 = tpu.vector_load %arg6[%parallel_loop3A_368, %parallel_loop3A_369] {strides = array<i32>} : memref<3x512xf32, #tpu.memory_space<vmem>>, vector<1x16xf32>,
        %parallel_loop3A_371 = vector.shape_cast %parallel_loop3A_370 : vector<1x16xf32> to vector<16xf32>
        %parallel_loop3A_372 = arith.constant 0 : i32
        %parallel_loop3A_373 = arith.constant 0 : i32
        %parallel_loop3A_374 = tpu.memref_slice %arg7[%scan3A_13, %parallel_loop3A_372, %parallel_loop3A_373] : memref<2x64x512xf32, #tpu.memory_space<vmem>> -> memref<1x64x512xf32, #tpu.memory_space<vmem>>
        %parallel_loop3A_375 = tpu.memref_squeeze %parallel_loop3A_374 : memref<1x64x512xf32, #tpu.memory_space<vmem>> -> memref<64x512xf32, #tpu.memory_space<vmem>>
        %parallel_loop3A_376 = arith.index_cast %parallel_loop3A_142 : i32 to index
        %parallel_loop3A_377 = arith.constant 272 : index
        %parallel_loop3A_378 = tpu.vector_load %parallel_loop3A_375[%parallel_loop3A_376, %parallel_loop3A_377] {strides = array<i32>} : memref<64x512xf32, #tpu.memory_space<vmem>>, vector<1x16xf32>,
        %parallel_loop3A_379 = vector.shape_cast %parallel_loop3A_378 : vector<1x16xf32> to vector<16xf32>
        %parallel_loop3A_380 = vector.shape_cast %parallel_loop3A_371 : vector<16xf32> to vector<1x16xf32>
        tpu.vector_store %parallel_loop3A_375[%parallel_loop3A_376, %parallel_loop3A_377], %parallel_loop3A_380 {strides = array<i32>} : memref<64x512xf32, #tpu.memory_space<vmem>>, vector<1x16xf32>,
        %parallel_loop3A_381 = arith.index_cast %parallel_loop3A_146 : i32 to index
        %parallel_loop3A_382 = arith.constant 288 : index
        %parallel_loop3A_383 = tpu.vector_load %arg6[%parallel_loop3A_381, %parallel_loop3A_382] {strides = array<i32>} : memref<3x512xf32, #tpu.memory_space<vmem>>, vector<1x16xf32>,
        %parallel_loop3A_384 = vector.shape_cast %parallel_loop3A_383 : vector<1x16xf32> to vector<16xf32>
        %parallel_loop3A_385 = arith.constant 0 : i32
        %parallel_loop3A_386 = arith.constant 0 : i32
        %parallel_loop3A_387 = tpu.memref_slice %arg7[%scan3A_13, %parallel_loop3A_385, %parallel_loop3A_386] : memref<2x64x512xf32, #tpu.memory_space<vmem>> -> memref<1x64x512xf32, #tpu.memory_space<vmem>>
        %parallel_loop3A_388 = tpu.memref_squeeze %parallel_loop3A_387 : memref<1x64x512xf32, #tpu.memory_space<vmem>> -> memref<64x512xf32, #tpu.memory_space<vmem>>
        %parallel_loop3A_389 = arith.index_cast %parallel_loop3A_142 : i32 to index
        %parallel_loop3A_390 = arith.constant 288 : index
        %parallel_loop3A_391 = tpu.vector_load %parallel_loop3A_388[%parallel_loop3A_389, %parallel_loop3A_390] {strides = array<i32>} : memref<64x512xf32, #tpu.memory_space<vmem>>, vector<1x16xf32>,
        %parallel_loop3A_392 = vector.shape_cast %parallel_loop3A_391 : vector<1x16xf32> to vector<16xf32>
        %parallel_loop3A_393 = vector.shape_cast %parallel_loop3A_384 : vector<16xf32> to vector<1x16xf32>
        tpu.vector_store %parallel_loop3A_388[%parallel_loop3A_389, %parallel_loop3A_390], %parallel_loop3A_393 {strides = array<i32>} : memref<64x512xf32, #tpu.memory_space<vmem>>, vector<1x16xf32>,
        %parallel_loop3A_394 = arith.index_cast %parallel_loop3A_146 : i32 to index
        %parallel_loop3A_395 = arith.constant 304 : index
        %parallel_loop3A_396 = tpu.vector_load %arg6[%parallel_loop3A_394, %parallel_loop3A_395] {strides = array<i32>} : memref<3x512xf32, #tpu.memory_space<vmem>>, vector<1x16xf32>,
        %parallel_loop3A_397 = vector.shape_cast %parallel_loop3A_396 : vector<1x16xf32> to vector<16xf32>
        %parallel_loop3A_398 = arith.constant 0 : i32
        %parallel_loop3A_399 = arith.constant 0 : i32
        %parallel_loop3A_400 = tpu.memref_slice %arg7[%scan3A_13, %parallel_loop3A_398, %parallel_loop3A_399] : memref<2x64x512xf32, #tpu.memory_space<vmem>> -> memref<1x64x512xf32, #tpu.memory_space<vmem>>
        %parallel_loop3A_401 = tpu.memref_squeeze %parallel_loop3A_400 : memref<1x64x512xf32, #tpu.memory_space<vmem>> -> memref<64x512xf32, #tpu.memory_space<vmem>>
        %parallel_loop3A_402 = arith.index_cast %parallel_loop3A_142 : i32 to index
        %parallel_loop3A_403 = arith.constant 304 : index
        %parallel_loop3A_404 = tpu.vector_load %parallel_loop3A_401[%parallel_loop3A_402, %parallel_loop3A_403] {strides = array<i32>} : memref<64x512xf32, #tpu.memory_space<vmem>>, vector<1x16xf32>,
        %parallel_loop3A_405 = vector.shape_cast %parallel_loop3A_404 : vector<1x16xf32> to vector<16xf32>
        %parallel_loop3A_406 = vector.shape_cast %parallel_loop3A_397 : vector<16xf32> to vector<1x16xf32>
        tpu.vector_store %parallel_loop3A_401[%parallel_loop3A_402, %parallel_loop3A_403], %parallel_loop3A_406 {strides = array<i32>} : memref<64x512xf32, #tpu.memory_space<vmem>>, vector<1x16xf32>,
        %parallel_loop3A_407 = arith.index_cast %parallel_loop3A_146 : i32 to index
        %parallel_loop3A_408 = arith.constant 320 : index
        %parallel_loop3A_409 = tpu.vector_load %arg6[%parallel_loop3A_407, %parallel_loop3A_408] {strides = array<i32>} : memref<3x512xf32, #tpu.memory_space<vmem>>, vector<1x16xf32>,
        %parallel_loop3A_410 = vector.shape_cast %parallel_loop3A_409 : vector<1x16xf32> to vector<16xf32>
        %parallel_loop3A_411 = arith.constant 0 : i32
        %parallel_loop3A_412 = arith.constant 0 : i32
        %parallel_loop3A_413 = tpu.memref_slice %arg7[%scan3A_13, %parallel_loop3A_411, %parallel_loop3A_412] : memref<2x64x512xf32, #tpu.memory_space<vmem>> -> memref<1x64x512xf32, #tpu.memory_space<vmem>>
        %parallel_loop3A_414 = tpu.memref_squeeze %parallel_loop3A_413 : memref<1x64x512xf32, #tpu.memory_space<vmem>> -> memref<64x512xf32, #tpu.memory_space<vmem>>
        %parallel_loop3A_415 = arith.index_cast %parallel_loop3A_142 : i32 to index
        %parallel_loop3A_416 = arith.constant 320 : index
        %parallel_loop3A_417 = tpu.vector_load %parallel_loop3A_414[%parallel_loop3A_415, %parallel_loop3A_416] {strides = array<i32>} : memref<64x512xf32, #tpu.memory_space<vmem>>, vector<1x16xf32>,
        %parallel_loop3A_418 = vector.shape_cast %parallel_loop3A_417 : vector<1x16xf32> to vector<16xf32>
        %parallel_loop3A_419 = vector.shape_cast %parallel_loop3A_410 : vector<16xf32> to vector<1x16xf32>
        tpu.vector_store %parallel_loop3A_414[%parallel_loop3A_415, %parallel_loop3A_416], %parallel_loop3A_419 {strides = array<i32>} : memref<64x512xf32, #tpu.memory_space<vmem>>, vector<1x16xf32>,
        %parallel_loop3A_420 = arith.index_cast %parallel_loop3A_146 : i32 to index
        %parallel_loop3A_421 = arith.constant 336 : index
        %parallel_loop3A_422 = tpu.vector_load %arg6[%parallel_loop3A_420, %parallel_loop3A_421] {strides = array<i32>} : memref<3x512xf32, #tpu.memory_space<vmem>>, vector<1x16xf32>,
        %parallel_loop3A_423 = vector.shape_cast %parallel_loop3A_422 : vector<1x16xf32> to vector<16xf32>
        %parallel_loop3A_424 = arith.constant 0 : i32
        %parallel_loop3A_425 = arith.constant 0 : i32
        %parallel_loop3A_426 = tpu.memref_slice %arg7[%scan3A_13, %parallel_loop3A_424, %parallel_loop3A_425] : memref<2x64x512xf32, #tpu.memory_space<vmem>> -> memref<1x64x512xf32, #tpu.memory_space<vmem>>
        %parallel_loop3A_427 = tpu.memref_squeeze %parallel_loop3A_426 : memref<1x64x512xf32, #tpu.memory_space<vmem>> -> memref<64x512xf32, #tpu.memory_space<vmem>>
        %parallel_loop3A_428 = arith.index_cast %parallel_loop3A_142 : i32 to index
        %parallel_loop3A_429 = arith.constant 336 : index
        %parallel_loop3A_430 = tpu.vector_load %parallel_loop3A_427[%parallel_loop3A_428, %parallel_loop3A_429] {strides = array<i32>} : memref<64x512xf32, #tpu.memory_space<vmem>>, vector<1x16xf32>,
        %parallel_loop3A_431 = vector.shape_cast %parallel_loop3A_430 : vector<1x16xf32> to vector<16xf32>
        %parallel_loop3A_432 = vector.shape_cast %parallel_loop3A_423 : vector<16xf32> to vector<1x16xf32>
        tpu.vector_store %parallel_loop3A_427[%parallel_loop3A_428, %parallel_loop3A_429], %parallel_loop3A_432 {strides = array<i32>} : memref<64x512xf32, #tpu.memory_space<vmem>>, vector<1x16xf32>,
        %parallel_loop3A_433 = arith.index_cast %parallel_loop3A_146 : i32 to index
        %parallel_loop3A_434 = arith.constant 352 : index
        %parallel_loop3A_435 = tpu.vector_load %arg6[%parallel_loop3A_433, %parallel_loop3A_434] {strides = array<i32>} : memref<3x512xf32, #tpu.memory_space<vmem>>, vector<1x16xf32>,
        %parallel_loop3A_436 = vector.shape_cast %parallel_loop3A_435 : vector<1x16xf32> to vector<16xf32>
        %parallel_loop3A_437 = arith.constant 0 : i32
        %parallel_loop3A_438 = arith.constant 0 : i32
        %parallel_loop3A_439 = tpu.memref_slice %arg7[%scan3A_13, %parallel_loop3A_437, %parallel_loop3A_438] : memref<2x64x512xf32, #tpu.memory_space<vmem>> -> memref<1x64x512xf32, #tpu.memory_space<vmem>>
        %parallel_loop3A_440 = tpu.memref_squeeze %parallel_loop3A_439 : memref<1x64x512xf32, #tpu.memory_space<vmem>> -> memref<64x512xf32, #tpu.memory_space<vmem>>
        %parallel_loop3A_441 = arith.index_cast %parallel_loop3A_142 : i32 to index
        %parallel_loop3A_442 = arith.constant 352 : index
        %parallel_loop3A_443 = tpu.vector_load %parallel_loop3A_440[%parallel_loop3A_441, %parallel_loop3A_442] {strides = array<i32>} : memref<64x512xf32, #tpu.memory_space<vmem>>, vector<1x16xf32>,
        %parallel_loop3A_444 = vector.shape_cast %parallel_loop3A_443 : vector<1x16xf32> to vector<16xf32>
        %parallel_loop3A_445 = vector.shape_cast %parallel_loop3A_436 : vector<16xf32> to vector<1x16xf32>
        tpu.vector_store %parallel_loop3A_440[%parallel_loop3A_441, %parallel_loop3A_442], %parallel_loop3A_445 {strides = array<i32>} : memref<64x512xf32, #tpu.memory_space<vmem>>, vector<1x16xf32>,
        %parallel_loop3A_446 = arith.index_cast %parallel_loop3A_146 : i32 to index
        %parallel_loop3A_447 = arith.constant 368 : index
        %parallel_loop3A_448 = tpu.vector_load %arg6[%parallel_loop3A_446, %parallel_loop3A_447] {strides = array<i32>} : memref<3x512xf32, #tpu.memory_space<vmem>>, vector<1x16xf32>,
        %parallel_loop3A_449 = vector.shape_cast %parallel_loop3A_448 : vector<1x16xf32> to vector<16xf32>
        %parallel_loop3A_450 = arith.constant 0 : i32
        %parallel_loop3A_451 = arith.constant 0 : i32
        %parallel_loop3A_452 = tpu.memref_slice %arg7[%scan3A_13, %parallel_loop3A_450, %parallel_loop3A_451] : memref<2x64x512xf32, #tpu.memory_space<vmem>> -> memref<1x64x512xf32, #tpu.memory_space<vmem>>
        %parallel_loop3A_453 = tpu.memref_squeeze %parallel_loop3A_452 : memref<1x64x512xf32, #tpu.memory_space<vmem>> -> memref<64x512xf32, #tpu.memory_space<vmem>>
        %parallel_loop3A_454 = arith.index_cast %parallel_loop3A_142 : i32 to index
        %parallel_loop3A_455 = arith.constant 368 : index
        %parallel_loop3A_456 = tpu.vector_load %parallel_loop3A_453[%parallel_loop3A_454, %parallel_loop3A_455] {strides = array<i32>} : memref<64x512xf32, #tpu.memory_space<vmem>>, vector<1x16xf32>,
        %parallel_loop3A_457 = vector.shape_cast %parallel_loop3A_456 : vector<1x16xf32> to vector<16xf32>
        %parallel_loop3A_458 = vector.shape_cast %parallel_loop3A_449 : vector<16xf32> to vector<1x16xf32>
        tpu.vector_store %parallel_loop3A_453[%parallel_loop3A_454, %parallel_loop3A_455], %parallel_loop3A_458 {strides = array<i32>} : memref<64x512xf32, #tpu.memory_space<vmem>>, vector<1x16xf32>,
        %parallel_loop3A_459 = arith.index_cast %parallel_loop3A_146 : i32 to index
        %parallel_loop3A_460 = arith.constant 384 : index
        %parallel_loop3A_461 = tpu.vector_load %arg6[%parallel_loop3A_459, %parallel_loop3A_460] {strides = array<i32>} : memref<3x512xf32, #tpu.memory_space<vmem>>, vector<1x16xf32>,
        %parallel_loop3A_462 = vector.shape_cast %parallel_loop3A_461 : vector<1x16xf32> to vector<16xf32>
        %parallel_loop3A_463 = arith.constant 0 : i32
        %parallel_loop3A_464 = arith.constant 0 : i32
        %parallel_loop3A_465 = tpu.memref_slice %arg7[%scan3A_13, %parallel_loop3A_463, %parallel_loop3A_464] : memref<2x64x512xf32, #tpu.memory_space<vmem>> -> memref<1x64x512xf32, #tpu.memory_space<vmem>>
        %parallel_loop3A_466 = tpu.memref_squeeze %parallel_loop3A_465 : memref<1x64x512xf32, #tpu.memory_space<vmem>> -> memref<64x512xf32, #tpu.memory_space<vmem>>
        %parallel_loop3A_467 = arith.index_cast %parallel_loop3A_142 : i32 to index
        %parallel_loop3A_468 = arith.constant 384 : index
        %parallel_loop3A_469 = tpu.vector_load %parallel_loop3A_466[%parallel_loop3A_467, %parallel_loop3A_468] {strides = array<i32>} : memref<64x512xf32, #tpu.memory_space<vmem>>, vector<1x16xf32>,
        %parallel_loop3A_470 = vector.shape_cast %parallel_loop3A_469 : vector<1x16xf32> to vector<16xf32>
        %parallel_loop3A_471 = vector.shape_cast %parallel_loop3A_462 : vector<16xf32> to vector<1x16xf32>
        tpu.vector_store %parallel_loop3A_466[%parallel_loop3A_467, %parallel_loop3A_468], %parallel_loop3A_471 {strides = array<i32>} : memref<64x512xf32, #tpu.memory_space<vmem>>, vector<1x16xf32>,
        %parallel_loop3A_472 = arith.index_cast %parallel_loop3A_146 : i32 to index
        %parallel_loop3A_473 = arith.constant 400 : index
        %parallel_loop3A_474 = tpu.vector_load %arg6[%parallel_loop3A_472, %parallel_loop3A_473] {strides = array<i32>} : memref<3x512xf32, #tpu.memory_space<vmem>>, vector<1x16xf32>,
        %parallel_loop3A_475 = vector.shape_cast %parallel_loop3A_474 : vector<1x16xf32> to vector<16xf32>
        %parallel_loop3A_476 = arith.constant 0 : i32
        %parallel_loop3A_477 = arith.constant 0 : i32
        %parallel_loop3A_478 = tpu.memref_slice %arg7[%scan3A_13, %parallel_loop3A_476, %parallel_loop3A_477] : memref<2x64x512xf32, #tpu.memory_space<vmem>> -> memref<1x64x512xf32, #tpu.memory_space<vmem>>
        %parallel_loop3A_479 = tpu.memref_squeeze %parallel_loop3A_478 : memref<1x64x512xf32, #tpu.memory_space<vmem>> -> memref<64x512xf32, #tpu.memory_space<vmem>>
        %parallel_loop3A_480 = arith.index_cast %parallel_loop3A_142 : i32 to index
        %parallel_loop3A_481 = arith.constant 400 : index
        %parallel_loop3A_482 = tpu.vector_load %parallel_loop3A_479[%parallel_loop3A_480, %parallel_loop3A_481] {strides = array<i32>} : memref<64x512xf32, #tpu.memory_space<vmem>>, vector<1x16xf32>,
        %parallel_loop3A_483 = vector.shape_cast %parallel_loop3A_482 : vector<1x16xf32> to vector<16xf32>
        %parallel_loop3A_484 = vector.shape_cast %parallel_loop3A_475 : vector<16xf32> to vector<1x16xf32>
        tpu.vector_store %parallel_loop3A_479[%parallel_loop3A_480, %parallel_loop3A_481], %parallel_loop3A_484 {strides = array<i32>} : memref<64x512xf32, #tpu.memory_space<vmem>>, vector<1x16xf32>,
        %parallel_loop3A_485 = arith.index_cast %parallel_loop3A_146 : i32 to index
        %parallel_loop3A_486 = arith.constant 416 : index
        %parallel_loop3A_487 = tpu.vector_load %arg6[%parallel_loop3A_485, %parallel_loop3A_486] {strides = array<i32>} : memref<3x512xf32, #tpu.memory_space<vmem>>, vector<1x16xf32>,
        %parallel_loop3A_488 = vector.shape_cast %parallel_loop3A_487 : vector<1x16xf32> to vector<16xf32>
        %parallel_loop3A_489 = arith.constant 0 : i32
        %parallel_loop3A_490 = arith.constant 0 : i32
        %parallel_loop3A_491 = tpu.memref_slice %arg7[%scan3A_13, %parallel_loop3A_489, %parallel_loop3A_490] : memref<2x64x512xf32, #tpu.memory_space<vmem>> -> memref<1x64x512xf32, #tpu.memory_space<vmem>>
        %parallel_loop3A_492 = tpu.memref_squeeze %parallel_loop3A_491 : memref<1x64x512xf32, #tpu.memory_space<vmem>> -> memref<64x512xf32, #tpu.memory_space<vmem>>
        %parallel_loop3A_493 = arith.index_cast %parallel_loop3A_142 : i32 to index
        %parallel_loop3A_494 = arith.constant 416 : index
        %parallel_loop3A_495 = tpu.vector_load %parallel_loop3A_492[%parallel_loop3A_493, %parallel_loop3A_494] {strides = array<i32>} : memref<64x512xf32, #tpu.memory_space<vmem>>, vector<1x16xf32>,
        %parallel_loop3A_496 = vector.shape_cast %parallel_loop3A_495 : vector<1x16xf32> to vector<16xf32>
        %parallel_loop3A_497 = vector.shape_cast %parallel_loop3A_488 : vector<16xf32> to vector<1x16xf32>
        tpu.vector_store %parallel_loop3A_492[%parallel_loop3A_493, %parallel_loop3A_494], %parallel_loop3A_497 {strides = array<i32>} : memref<64x512xf32, #tpu.memory_space<vmem>>, vector<1x16xf32>,
        %parallel_loop3A_498 = arith.index_cast %parallel_loop3A_146 : i32 to index
        %parallel_loop3A_499 = arith.constant 432 : index
        %parallel_loop3A_500 = tpu.vector_load %arg6[%parallel_loop3A_498, %parallel_loop3A_499] {strides = array<i32>} : memref<3x512xf32, #tpu.memory_space<vmem>>, vector<1x16xf32>,
        %parallel_loop3A_501 = vector.shape_cast %parallel_loop3A_500 : vector<1x16xf32> to vector<16xf32>
        %parallel_loop3A_502 = arith.constant 0 : i32
        %parallel_loop3A_503 = arith.constant 0 : i32
        %parallel_loop3A_504 = tpu.memref_slice %arg7[%scan3A_13, %parallel_loop3A_502, %parallel_loop3A_503] : memref<2x64x512xf32, #tpu.memory_space<vmem>> -> memref<1x64x512xf32, #tpu.memory_space<vmem>>
        %parallel_loop3A_505 = tpu.memref_squeeze %parallel_loop3A_504 : memref<1x64x512xf32, #tpu.memory_space<vmem>> -> memref<64x512xf32, #tpu.memory_space<vmem>>
        %parallel_loop3A_506 = arith.index_cast %parallel_loop3A_142 : i32 to index
        %parallel_loop3A_507 = arith.constant 432 : index
        %parallel_loop3A_508 = tpu.vector_load %parallel_loop3A_505[%parallel_loop3A_506, %parallel_loop3A_507] {strides = array<i32>} : memref<64x512xf32, #tpu.memory_space<vmem>>, vector<1x16xf32>,
        %parallel_loop3A_509 = vector.shape_cast %parallel_loop3A_508 : vector<1x16xf32> to vector<16xf32>
        %parallel_loop3A_510 = vector.shape_cast %parallel_loop3A_501 : vector<16xf32> to vector<1x16xf32>
        tpu.vector_store %parallel_loop3A_505[%parallel_loop3A_506, %parallel_loop3A_507], %parallel_loop3A_510 {strides = array<i32>} : memref<64x512xf32, #tpu.memory_space<vmem>>, vector<1x16xf32>,
        %parallel_loop3A_511 = arith.index_cast %parallel_loop3A_146 : i32 to index
        %parallel_loop3A_512 = arith.constant 448 : index
        %parallel_loop3A_513 = tpu.vector_load %arg6[%parallel_loop3A_511, %parallel_loop3A_512] {strides = array<i32>} : memref<3x512xf32, #tpu.memory_space<vmem>>, vector<1x16xf32>,
        %parallel_loop3A_514 = vector.shape_cast %parallel_loop3A_513 : vector<1x16xf32> to vector<16xf32>
        %parallel_loop3A_515 = arith.constant 0 : i32
        %parallel_loop3A_516 = arith.constant 0 : i32
        %parallel_loop3A_517 = tpu.memref_slice %arg7[%scan3A_13, %parallel_loop3A_515, %parallel_loop3A_516] : memref<2x64x512xf32, #tpu.memory_space<vmem>> -> memref<1x64x512xf32, #tpu.memory_space<vmem>>
        %parallel_loop3A_518 = tpu.memref_squeeze %parallel_loop3A_517 : memref<1x64x512xf32, #tpu.memory_space<vmem>> -> memref<64x512xf32, #tpu.memory_space<vmem>>
        %parallel_loop3A_519 = arith.index_cast %parallel_loop3A_142 : i32 to index
        %parallel_loop3A_520 = arith.constant 448 : index
        %parallel_loop3A_521 = tpu.vector_load %parallel_loop3A_518[%parallel_loop3A_519, %parallel_loop3A_520] {strides = array<i32>} : memref<64x512xf32, #tpu.memory_space<vmem>>, vector<1x16xf32>,
        %parallel_loop3A_522 = vector.shape_cast %parallel_loop3A_521 : vector<1x16xf32> to vector<16xf32>
        %parallel_loop3A_523 = vector.shape_cast %parallel_loop3A_514 : vector<16xf32> to vector<1x16xf32>
        tpu.vector_store %parallel_loop3A_518[%parallel_loop3A_519, %parallel_loop3A_520], %parallel_loop3A_523 {strides = array<i32>} : memref<64x512xf32, #tpu.memory_space<vmem>>, vector<1x16xf32>,
        %parallel_loop3A_524 = arith.index_cast %parallel_loop3A_146 : i32 to index
        %parallel_loop3A_525 = arith.constant 464 : index
        %parallel_loop3A_526 = tpu.vector_load %arg6[%parallel_loop3A_524, %parallel_loop3A_525] {strides = array<i32>} : memref<3x512xf32, #tpu.memory_space<vmem>>, vector<1x16xf32>,
        %parallel_loop3A_527 = vector.shape_cast %parallel_loop3A_526 : vector<1x16xf32> to vector<16xf32>
        %parallel_loop3A_528 = arith.constant 0 : i32
        %parallel_loop3A_529 = arith.constant 0 : i32
        %parallel_loop3A_530 = tpu.memref_slice %arg7[%scan3A_13, %parallel_loop3A_528, %parallel_loop3A_529] : memref<2x64x512xf32, #tpu.memory_space<vmem>> -> memref<1x64x512xf32, #tpu.memory_space<vmem>>
        %parallel_loop3A_531 = tpu.memref_squeeze %parallel_loop3A_530 : memref<1x64x512xf32, #tpu.memory_space<vmem>> -> memref<64x512xf32, #tpu.memory_space<vmem>>
        %parallel_loop3A_532 = arith.index_cast %parallel_loop3A_142 : i32 to index
        %parallel_loop3A_533 = arith.constant 464 : index
        %parallel_loop3A_534 = tpu.vector_load %parallel_loop3A_531[%parallel_loop3A_532, %parallel_loop3A_533] {strides = array<i32>} : memref<64x512xf32, #tpu.memory_space<vmem>>, vector<1x16xf32>,
        %parallel_loop3A_535 = vector.shape_cast %parallel_loop3A_534 : vector<1x16xf32> to vector<16xf32>
        %parallel_loop3A_536 = vector.shape_cast %parallel_loop3A_527 : vector<16xf32> to vector<1x16xf32>
        tpu.vector_store %parallel_loop3A_531[%parallel_loop3A_532, %parallel_loop3A_533], %parallel_loop3A_536 {strides = array<i32>} : memref<64x512xf32, #tpu.memory_space<vmem>>, vector<1x16xf32>,
        %parallel_loop3A_537 = arith.index_cast %parallel_loop3A_146 : i32 to index
        %parallel_loop3A_538 = arith.constant 480 : index
        %parallel_loop3A_539 = tpu.vector_load %arg6[%parallel_loop3A_537, %parallel_loop3A_538] {strides = array<i32>} : memref<3x512xf32, #tpu.memory_space<vmem>>, vector<1x16xf32>,
        %parallel_loop3A_540 = vector.shape_cast %parallel_loop3A_539 : vector<1x16xf32> to vector<16xf32>
        %parallel_loop3A_541 = arith.constant 0 : i32
        %parallel_loop3A_542 = arith.constant 0 : i32
        %parallel_loop3A_543 = tpu.memref_slice %arg7[%scan3A_13, %parallel_loop3A_541, %parallel_loop3A_542] : memref<2x64x512xf32, #tpu.memory_space<vmem>> -> memref<1x64x512xf32, #tpu.memory_space<vmem>>
        %parallel_loop3A_544 = tpu.memref_squeeze %parallel_loop3A_543 : memref<1x64x512xf32, #tpu.memory_space<vmem>> -> memref<64x512xf32, #tpu.memory_space<vmem>>
        %parallel_loop3A_545 = arith.index_cast %parallel_loop3A_142 : i32 to index
        %parallel_loop3A_546 = arith.constant 480 : index
        %parallel_loop3A_547 = tpu.vector_load %parallel_loop3A_544[%parallel_loop3A_545, %parallel_loop3A_546] {strides = array<i32>} : memref<64x512xf32, #tpu.memory_space<vmem>>, vector<1x16xf32>,
        %parallel_loop3A_548 = vector.shape_cast %parallel_loop3A_547 : vector<1x16xf32> to vector<16xf32>
        %parallel_loop3A_549 = vector.shape_cast %parallel_loop3A_540 : vector<16xf32> to vector<1x16xf32>
        tpu.vector_store %parallel_loop3A_544[%parallel_loop3A_545, %parallel_loop3A_546], %parallel_loop3A_549 {strides = array<i32>} : memref<64x512xf32, #tpu.memory_space<vmem>>, vector<1x16xf32>,
        %parallel_loop3A_550 = arith.index_cast %parallel_loop3A_146 : i32 to index
        %parallel_loop3A_551 = arith.constant 496 : index
        %parallel_loop3A_552 = tpu.vector_load %arg6[%parallel_loop3A_550, %parallel_loop3A_551] {strides = array<i32>} : memref<3x512xf32, #tpu.memory_space<vmem>>, vector<1x16xf32>,
        %parallel_loop3A_553 = vector.shape_cast %parallel_loop3A_552 : vector<1x16xf32> to vector<16xf32>
        %parallel_loop3A_554 = arith.constant 0 : i32
        %parallel_loop3A_555 = arith.constant 0 : i32
        %parallel_loop3A_556 = tpu.memref_slice %arg7[%scan3A_13, %parallel_loop3A_554, %parallel_loop3A_555] : memref<2x64x512xf32, #tpu.memory_space<vmem>> -> memref<1x64x512xf32, #tpu.memory_space<vmem>>
        %parallel_loop3A_557 = tpu.memref_squeeze %parallel_loop3A_556 : memref<1x64x512xf32, #tpu.memory_space<vmem>> -> memref<64x512xf32, #tpu.memory_space<vmem>>
        %parallel_loop3A_558 = arith.index_cast %parallel_loop3A_142 : i32 to index
        %parallel_loop3A_559 = arith.constant 496 : index
        %parallel_loop3A_560 = tpu.vector_load %parallel_loop3A_557[%parallel_loop3A_558, %parallel_loop3A_559] {strides = array<i32>} : memref<64x512xf32, #tpu.memory_space<vmem>>, vector<1x16xf32>,
        %parallel_loop3A_561 = vector.shape_cast %parallel_loop3A_560 : vector<1x16xf32> to vector<16xf32>
        %parallel_loop3A_562 = vector.shape_cast %parallel_loop3A_553 : vector<16xf32> to vector<1x16xf32>
        tpu.vector_store %parallel_loop3A_557[%parallel_loop3A_558, %parallel_loop3A_559], %parallel_loop3A_562 {strides = array<i32>} : memref<64x512xf32, #tpu.memory_space<vmem>>, vector<1x16xf32>,
      } {sc.loop_unroll_factor = 8 : i64, sc.parallel_access}
      %mul3A_124 = arith.constant 64 : i32
      %mul3A_125 = arith.muli %add3A_97, %mul3A_124 : i32
      %add3A_126 = arith.addi %mul3A_2, %mul3A_125 : i32
      %dma_start3A_127 = arith.constant 1 : i32
      %dma_start3A_128 = arith.constant 0 : i32
      %dma_start3A_129 = arith.constant 0 : i32
      %dma_start3A_130 = tpu.memref_slice %arg7[%scan3A_13, %dma_start3A_128, %dma_start3A_129] : memref<2x64x512xf32, #tpu.memory_space<vmem>> -> memref<1x64x512xf32, #tpu.memory_space<vmem>>
      %dma_start3A_131 = tpu.memref_squeeze %dma_start3A_130 : memref<1x64x512xf32, #tpu.memory_space<vmem>> -> memref<64x512xf32, #tpu.memory_space<vmem>>
      %dma_start3A_132 = arith.constant 0 : i32
      %dma_start3A_133 = tpu.memref_slice %arg4[%add3A_126, %dma_start3A_132] : memref<32768x512xf32, #tpu.memory_space<hbm>> -> memref<64x512xf32, #tpu.memory_space<hbm>>
      %dma_start3A_134 = tpu.memref_slice %arg10[%dma_start3A_127] : memref<2x!tpu.dma_semaphore, #tpu.memory_space<semaphore_mem>> -> memref<1x!tpu.dma_semaphore, #tpu.memory_space<semaphore_mem>>
      %dma_start3A_135 = tpu.memref_squeeze %dma_start3A_134 : memref<1x!tpu.dma_semaphore, #tpu.memory_space<semaphore_mem>> -> memref<!tpu.dma_semaphore, #tpu.memory_space<semaphore_mem>>
      %dma_start3A_136 = arith.constant 0 : i32
      %dma_start3A_137 = tpu.memref_slice %arg4[%add3A_126, %dma_start3A_136] : memref<32768x512xf32, #tpu.memory_space<hbm>> -> memref<64x512xf32, #tpu.memory_space<hbm>>
      %dma_start3A_138 = arith.constant 0 : i32
      %dma_start3A_139 = arith.constant 0 : i32
      %dma_start3A_140 = tpu.memref_slice %arg7[%scan3A_13, %dma_start3A_138, %dma_start3A_139] : memref<2x64x512xf32, #tpu.memory_space<vmem>> -> memref<1x64x512xf32, #tpu.memory_space<vmem>>
      %dma_start3A_141 = tpu.memref_squeeze %dma_start3A_140 : memref<1x64x512xf32, #tpu.memory_space<vmem>> -> memref<64x512xf32, #tpu.memory_space<vmem>>
      tpu.enqueue_dma source(%dma_start3A_141 : memref<64x512xf32, #tpu.memory_space<vmem>>) target(%dma_start3A_137 : memref<64x512xf32, #tpu.memory_space<hbm>>) target_semaphore(%dma_start3A_135 : memref<!tpu.dma_semaphore, #tpu.memory_space<semaphore_mem>>)
    }
    %scan3A_18 = arith.constant 8 : i32
    %dma_wait3A = arith.constant 0 : i32
    %dma_wait3A_19 = arith.constant 0 : i32
    %dma_wait3A_20 = arith.constant 0 : i32
    %dma_wait3A_21 = arith.constant 0 : i32
    %dma_wait3A_22 = tpu.memref_slice %arg7[%dma_wait3A, %dma_wait3A_20, %dma_wait3A_21] : memref<2x64x512xf32, #tpu.memory_space<vmem>> -> memref<1x64x512xf32, #tpu.memory_space<vmem>>
    %dma_wait3A_23 = tpu.memref_squeeze %dma_wait3A_22 : memref<1x64x512xf32, #tpu.memory_space<vmem>> -> memref<64x512xf32, #tpu.memory_space<vmem>>
    %dma_wait3A_24 = arith.constant 0 : i32
    %dma_wait3A_25 = tpu.memref_slice %arg4[%mul3A_2, %dma_wait3A_24] : memref<32768x512xf32, #tpu.memory_space<hbm>> -> memref<64x512xf32, #tpu.memory_space<hbm>>
    %dma_wait3A_26 = tpu.memref_slice %arg10[%dma_wait3A_19] : memref<2x!tpu.dma_semaphore, #tpu.memory_space<semaphore_mem>> -> memref<1x!tpu.dma_semaphore, #tpu.memory_space<semaphore_mem>>
    %dma_wait3A_27 = tpu.memref_squeeze %dma_wait3A_26 : memref<1x!tpu.dma_semaphore, #tpu.memory_space<semaphore_mem>> -> memref<!tpu.dma_semaphore, #tpu.memory_space<semaphore_mem>>
    %dma_wait3A_28 = arith.constant 0 : i32
    %dma_wait3A_29 = tpu.memref_slice %arg4[%mul3A_2, %dma_wait3A_28] : memref<32768x512xf32, #tpu.memory_space<hbm>> -> memref<64x512xf32, #tpu.memory_space<hbm>>
    %dma_wait3A_30 = arith.constant 0 : i32
    %dma_wait3A_31 = arith.constant 0 : i32
    %dma_wait3A_32 = tpu.memref_slice %arg7[%dma_wait3A, %dma_wait3A_30, %dma_wait3A_31] : memref<2x64x512xf32, #tpu.memory_space<vmem>> -> memref<1x64x512xf32, #tpu.memory_space<vmem>>
    %dma_wait3A_33 = tpu.memref_squeeze %dma_wait3A_32 : memref<1x64x512xf32, #tpu.memory_space<vmem>> -> memref<64x512xf32, #tpu.memory_space<vmem>>
    tpu.wait_dma2 semaphore(%dma_wait3A_27 : memref<!tpu.dma_semaphore, #tpu.memory_space<semaphore_mem>>) src(%dma_wait3A_33 : memref<64x512xf32, #tpu.memory_space<vmem>>) dst(%dma_wait3A_29 : memref<64x512xf32, #tpu.memory_space<hbm>>)
    %dma_wait3A_34 = arith.constant 1 : i32
    %dma_wait3A_35 = arith.constant 1 : i32
    %dma_wait3A_36 = arith.constant 0 : i32
    %dma_wait3A_37 = arith.constant 0 : i32
    %dma_wait3A_38 = tpu.memref_slice %arg7[%dma_wait3A_34, %dma_wait3A_36, %dma_wait3A_37] : memref<2x64x512xf32, #tpu.memory_space<vmem>> -> memref<1x64x512xf32, #tpu.memory_space<vmem>>
    %dma_wait3A_39 = tpu.memref_squeeze %dma_wait3A_38 : memref<1x64x512xf32, #tpu.memory_space<vmem>> -> memref<64x512xf32, #tpu.memory_space<vmem>>
    %dma_wait3A_40 = arith.constant 0 : i32
    %dma_wait3A_41 = tpu.memref_slice %arg4[%mul3A_2, %dma_wait3A_40] : memref<32768x512xf32, #tpu.memory_space<hbm>> -> memref<64x512xf32, #tpu.memory_space<hbm>>
    %dma_wait3A_42 = tpu.memref_slice %arg10[%dma_wait3A_35] : memref<2x!tpu.dma_semaphore, #tpu.memory_space<semaphore_mem>> -> memref<1x!tpu.dma_semaphore, #tpu.memory_space<semaphore_mem>>
    %dma_wait3A_43 = tpu.memref_squeeze %dma_wait3A_42 : memref<1x!tpu.dma_semaphore, #tpu.memory_space<semaphore_mem>> -> memref<!tpu.dma_semaphore, #tpu.memory_space<semaphore_mem>>
    %dma_wait3A_44 = arith.constant 0 : i32
    %dma_wait3A_45 = tpu.memref_slice %arg4[%mul3A_2, %dma_wait3A_44] : memref<32768x512xf32, #tpu.memory_space<hbm>> -> memref<64x512xf32, #tpu.memory_space<hbm>>
    %dma_wait3A_46 = arith.constant 0 : i32
    %dma_wait3A_47 = arith.constant 0 : i32
    %dma_wait3A_48 = tpu.memref_slice %arg7[%dma_wait3A_34, %dma_wait3A_46, %dma_wait3A_47] : memref<2x64x512xf32, #tpu.memory_space<vmem>> -> memref<1x64x512xf32, #tpu.memory_space<vmem>>
    %dma_wait3A_49 = tpu.memref_squeeze %dma_wait3A_48 : memref<1x64x512xf32, #tpu.memory_space<vmem>> -> memref<64x512xf32, #tpu.memory_space<vmem>>
    tpu.wait_dma2 semaphore(%dma_wait3A_43 : memref<!tpu.dma_semaphore, #tpu.memory_space<semaphore_mem>>) src(%dma_wait3A_49 : memref<64x512xf32, #tpu.memory_space<vmem>>) dst(%dma_wait3A_45 : memref<64x512xf32, #tpu.memory_space<hbm>>)
    return
  }
}

</mosaic_0001>

<sc_bundles>
// kernel: kernel.3.cloned.1.call-start
scs
__scs_entry_jumppad:
0x0: {  	(pc) =	sbr.rel $0x88, $3  }
0x1: {  	(tag) =	ssettag $0x0;
	lr =	simm.s32 $0x1  }
0x2: {  	[smem:$0x3F9F] =	sst lr;
	_ =	strace $0xD0000000  }
0x3: {  	_ = 	snop  }
0x4: {  	_ = 	snop  }
0x5: {  	_ = 	snop  }
0x6: {  	_ = 	snop  }
0x7: {  	_ = 	snop  }
__scs_overlays_trampoline_lowered:
0x8: {  	[smem:$0x3FAE] =	sst s0  }
0x9: {  	[smem:$0x3FAF] =	sst s1  }
0xa: {  	[smem:$0x3FB0] =	sst s2  }
0xb: {  	[smem:$0x3FB1] =	sst s3  }
0xc: {  	[smem:$0x3FB2] =	sst s4  }
0xd: {  	[smem:$0x3FB3] =	sst s5  }
0xe: {  	[smem:$0x3FB4] =	sst s6  }
0xf: {  	[smem:$0x3FB5] =	sst s7  }
0x10: {  	[smem:$0x3FB6] =	sst s8  }
0x11: {  	[smem:$0x3FB7] =	sst s9;
	s0 =	simm.s32 @!p0 $0x0  }
0x12: {  	s1 =	sld [smem:$0x3F9D];
	s0 =	simm.s32 @p0 $0x1  }
0x13: {  	[smem:$0x3FB8] =	sst s0;
	s0 =	simm.s32 @!p1 $0x0  }
0x14: {  	s2 =	sld [smem:$0x3F9C];
	s0 =	simm.s32 @p1 $0x1  }
0x15: {  	[smem:$0x3FB9] =	sst s0;
	s0 =	simm.s32 @!p2 $0x0  }
0x16: {  	s3 =	sld [smem:$0x3FDB];
	s0 =	simm.s32 @p2 $0x1  }
0x17: {  	s4 =	simm.s32 $0x1BF5;
	[smem:$0x3FBB] =	sst s0  }
0x18: {  	s0 =	sld [smem:$0x3F9E];
	_ =	swait.ge [sflag:s4], $0x0  }
0x19: {  	s7 =	sld [smem:$0x3F9F]  }
0x1a: {  	s8 =	sadd.s32 $0xFFFFE003, lr  }
0x1b: {  	s9 =	sadd.s32 $0xFFFFFEF7, lr;
	s5 =	simm.s32 $0xFFFFFFFF;
	p2 =	slt.u32 s8, $0xFFFFF086  }
0x1c: {  	p1 =	slt.u32 s9, $0xF7A;
	s5 =	simm.s32 @!p2 $0x0  }
0x1d: {  	s5 =	simm.s32 @p1 $0x1;
	p0 =	seq.s32 s7, s2  }
0x1e: {  	s7 =	smul.u32 @!p0 $0xF7A, s2;
	p2 =	seq.s32 @!p0 s5, $0x0  }
0x1f: {  	s9 =	smul.u32 $0xF7A, s1;
	s8 =	simm.s32 @!p0 $0x1BF5;
	p2 =	por !p2, p0  }
0x20: {  	[sflag:s8] =	ssyncset.s32 @!p0 $0xFFFFF086;
	s6 =	sadd.s32 @!p0 s3, s7;
	s7 =	simm.s32 @!p0 $0x108  }
0x21: {  	s3 =	sadd.s32 s3, s9;
	s6 =	sadd.s32 @!p0 $0x88, s6;
	s7 =	simm.s32 @p2 $0x1082  }
0x22: {  	[simem:s7], [sflag:s8] =	dma.local @!p0 [hbm:s6], $0xF7A  }
0x23: {  	s9 =	sor.u32 $0xD0000000, s2;
	s6 =	simm.s32 $0x108;
	_ =	swait.ge @!p0 [sflag:s8], $0x0  }
0x24: {  	s3 =	sadd.s32 $0x88, s3;
	s6 =	simm.s32 @!p1 $0x1082;
	[sflag:s4] =	ssyncset.s32 $0xFFFFF086  }
0x25: {  	[simem:s6], [sflag:s4] =	dma.local [hbm:s3], $0xF7A  }
0x26: {  	[smem:$0x3F9F] =	sst s1;
	(tag) =	ssettag s2;
	_ =	strace s9  }
0x27: {  	s1 =	sld [smem:$0x3FAF]  }
0x28: {  	s2 =	sld [smem:$0x3FB0]  }
0x29: {  	s4 =	sld [smem:$0x3FB2]  }
0x2a: {  	p0 =	seq.s32 s5, $0x0;
	s5 =	sld [smem:$0x3FB3]  }
0x2b: {  	s6 =	sld [smem:$0x3FB4]  }
0x2c: {  	s7 =	sld [smem:$0x3FB5]  }
0x2d: {  	s3 =	simm.s32 $0x108;
	s8 =	sld [smem:$0x3FB6]  }
0x2e: {  	s3 =	simm.s32 @!p0 $0x1082;
	s9 =	sld [smem:$0x3FB7]  }
0x2f: {  	lr =	sadd.s32 s0, s3;
	s0 =	sld [smem:$0x3FAE]  }
0x30: {  	s3 =	sld [smem:$0x3FB1]  }
0x31: {  	[smem:$0x3FBA] =	sst s10  }
0x32: {  	s10 =	sld [smem:$0x3FB8];
	_ =	sdelay $0x3  }
0x33: {  	p0 =	seq.s32 s10, $0x1;
	s10 =	sld [smem:$0x3FBA];
	_ =	sdelay $0x3  }
0x34: {  	[smem:$0x3FBA] =	sst s10  }
0x35: {  	s10 =	sld [smem:$0x3FB9];
	_ =	sdelay $0x3  }
0x36: {  	p1 =	seq.s32 s10, $0x1;
	s10 =	sld [smem:$0x3FBA];
	_ =	sdelay $0x3  }
0x37: {  	[smem:$0x3FBA] =	sst s10  }
0x38: {  	s10 =	sld [smem:$0x3FBB]  }
0x39: {  	_ = 	snop;
	(pc) =	sbr.ind lr, $3  }
0x3a: {  	_ = 	snop  }
0x3b: {  	_ = 	snop  }
0x3c: {  	p2 =	seq.s32 s10, $0x1;
	s10 =	sld [smem:$0x3FBA]  }
0x3d: {  	_ =	shalt  }
0x3e: {  	_ =	shalt  }
0x3f: {  	_ =	shalt  }
0x40: {  	_ =	shalt  }
0x41: {  	_ =	shalt  }
0x42: {  	_ =	shalt  }
0x43: {  	_ =	shalt  }
0x44: {  	_ =	shalt  }
0x45: {  	_ =	shalt  }
0x46: {  	_ =	shalt  }
0x47: {  	_ =	shalt  }
0x48: {  	_ =	shalt  }
0x49: {  	_ =	shalt  }
0x4a: {  	_ =	shalt  }
0x4b: {  	_ =	shalt  }
0x4c: {  	_ =	shalt  }
0x4d: {  	_ =	shalt  }
0x4e: {  	_ =	shalt  }
0x4f: {  	_ =	shalt  }
0x50: {  	_ =	shalt  }
0x51: {  	_ =	shalt  }
0x52: {  	_ =	shalt  }
0x53: {  	_ =	shalt  }
0x54: {  	_ =	shalt  }
0x55: {  	_ =	shalt  }
0x56: {  	_ =	shalt  }
0x57: {  	_ =	shalt  }
0x58: {  	_ =	shalt  }
0x59: {  	_ =	shalt  }
0x5a: {  	_ =	shalt  }
0x5b: {  	_ =	shalt  }
0x5c: {  	_ =	shalt  }
0x5d: {  	_ =	shalt  }
0x5e: {  	_ =	shalt  }
0x5f: {  	_ =	shalt  }
0x60: {  	_ =	shalt  }
0x61: {  	_ =	shalt  }
0x62: {  	_ =	shalt  }
0x63: {  	_ =	shalt  }
0x64: {  	_ =	shalt  }
0x65: {  	_ =	shalt  }
0x66: {  	_ =	shalt  }
0x67: {  	_ =	shalt  }
0x68: {  	_ =	shalt  }
0x69: {  	_ =	shalt  }
0x6a: {  	_ =	shalt  }
0x6b: {  	_ =	shalt  }
0x6c: {  	_ =	shalt  }
0x6d: {  	_ =	shalt  }
0x6e: {  	_ =	shalt  }
0x6f: {  	_ =	shalt  }
0x70: {  	_ =	shalt  }
0x71: {  	_ =	shalt  }
0x72: {  	_ =	shalt  }
0x73: {  	_ =	shalt  }
0x74: {  	_ =	shalt  }
0x75: {  	_ =	shalt  }
0x76: {  	_ =	shalt  }
0x77: {  	_ =	shalt  }
0x78: {  	_ =	shalt  }
0x79: {  	_ =	shalt  }
0x7a: {  	_ =	shalt  }
0x7b: {  	_ =	shalt  }
0x7c: {  	_ =	shalt  }
0x7d: {  	_ =	shalt  }
0x7e: {  	_ =	shalt  }
0x7f: {  	_ =	shalt  }
0x80: {  	_ =	shalt  }
0x81: {  	_ =	shalt  }
0x82: {  	_ =	shalt  }
0x83: {  	_ =	shalt  }
0x84: {  	_ =	shalt  }
0x85: {  	_ =	shalt  }
0x86: {  	_ =	shalt  }
0x87: {  	_ =	shalt  }
.Lfunc_end0:
.L_simem_size_0:
called_computation_lowered:
.L_overlay_start_0:
0x88: {  	s2 =	sld [smem:$0x3FD9]  }
0x89: {  	s3 =	sld [smem:$0x3FFE];
	_ =	sdelay $0x1  }
0x8a: {  	s1 =	srdreg.scid  }
0x8b: {  	s0 =	sand.u32 $0x1, s1  }
0x8c: {  	s17 =	sshll.u32 s0, $0xA;
	s2 =	sadd.s32 s3, s2  }
0x8d: {  	s2 =	sadd.s32 s2, s17  }
0x8e: {  	[smem:$0x3FC6] =	sst s2  }
0x8f: {  	_ = 	snop  }
0x90: {  	s2 =	sld [smem:$0x3FC8]  }
0x91: {  	s18 =	sld [smem:$0x3FD0];
	(tm) =	ssettm $0x1  }
0x92: {  	s4 =	sld [smem:$0x3FFB];
	_ =	sdelay $0x3  }
0x93: {  	_ =	strace s4  }
0x94: {  	s4 =	sld [smem:$0x3FFC];
	_ =	sdelay $0x3  }
0x95: {  	_ =	strace s4  }
0x96: {  	s4 =	sld [smem:$0x3FFD];
	_ =	sdelay $0x3  }
0x97: {  	_ =	strace s4  }
0x98: {  	_ =	strace $0x8FFFFFFF  }
0x99: {  	s19 =	sld [smem:$0x3FDB];
	_ =	sdelay $0x1  }
0x9a: {  	s5 =	simm.s32 $_scs_section_size  }
0x9b: {  	s6 =	simm.s32 $_size__tile_overlayer_lowered;
	s7 =	simm.s32 $_tile_overlayer_lowered  }
0x9c: {  	s22 =	simm.s32 $0x1BFF;
	s21 =	sshll.u32 s7, $0x1;
	s4 =	sadd.s32 s5, s19  }
0x9d: {  	s8 =	simm.s32 $0x0;
	s20 =	sshll.u32 s6, $0x1;
	s6 =	sadd.s32 s21, s4  }
0x9e: {  	[timem:s8], [sflag:s22] =	dma.local [hbm:s6], s20  }
0x9f: {  	_ =	swait.ge [sflag:s22], s20  }
0xa0: {  	s5 =	ssub.s32 $0x0, s20;
	[sflag:s22] =	ssyncset.done $0x0  }
0xa1: {  	[sflag:s22] =	ssyncadd.s32 s5;
	_ =	sdelay $0x1  }
0xa2: {  	s23 =	simm.s32 $0x1B8B  }
0xa3: {  	_ =	swait.ge [sflag:s23], $0x1  }
0xa4: {  	[sflag:s23] =	ssyncset.done $0x0  }
0xa5: {  	s25 =	simm.s32 $0x1B8E;
	s24 =	sld [smem:$0x3FFE];
	[sflag:s23] =	ssyncadd.s32 $0xFFFFFFFF  }
0xa6: {  	s26 =	simm.s32 $execute0_lowered;
	[smem:$0x3FD2] =	sst s25  }
0xa7: {  	s6 =	sshll.u32 s26, $0x1;
	_ =	strace $0x80000046;
	[dreg:$0x1] =	wrdreg $0xFFFFFFFF  }
0xa8: {  	s28 =	simm.s32 $_size_execute0_lowered;
	s4 =	sadd.s32 s4, s6;
	[dreg:$0x0] =	wrdreg $0x0  }
0xa9: {  	s6 =	sshll.u32 s28, $0x1;
	[dreg:$0x2] =	wrdreg s4  }
0xaa: {  	[dreg:$0x3] =	wrdreg s6  }
0xab: {  	[dreg:$0x4] =	wrdreg $0xC0  }
0xac: {  	_ =	task [dreg:s8], $0x5FFFF  }
0xad: {  	[dreg:$0x1] =	wrdreg $0xFFFFFFFF  }
0xae: {  	[dreg:$0x0] =	wrdreg $0x60  }
0xaf: {  	[dreg:$0x2] =	wrdreg s24  }
0xb0: {  	[dreg:$0x3] =	wrdreg s2  }
0xb1: {  	[dreg:$0x4] =	wrdreg s18  }
0xb2: {  	[dreg:$0x5] =	wrdreg $0x10C000  }
0xb3: {  	[dreg:$0x6] =	wrdreg $0x9  }
0xb4: {  	_ =	task.clear_ibuf [dreg:s8], $0x7FFFF;
	_ =	strace $0x90000046  }
0xb5: {  	s29 =	simm.s32 $0x9;
	_ =	strace $0x80000048  }
0xb6: {  	_ =	swait.ge [sflag:s29], $0x1  }
0xb7: {  	[sflag:s29] =	ssyncadd.s32 $0xFFFFFFFF  }
0xb8: {  	_ =	strace $0x90000048  }
0xb9: {  	_ =	sfence  }
0xba: {  	s30 =	sld [smem:$0x0];
	_ =	sdelay $0x2  }
0xbb: {  	s31 =	sshll.u32 s1, $0xD;
	s1 =	sshrl.u32 s1, $0x2  }
0xbc: {  	s3 =	sand.u32 $0x4000, s31;
	s1 =	sadd.s32 s1, s30  }
0xbd: {  	s0 =	sor.u32 s3, s0;
	s1 =	sshll.u32 s1, $0x11  }
0xbe: {  	s0 =	sor.u32 s1, s0  }
0xbf: {  	s0 =	sadd.s32 $0x8F2B, s0  }
0xc0: {  	[sflag:s0] =	ssyncadd.remote.s32 $0x1  }
0xc1: {  	_ =	sfence.sel $0xFFFF  }
0xc2: {  	[dreg:$0x0] =	wrdreg $0xFFFFFFFF;
	(pc) =	sbr.abs _section_cstart, $3  }
0xc3: {  	[dreg:$0x1] =	wrdreg $0xFFFFFFFF  }
0xc4: {  	_ =	task.clear_ibuf [dreg:s8], $0x2FFFF;
	_ =	strace $0x9FFFFFFF  }
0xc5: {  	(tm) =	ssettm $0x7FFFFFFF  }
tec
execute0_lowered:
.L_overlay_start_1:
0x0: {  	(tag) =	ssettag $0x1  }
0x1: {  	s0 =	rddreg [dreg:$0x0]  }
0x2: {  	s7 =	rddreg [dreg:$0x2]  }
0x3: {  	s1 =	rddreg [dreg:$0x3]  }
0x4: {  	s2 =	srdreg.scid;
	s6 =	stileid.u32  }
0x5: {  	s5 =	simm.s32 $0x0;
	s2 =	sand.u32 $0x1, s2;
	s3 =	sshll.u32 s6, $0xB  }
0x6: {  	[smem:$0x7FF] =	sst s5;
	s24 =	sshll.u32 s6, $0xA;
	s6 =	sshll.u32 s6, $0x7  }
0x7: {  	s30 =	sadd.s32 $0x1000, s7;
	s4 =	sshll.u32 s2, $0xA;
	_ =	strace $0x80000047  }
0x8: {  	s2 =	ssub.s32 $0x2, s2;
	s26 =	sand.u32 $0x380, s6;
	[smem:$0x7FC] =	sst s30  }
0x9: {  	s3 =	sor.u32 s4, s3;
	s25 =	sshrl.u32 s2, $0x1;
	[smem:$0x7F8] =	sst s26  }
0xa: {  	s4 =	sshrl.u32 s3, $0x3;
	s2 =	ssub.s32 s2, s25;
	s29 =	sshll.u32 s3, $0x6  }
0xb: {  	s0 =	sadd.s32 s4, s0;
	[smem:$0x7FB] =	sst s29;
	s31 =	smax.u32 s2, $0x1  }
0xc: {  	s4 =	sand.u32 $0x2000, s24;
	s0 =	sadd.s32 $0x400, s0;
	[smem:$0x7FD] =	sst s31  }
0xd: {  	s1 =	sadd.s32 s4, s1;
	[smem:$0x7F7] =	sst s0  }
0xe: {  	[smem:$0x7F9] =	sst s1;
	s28 =	sadd.s32 s26, s1  }
0xf: {  	s2 =	simm.s32 $0x0;
	[smem:$0x7FA] =	sst s28  }
.LBB2_1:
0x10: {  	[smem:$0x7F6] =	sst s2  }
0x11: {  	s0 =	rddreg [dreg:$0x1]  }
0x12: {  	s1 =	simm.s32 $0x0;
	s29 =	simm.s32 $0x400;
	s3 =	simm.s32 $0x5  }
0x13: {  	[tilespmem:s29], [sflag:$0x5] =	stream.linear.gather [hbm4b:s0+s1], $0x800, $0x38;
	[tilespmem:$0x11000] =	vst v63  }
0x14: {  	_ =	swait.ge [sflag:s3], $0x800  }
0x15: {  	s30 =	sld [smem:$0x7F7]  }
0x16: {  	[sflag:s3] =	ssyncset.done $0x0  }
0x17: {  	[sflag:s3] =	ssyncadd.s32 $0xFFFFF800  }
0x18: {  	[tilespmem:s1], [sflag:$0x5] =	stream.linear.gather [hbm4b:s30+s1], $0x400, $0x38;
	[tilespmem:$0x11000] =	vst v63  }
0x19: {  	_ =	swait.ge [sflag:s3], $0x400  }
0x1a: {  	s31 =	sld [smem:$0x7FA]  }
0x1b: {  	[sflag:s3] =	ssyncset.done $0x0  }
0x1c: {  	s4 =	simm.s32 $0x80;
	[sflag:s3] =	ssyncadd.s32 $0xFFFFFC00  }
0x1d: {  	[spmem:s31] =	stream.strided.scatter [tilespmem:s1], [sflag:$0x5], $0x400, s29, s4, $0x38;
	[tilespmem:$0x11000] =	vst v63  }
0x1e: {  	_ =	swait.ge [sflag:s3], $0x400  }
0x1f: {  	[sflag:s3] =	ssyncset.done $0x0  }
0x20: {  	s20 =	simm.s32 $0x0;
	[sflag:s3] =	ssyncadd.s32 $0xFFFFFC00  }
0x21: {  	[smem:s1], [sflag:$0x3] =	stream.linear.gather [spmem:s31], $0x40, $0x38;
	[tilespmem:$0x11000] =	vst v63  }
.LBB2_2:
0x22: {  	p0 =	seq.s32 s20, $0x0  }
0x23: {  	[smem:$0x7F4] =	sst s20;
	s0 =	simm.s32 @!p0 $0x1  }
0x24: {  	_ =	swait.ge @!p0 [sflag:s0], $0x8000  }
0x25: {  	[sflag:s0] =	ssyncset.done @!p0 $0x0  }
0x26: {  	s2 =	simm.s32 $0x3;
	[sflag:s0] =	ssyncadd.s32 @!p0 $0xFFFF8000  }
0x27: {  	_ =	swait.ge [sflag:s2], $0x40  }
0x28: {  	s11 =	sld [smem:$0x7F9]  }
0x29: {  	s1 =	sshll.u32 s20, $0xA;
	s12 =	sld [smem:$0x7F8]  }
0x2a: {  	s10 =	sand.u32 $0x3FFFFC00, s1  }
0x2b: {  	s1 =	sadd.s32 s10, s11  }
0x2c: {  	s13 =	simm.s32 $0x80;
	[sflag:s2] =	ssyncset.done $0x0;
	s0 =	sadd.s32 s12, s1  }
0x2d: {  	[sflag:s2] =	ssyncadd.s32 $0xFFFFFFC0;
	[smem:$0x7DB] =	sst s1;
	s0 =	sadd.s32 $0x40, s0  }
0x2e: {  	[smem:s13], [sflag:$0x4] =	stream.linear.gather [spmem:s0], $0x40, $0x38;
	[tilespmem:$0x11000] =	vst v63  }
0x2f: {  	s0 =	sld [smem:$0x0];
	_ =	sdelay $0x2  }
0x30: {  	s3 =	sshll.u32 s0, $0x9;
	s0 =	sshll.u32 s0, $0x7  }
0x31: {  	s14 =	sand.u32 $0xFFFFF800, s3;
	s26 =	sand.u32 $0x180, s0  }
0x32: {  	s24 =	sor.u32 s26, s14  }
0x33: {  	v0 =	vld [tilespmem:s24+$0x400];
	_ =	sdelay $0x2  }
0x34: {  	s15 =	simm.s32 $0x0  }
0x35: {  	s25 =	sand.u32 $0x3FFFFE00, s15  }
0x36: {  	[tilespmem:s25+$0xC00] =	vst v0  }
0x37: {  	v0 =	vld [tilespmem:s24+$0x410];
	_ =	sdelay $0x4  }
0x38: {  	[tilespmem:s25+$0xC10] =	vst v0  }
0x39: {  	v0 =	vld [tilespmem:s24+$0x420];
	_ =	sdelay $0x4  }
0x3a: {  	[tilespmem:s25+$0xC20] =	vst v0  }
0x3b: {  	v0 =	vld [tilespmem:s24+$0x430];
	_ =	sdelay $0x4  }
0x3c: {  	[tilespmem:s25+$0xC30] =	vst v0  }
0x3d: {  	v0 =	vld [tilespmem:s24+$0x440];
	_ =	sdelay $0x4  }
0x3e: {  	[tilespmem:s25+$0xC40] =	vst v0  }
0x3f: {  	v0 =	vld [tilespmem:s24+$0x450];
	_ =	sdelay $0x4  }
0x40: {  	[tilespmem:s25+$0xC50] =	vst v0  }
0x41: {  	v0 =	vld [tilespmem:s24+$0x460];
	_ =	sdelay $0x4  }
0x42: {  	[tilespmem:s25+$0xC60] =	vst v0  }
0x43: {  	v0 =	vld [tilespmem:s24+$0x470];
	_ =	sdelay $0x4  }
0x44: {  	[tilespmem:s25+$0xC70] =	vst v0  }
0x45: {  	v0 =	vld [tilespmem:s24+$0x600];
	_ =	sdelay $0x4  }
0x46: {  	[tilespmem:s25+$0x1000] =	vst v0  }
0x47: {  	v0 =	vld [tilespmem:s24+$0x610];
	_ =	sdelay $0x4  }
0x48: {  	[tilespmem:s25+$0x1010] =	vst v0  }
0x49: {  	v0 =	vld [tilespmem:s24+$0x620]  }
0x4a: {  	s16 =	sld [smem:$0x7]  }
0x4b: {  	s17 =	sld [smem:$0x1]  }
0x4c: {  	s18 =	sld [smem:$0x2]  }
0x4d: {  	s5 =	sld [smem:$0x3];
	s19 =	sshll.u32 s16, $0x9;
	s0 =	sshll.u32 s16, $0x7  }
0x4e: {  	s7 =	sld [smem:$0x4];
	s6 =	sand.u32 $0xFFFFF800, s19;
	s4 =	sand.u32 $0x180, s0;
	[tilespmem:s25+$0x1020] =	vst v0  }
0x4f: {  	s21 =	sor.u32 s4, s6;
	s20 =	sld [smem:$0x5]  }
0x50: {  	s12 =	sld [smem:$0x6];
	v0 =	vld [tilespmem:s21+$0x400];
	_ =	sdelay $0x4  }
0x51: {  	s10 =	sshll.u32 s17, $0x9;
	s1 =	sshll.u32 s17, $0x7;
	s9 =	sshll.u32 s18, $0x9;
	v1 =	vld [tilespmem:s24+$0x630];
	[tilespmem:s25+$0xF80] =	vst v0  }
0x52: {  	s2 =	sshll.u32 s18, $0x7;
	s22 =	sand.u32 $0xFFFFF800, s10;
	s14 =	sand.u32 $0x180, s1;
	v0 =	vld [tilespmem:s21+$0x410]  }
0x53: {  	s15 =	sshll.u32 s5, $0x7;
	s23 =	sand.u32 $0xFFFFF800, s9;
	s13 =	sand.u32 $0x180, s2  }
0x54: {  	s8 =	sshll.u32 s7, $0x9;
	s16 =	sshll.u32 s7, $0x7;
	s7 =	sor.u32 s14, s22  }
0x55: {  	s6 =	sshll.u32 s5, $0x9;
	s1 =	sor.u32 s13, s23;
	s15 =	sand.u32 $0x180, s15;
	v2 =	vld [tilespmem:s7+$0x400]  }
0x56: {  	v3 =	vld [tilespmem:s1+$0x400];
	s17 =	sand.u32 $0x180, s16;
	s5 =	sshll.u32 s20, $0x9;
	s0 =	sshll.u32 s20, $0x7;
	[tilespmem:s25+$0x1030] =	vst v1  }
0x57: {  	s11 =	sshll.u32 s12, $0x9;
	s18 =	sshll.u32 s12, $0x7;
	s12 =	sand.u32 $0xFFFFF800, s6;
	v1 =	vld [tilespmem:s24+$0x640];
	[tilespmem:s25+$0xF90] =	vst v0  }
0x58: {  	s23 =	sand.u32 $0xFFFFF800, s5;
	s16 =	sand.u32 $0x180, s0;
	s12 =	sor.u32 s15, s12;
	v0 =	vld [tilespmem:s21+$0x420]  }
0x59: {  	s20 =	sand.u32 $0xFFFFF800, s11;
	s18 =	sand.u32 $0x180, s18;
	s0 =	sor.u32 s16, s23;
	v4 =	vld [tilespmem:s12+$0x400]  }
0x5a: {  	s31 =	sor.u32 s18, s20;
	[tilespmem:s25+$0xC80] =	vst v2;
	v2 =	vld [tilespmem:s0+$0x400]  }
0x5b: {  	s22 =	sand.u32 $0xFFFFF800, s8;
	[tilespmem:s25+$0xD00] =	vst v3;
	v3 =	vld [tilespmem:s31+$0x400]  }
0x5c: {  	s2 =	sor.u32 s17, s22;
	v5 =	vld [tilespmem:s7+$0x410];
	[tilespmem:s25+$0x1040] =	vst v1  }
0x5d: {  	v1 =	vld [tilespmem:s2+$0x400];
	[tilespmem:s25+$0xFA0] =	vst v0  }
0x5e: {  	[tilespmem:s25+$0xD80] =	vst v4;
	v0 =	vld [tilespmem:s21+$0x430]  }
0x5f: {  	v4 =	vld [tilespmem:s1+$0x410];
	[tilespmem:s25+$0xE80] =	vst v2  }
0x60: {  	[tilespmem:s25+$0xF00] =	vst v3;
	v3 =	vld [tilespmem:s0+$0x410]  }
0x61: {  	[tilespmem:s25+$0xC90] =	vst v5;
	v5 =	vld [tilespmem:s31+$0x410]  }
0x62: {  	[tilespmem:s25+$0xE00] =	vst v1;
	v1 =	vld [tilespmem:s12+$0x410]  }
0x63: {  	v2 =	vld [tilespmem:s2+$0x410];
	[tilespmem:s25+$0xFB0] =	vst v0  }
0x64: {  	[tilespmem:s25+$0xD10] =	vst v4;
	v0 =	vld [tilespmem:s21+$0x440]  }
0x65: {  	v4 =	vld [tilespmem:s7+$0x420];
	[tilespmem:s25+$0xE90] =	vst v3  }
0x66: {  	[tilespmem:s25+$0xF10] =	vst v5;
	v5 =	vld [tilespmem:s0+$0x420]  }
0x67: {  	[tilespmem:s25+$0xD90] =	vst v1;
	v1 =	vld [tilespmem:s1+$0x420]  }
0x68: {  	[tilespmem:s25+$0xE10] =	vst v2;
	v2 =	vld [tilespmem:s12+$0x420]  }
0x69: {  	v3 =	vld [tilespmem:s2+$0x420];
	[tilespmem:s25+$0xFC0] =	vst v0  }
0x6a: {  	[tilespmem:s25+$0xCA0] =	vst v4;
	v0 =	vld [tilespmem:s21+$0x450]  }
0x6b: {  	v4 =	vld [tilespmem:s31+$0x420];
	[tilespmem:s25+$0xEA0] =	vst v5  }
0x6c: {  	[tilespmem:s25+$0xD20] =	vst v1;
	v1 =	vld [tilespmem:s7+$0x430]  }
0x6d: {  	[tilespmem:s25+$0xDA0] =	vst v2;
	v2 =	vld [tilespmem:s1+$0x430]  }
0x6e: {  	[tilespmem:s25+$0xE20] =	vst v3;
	v3 =	vld [tilespmem:s12+$0x430]  }
0x6f: {  	v5 =	vld [tilespmem:s2+$0x430];
	[tilespmem:s25+$0xFD0] =	vst v0  }
0x70: {  	[tilespmem:s25+$0xF20] =	vst v4;
	v0 =	vld [tilespmem:s21+$0x460]  }
0x71: {  	v4 =	vld [tilespmem:s0+$0x430];
	[tilespmem:s25+$0xCB0] =	vst v1  }
0x72: {  	v1 =	vld [tilespmem:s31+$0x430];
	[tilespmem:s25+$0xD30] =	vst v2  }
0x73: {  	v2 =	vld [tilespmem:s7+$0x440];
	[tilespmem:s25+$0xDB0] =	vst v3  }
0x74: {  	v3 =	vld [tilespmem:s1+$0x440];
	[tilespmem:s25+$0xE30] =	vst v5  }
0x75: {  	v5 =	vld [tilespmem:s12+$0x440];
	[tilespmem:s25+$0xFE0] =	vst v0  }
0x76: {  	[tilespmem:s25+$0xEB0] =	vst v4;
	v0 =	vld [tilespmem:s21+$0x470]  }
0x77: {  	v4 =	vld [tilespmem:s2+$0x440];
	[tilespmem:s25+$0xF30] =	vst v1  }
0x78: {  	v1 =	vld [tilespmem:s0+$0x440];
	[tilespmem:s25+$0xCC0] =	vst v2  }
0x79: {  	v2 =	vld [tilespmem:s31+$0x440];
	[tilespmem:s25+$0xD40] =	vst v3  }
0x7a: {  	v3 =	vld [tilespmem:s7+$0x450];
	[tilespmem:s25+$0xDC0] =	vst v5  }
0x7b: {  	v5 =	vld [tilespmem:s1+$0x450];
	[tilespmem:s25+$0xFF0] =	vst v0  }
0x7c: {  	[tilespmem:s25+$0xE40] =	vst v4;
	v0 =	vld [tilespmem:s21+$0x600]  }
0x7d: {  	v4 =	vld [tilespmem:s12+$0x450];
	[tilespmem:s25+$0xEC0] =	vst v1  }
0x7e: {  	v1 =	vld [tilespmem:s2+$0x450];
	[tilespmem:s25+$0xF40] =	vst v2  }
0x7f: {  	v2 =	vld [tilespmem:s0+$0x450];
	[tilespmem:s25+$0xCD0] =	vst v3  }
0x80: {  	v3 =	vld [tilespmem:s31+$0x450];
	[tilespmem:s25+$0xD50] =	vst v5  }
0x81: {  	v5 =	vld [tilespmem:s7+$0x460];
	[tilespmem:s25+$0x1380] =	vst v0  }
0x82: {  	[tilespmem:s25+$0xDD0] =	vst v4;
	v0 =	vld [tilespmem:s21+$0x610]  }
0x83: {  	v4 =	vld [tilespmem:s1+$0x460];
	[tilespmem:s25+$0xE50] =	vst v1  }
0x84: {  	v1 =	vld [tilespmem:s12+$0x460];
	[tilespmem:s25+$0xED0] =	vst v2  }
0x85: {  	v2 =	vld [tilespmem:s2+$0x460];
	[tilespmem:s25+$0xF50] =	vst v3  }
0x86: {  	v3 =	vld [tilespmem:s0+$0x460];
	[tilespmem:s25+$0xCE0] =	vst v5  }
0x87: {  	v5 =	vld [tilespmem:s31+$0x460];
	[tilespmem:s25+$0x1390] =	vst v0  }
0x88: {  	[tilespmem:s25+$0xD60] =	vst v4;
	v0 =	vld [tilespmem:s21+$0x620]  }
0x89: {  	v4 =	vld [tilespmem:s7+$0x470];
	[tilespmem:s25+$0xDE0] =	vst v1  }
0x8a: {  	v1 =	vld [tilespmem:s1+$0x470];
	[tilespmem:s25+$0xE60] =	vst v2  }
0x8b: {  	v2 =	vld [tilespmem:s12+$0x470];
	[tilespmem:s25+$0xEE0] =	vst v3  }
0x8c: {  	v3 =	vld [tilespmem:s2+$0x470];
	[tilespmem:s25+$0xF60] =	vst v5  }
0x8d: {  	v5 =	vld [tilespmem:s0+$0x470];
	[tilespmem:s25+$0x13A0] =	vst v0  }
0x8e: {  	[tilespmem:s25+$0xCF0] =	vst v4;
	v0 =	vld [tilespmem:s21+$0x630]  }
0x8f: {  	v4 =	vld [tilespmem:s31+$0x470];
	[tilespmem:s25+$0xD70] =	vst v1  }
0x90: {  	v1 =	vld [tilespmem:s7+$0x600];
	[tilespmem:s25+$0xDF0] =	vst v2  }
0x91: {  	v2 =	vld [tilespmem:s1+$0x600];
	[tilespmem:s25+$0xE70] =	vst v3  }
0x92: {  	v3 =	vld [tilespmem:s12+$0x600];
	[tilespmem:s25+$0xEF0] =	vst v5  }
0x93: {  	v5 =	vld [tilespmem:s2+$0x600];
	[tilespmem:s25+$0x13B0] =	vst v0  }
0x94: {  	[tilespmem:s25+$0xF70] =	vst v4;
	v0 =	vld [tilespmem:s21+$0x640]  }
0x95: {  	v4 =	vld [tilespmem:s0+$0x600];
	[tilespmem:s25+$0x1080] =	vst v1  }
0x96: {  	v1 =	vld [tilespmem:s31+$0x600];
	[tilespmem:s25+$0x1100] =	vst v2  }
0x97: {  	v2 =	vld [tilespmem:s7+$0x610];
	[tilespmem:s25+$0x1180] =	vst v3  }
0x98: {  	v3 =	vld [tilespmem:s1+$0x610];
	[tilespmem:s25+$0x1200] =	vst v5  }
0x99: {  	v5 =	vld [tilespmem:s12+$0x610];
	[tilespmem:s25+$0x13C0] =	vst v0  }
0x9a: {  	[tilespmem:s25+$0x1280] =	vst v4;
	v0 =	vld [tilespmem:s21+$0x650]  }
0x9b: {  	v4 =	vld [tilespmem:s2+$0x610];
	[tilespmem:s25+$0x1300] =	vst v1  }
0x9c: {  	v1 =	vld [tilespmem:s0+$0x610];
	[tilespmem:s25+$0x1090] =	vst v2  }
0x9d: {  	v2 =	vld [tilespmem:s31+$0x610];
	[tilespmem:s25+$0x1110] =	vst v3  }
0x9e: {  	v3 =	vld [tilespmem:s7+$0x620];
	[tilespmem:s25+$0x1190] =	vst v5  }
0x9f: {  	v5 =	vld [tilespmem:s1+$0x620];
	[tilespmem:s25+$0x13D0] =	vst v0  }
0xa0: {  	[tilespmem:s25+$0x1210] =	vst v4;
	v0 =	vld [tilespmem:s21+$0x660]  }
0xa1: {  	v4 =	vld [tilespmem:s12+$0x620];
	[tilespmem:s25+$0x1290] =	vst v1  }
0xa2: {  	v1 =	vld [tilespmem:s2+$0x620];
	[tilespmem:s25+$0x1310] =	vst v2  }
0xa3: {  	v2 =	vld [tilespmem:s0+$0x620];
	[tilespmem:s25+$0x10A0] =	vst v3  }
0xa4: {  	v3 =	vld [tilespmem:s31+$0x620];
	[tilespmem:s25+$0x1120] =	vst v5  }
0xa5: {  	v5 =	vld [tilespmem:s7+$0x630];
	[tilespmem:s25+$0x13E0] =	vst v0  }
0xa6: {  	[tilespmem:s25+$0x11A0] =	vst v4;
	v0 =	vld [tilespmem:s21+$0x670]  }
0xa7: {  	v4 =	vld [tilespmem:s1+$0x630];
	[tilespmem:s25+$0x1220] =	vst v1  }
0xa8: {  	v1 =	vld [tilespmem:s12+$0x630];
	[tilespmem:s25+$0x12A0] =	vst v2  }
0xa9: {  	v2 =	vld [tilespmem:s2+$0x630];
	[tilespmem:s25+$0x1320] =	vst v3  }
0xaa: {  	v3 =	vld [tilespmem:s0+$0x630];
	[tilespmem:s25+$0x10B0] =	vst v5  }
0xab: {  	v5 =	vld [tilespmem:s31+$0x630];
	[tilespmem:s25+$0x13F0] =	vst v0  }
0xac: {  	[tilespmem:s25+$0x1130] =	vst v4;
	v0 =	vld [tilespmem:s21+$0x800]  }
0xad: {  	v4 =	vld [tilespmem:s7+$0x640];
	[tilespmem:s25+$0x11B0] =	vst v1  }
0xae: {  	v1 =	vld [tilespmem:s1+$0x640];
	[tilespmem:s25+$0x1230] =	vst v2  }
0xaf: {  	v2 =	vld [tilespmem:s12+$0x640];
	[tilespmem:s25+$0x12B0] =	vst v3  }
0xb0: {  	v3 =	vld [tilespmem:s2+$0x640];
	[tilespmem:s25+$0x1330] =	vst v5  }
0xb1: {  	v5 =	vld [tilespmem:s0+$0x640];
	[tilespmem:s25+$0x1780] =	vst v0  }
0xb2: {  	[tilespmem:s25+$0x10C0] =	vst v4;
	v0 =	vld [tilespmem:s21+$0x810]  }
0xb3: {  	v4 =	vld [tilespmem:s31+$0x640];
	[tilespmem:s25+$0x1140] =	vst v1  }
0xb4: {  	v1 =	vld [tilespmem:s7+$0x650];
	[tilespmem:s25+$0x11C0] =	vst v2  }
0xb5: {  	v2 =	vld [tilespmem:s1+$0x650];
	[tilespmem:s25+$0x1240] =	vst v3  }
0xb6: {  	v3 =	vld [tilespmem:s12+$0x650];
	[tilespmem:s25+$0x12C0] =	vst v5  }
0xb7: {  	v5 =	vld [tilespmem:s2+$0x650];
	[tilespmem:s25+$0x1790] =	vst v0  }
0xb8: {  	[tilespmem:s25+$0x1340] =	vst v4;
	v0 =	vld [tilespmem:s21+$0x820]  }
0xb9: {  	v4 =	vld [tilespmem:s0+$0x650];
	[tilespmem:s25+$0x10D0] =	vst v1  }
0xba: {  	v1 =	vld [tilespmem:s31+$0x650];
	[tilespmem:s25+$0x1150] =	vst v2  }
0xbb: {  	v2 =	vld [tilespmem:s24+$0x650];
	[tilespmem:s25+$0x11D0] =	vst v3  }
0xbc: {  	v3 =	vld [tilespmem:s7+$0x660];
	[tilespmem:s25+$0x1250] =	vst v5  }
0xbd: {  	v5 =	vld [tilespmem:s1+$0x660];
	[tilespmem:s25+$0x17A0] =	vst v0  }
0xbe: {  	[tilespmem:s25+$0x12D0] =	vst v4;
	v0 =	vld [tilespmem:s21+$0x830]  }
0xbf: {  	v4 =	vld [tilespmem:s12+$0x660];
	[tilespmem:s25+$0x1350] =	vst v1  }
0xc0: {  	v1 =	vld [tilespmem:s2+$0x660];
	[tilespmem:s25+$0x1050] =	vst v2  }
0xc1: {  	v2 =	vld [tilespmem:s0+$0x660];
	[tilespmem:s25+$0x10E0] =	vst v3  }
0xc2: {  	v3 =	vld [tilespmem:s31+$0x660];
	[tilespmem:s25+$0x1160] =	vst v5  }
0xc3: {  	v5 =	vld [tilespmem:s24+$0x660];
	[tilespmem:s25+$0x17B0] =	vst v0  }
0xc4: {  	[tilespmem:s25+$0x11E0] =	vst v4;
	v0 =	vld [tilespmem:s21+$0x840]  }
0xc5: {  	v4 =	vld [tilespmem:s7+$0x670];
	[tilespmem:s25+$0x1260] =	vst v1  }
0xc6: {  	v1 =	vld [tilespmem:s1+$0x670];
	[tilespmem:s25+$0x12E0] =	vst v2  }
0xc7: {  	v2 =	vld [tilespmem:s12+$0x670];
	[tilespmem:s25+$0x1360] =	vst v3  }
0xc8: {  	v3 =	vld [tilespmem:s2+$0x670];
	[tilespmem:s25+$0x1060] =	vst v5  }
0xc9: {  	v5 =	vld [tilespmem:s0+$0x670];
	[tilespmem:s25+$0x17C0] =	vst v0  }
0xca: {  	[tilespmem:s25+$0x10F0] =	vst v4;
	v0 =	vld [tilespmem:s21+$0x850]  }
0xcb: {  	v4 =	vld [tilespmem:s31+$0x670];
	[tilespmem:s25+$0x1170] =	vst v1  }
0xcc: {  	v1 =	vld [tilespmem:s24+$0x670];
	[tilespmem:s25+$0x11F0] =	vst v2  }
0xcd: {  	v2 =	vld [tilespmem:s7+$0x800];
	[tilespmem:s25+$0x1270] =	vst v3  }
0xce: {  	v3 =	vld [tilespmem:s1+$0x800];
	[tilespmem:s25+$0x12F0] =	vst v5  }
0xcf: {  	v5 =	vld [tilespmem:s12+$0x800];
	[tilespmem:s25+$0x17D0] =	vst v0  }
0xd0: {  	[tilespmem:s25+$0x1370] =	vst v4;
	v0 =	vld [tilespmem:s21+$0x860]  }
0xd1: {  	v4 =	vld [tilespmem:s2+$0x800];
	[tilespmem:s25+$0x1070] =	vst v1  }
0xd2: {  	v1 =	vld [tilespmem:s0+$0x800];
	[tilespmem:s25+$0x1480] =	vst v2  }
0xd3: {  	v2 =	vld [tilespmem:s31+$0x800];
	[tilespmem:s25+$0x1500] =	vst v3  }
0xd4: {  	v3 =	vld [tilespmem:s24+$0x800];
	[tilespmem:s25+$0x1580] =	vst v5  }
0xd5: {  	v5 =	vld [tilespmem:s7+$0x810];
	[tilespmem:s25+$0x17E0] =	vst v0  }
0xd6: {  	[tilespmem:s25+$0x1600] =	vst v4;
	v0 =	vld [tilespmem:s21+$0x870]  }
0xd7: {  	v4 =	vld [tilespmem:s1+$0x810];
	[tilespmem:s25+$0x1680] =	vst v1  }
0xd8: {  	v1 =	vld [tilespmem:s12+$0x810];
	[tilespmem:s25+$0x1700] =	vst v2  }
0xd9: {  	v2 =	vld [tilespmem:s2+$0x810];
	[tilespmem:s25+$0x1400] =	vst v3  }
0xda: {  	s4 =	sor.u32 s19, s4;
	v3 =	vld [tilespmem:s0+$0x810];
	[tilespmem:s25+$0x1490] =	vst v5  }
0xdb: {  	s19 =	sor.u32 $0x600, s4;
	v5 =	vld [tilespmem:s31+$0x810];
	[tilespmem:s25+$0x17F0] =	vst v0  }
0xdc: {  	[tilespmem:s25+$0x1510] =	vst v4;
	v0 =	vld [tilespmem:s19+$0x400]  }
0xdd: {  	v4 =	vld [tilespmem:s24+$0x810];
	[tilespmem:s25+$0x1590] =	vst v1  }
0xde: {  	v1 =	vld [tilespmem:s7+$0x820];
	[tilespmem:s25+$0x1610] =	vst v2  }
0xdf: {  	v2 =	vld [tilespmem:s1+$0x820];
	[tilespmem:s25+$0x1690] =	vst v3  }
0xe0: {  	v3 =	vld [tilespmem:s12+$0x820];
	[tilespmem:s25+$0x1710] =	vst v5  }
0xe1: {  	s22 =	sor.u32 $0x610, s4;
	v5 =	vld [tilespmem:s2+$0x820];
	[tilespmem:s25+$0x1B80] =	vst v0  }
0xe2: {  	[tilespmem:s25+$0x1410] =	vst v4;
	v0 =	vld [tilespmem:s22+$0x400]  }
0xe3: {  	v4 =	vld [tilespmem:s0+$0x820];
	[tilespmem:s25+$0x14A0] =	vst v1  }
0xe4: {  	v1 =	vld [tilespmem:s31+$0x820];
	[tilespmem:s25+$0x1520] =	vst v2  }
0xe5: {  	v2 =	vld [tilespmem:s24+$0x820];
	[tilespmem:s25+$0x15A0] =	vst v3  }
0xe6: {  	v3 =	vld [tilespmem:s7+$0x830];
	[tilespmem:s25+$0x1620] =	vst v5  }
0xe7: {  	s23 =	sor.u32 $0x620, s4;
	v5 =	vld [tilespmem:s1+$0x830];
	[tilespmem:s25+$0x1B90] =	vst v0  }
0xe8: {  	[tilespmem:s25+$0x16A0] =	vst v4;
	v0 =	vld [tilespmem:s23+$0x400]  }
0xe9: {  	v4 =	vld [tilespmem:s12+$0x830];
	[tilespmem:s25+$0x1720] =	vst v1  }
0xea: {  	v1 =	vld [tilespmem:s2+$0x830];
	[tilespmem:s25+$0x1420] =	vst v2  }
0xeb: {  	v2 =	vld [tilespmem:s0+$0x830];
	[tilespmem:s25+$0x14B0] =	vst v3  }
0xec: {  	v3 =	vld [tilespmem:s31+$0x830];
	[tilespmem:s25+$0x1530] =	vst v5  }
0xed: {  	s3 =	sor.u32 s3, s26;
	s26 =	sor.u32 $0x630, s4;
	v5 =	vld [tilespmem:s24+$0x830];
	[tilespmem:s25+$0x1BA0] =	vst v0  }
0xee: {  	[tilespmem:s25+$0x15B0] =	vst v4;
	v0 =	vld [tilespmem:s26+$0x400]  }
0xef: {  	v4 =	vld [tilespmem:s7+$0x840];
	[tilespmem:s25+$0x1630] =	vst v1  }
0xf0: {  	v1 =	vld [tilespmem:s1+$0x840];
	[tilespmem:s25+$0x16B0] =	vst v2  }
0xf1: {  	v2 =	vld [tilespmem:s12+$0x840];
	[tilespmem:s25+$0x1730] =	vst v3  }
0xf2: {  	s10 =	sor.u32 s10, s14;
	v3 =	vld [tilespmem:s2+$0x840];
	[tilespmem:s25+$0x1430] =	vst v5  }
0xf3: {  	s21 =	sor.u32 $0x610, s10;
	v5 =	vld [tilespmem:s0+$0x840];
	s19 =	sor.u32 $0x640, s4;
	[tilespmem:s25+$0x1BB0] =	vst v0  }
0xf4: {  	s14 =	sor.u32 s6, s15;
	v0 =	vld [tilespmem:s19+$0x400];
	[smem:$0x7DC] =	sst s21  }
0xf5: {  	s6 =	sor.u32 s5, s16;
	s5 =	sor.u32 s11, s18;
	s11 =	sor.u32 $0x620, s10;
	[tilespmem:s25+$0x14C0] =	vst v4  }
0xf6: {  	s9 =	sor.u32 s9, s13;
	s13 =	sor.u32 $0x630, s10;
	[smem:$0x7DD] =	sst s11  }
0xf7: {  	[smem:$0x7DE] =	sst s13  }
0xf8: {  	s16 =	sor.u32 $0x640, s10;
	[tilespmem:s25+$0x1540] =	vst v1  }
0xf9: {  	s18 =	sor.u32 $0x650, s10;
	v4 =	vld [tilespmem:s31+$0x840];
	[smem:$0x7DF] =	sst s16  }
0xfa: {  	s19 =	sor.u32 $0x660, s10;
	[dreg:$0x16] =	wrdreg s18  }
0xfb: {  	s21 =	sor.u32 $0x670, s10;
	[dreg:$0x10] =	wrdreg s19  }
0xfc: {  	[dreg:$0x5] =	wrdreg s21  }
0xfd: {  	s26 =	sor.u32 $0x600, s10;
	s10 =	sor.u32 $0x610, s9;
	[tilespmem:s25+$0x15C0] =	vst v2  }
0xfe: {  	v1 =	vld [tilespmem:s24+$0x840];
	[smem:$0x7E0] =	sst s10  }
0xff: {  	s11 =	sor.u32 $0x620, s9;
	[tilespmem:s25+$0x1640] =	vst v3  }
0x100: {  	s13 =	sor.u32 $0x630, s9;
	v2 =	vld [tilespmem:s7+$0x850];
	[smem:$0x7E1] =	sst s11  }
0x101: {  	s16 =	sor.u32 $0x640, s9;
	[smem:$0x7E2] =	sst s13  }
0x102: {  	s18 =	sor.u32 $0x650, s9;
	[smem:$0x7E3] =	sst s16  }
0x103: {  	s21 =	sor.u32 $0x660, s9;
	[dreg:$0x19] =	wrdreg s18  }
0x104: {  	s10 =	sor.u32 $0x670, s9;
	[dreg:$0x12] =	wrdreg s21  }
0x105: {  	[dreg:$0x7] =	wrdreg s10  }
0x106: {  	[tilespmem:s25+$0x16C0] =	vst v5  }
0x107: {  	s11 =	sor.u32 $0x610, s14;
	v3 =	vld [tilespmem:s1+$0x850];
	[tilespmem:s25+$0x1BC0] =	vst v0  }
0x108: {  	v5 =	vld [tilespmem:s12+$0x850];
	[smem:$0x7E4] =	sst s11  }
0x109: {  	s16 =	sor.u32 $0x650, s4;
	s18 =	sor.u32 $0x620, s14;
	[tilespmem:s25+$0x1740] =	vst v4  }
0x10a: {  	s21 =	sor.u32 $0x630, s14;
	v0 =	vld [tilespmem:s16+$0x400];
	[smem:$0x7E5] =	sst s18  }
0x10b: {  	s19 =	sor.u32 $0x600, s9;
	s9 =	sor.u32 $0x640, s14;
	[smem:$0x7E6] =	sst s21  }
0x10c: {  	s10 =	sor.u32 $0x650, s14;
	[smem:$0x7E7] =	sst s9  }
0x10d: {  	s11 =	sor.u32 $0x660, s14;
	[dreg:$0x1e] =	wrdreg s10  }
0x10e: {  	s16 =	sor.u32 $0x670, s14;
	[dreg:$0x14] =	wrdreg s11  }
0x10f: {  	[dreg:$0x6] =	wrdreg s16  }
0x110: {  	s30 =	sor.u32 $0x600, s3;
	s8 =	sor.u32 s8, s17;
	[tilespmem:s25+$0x1440] =	vst v1  }
0x111: {  	s29 =	sor.u32 $0x610, s3;
	s28 =	sor.u32 $0x620, s3;
	s18 =	sor.u32 $0x620, s8;
	v4 =	vld [tilespmem:s2+$0x850];
	[tilespmem:s25+$0x14D0] =	vst v2  }
0x112: {  	s17 =	sor.u32 $0x670, s3;
	s15 =	sor.u32 $0x650, s3;
	v1 =	vld [tilespmem:s0+$0x850];
	[smem:$0x7E8] =	sst s18  }
0x113: {  	s20 =	sor.u32 $0x660, s3;
	s22 =	sor.u32 $0x640, s3;
	s21 =	sor.u32 $0x630, s8;
	[tilespmem:s25+$0x1550] =	vst v3  }
0x114: {  	s23 =	sor.u32 $0x630, s3;
	s10 =	sor.u32 $0x640, s8;
	v2 =	vld [tilespmem:s31+$0x850];
	[smem:$0x7E9] =	sst s21  }
0x115: {  	s13 =	sor.u32 $0x600, s14;
	s14 =	sor.u32 $0x650, s8;
	[smem:$0x7EA] =	sst s10  }
0x116: {  	s3 =	sor.u32 $0x600, s8;
	s16 =	sor.u32 $0x660, s8;
	[smem:$0x7EB] =	sst s14  }
0x117: {  	s11 =	sor.u32 $0x610, s8;
	s8 =	sor.u32 $0x670, s8;
	[dreg:$0x18] =	wrdreg s16  }
0x118: {  	[dreg:$0xa] =	wrdreg s8  }
0x119: {  	[tilespmem:s25+$0x15D0] =	vst v5  }
0x11a: {  	s18 =	sor.u32 $0x620, s6;
	v6 =	vld [tilespmem:s24+$0x850];
	[tilespmem:s25+$0x1BD0] =	vst v0  }
0x11b: {  	v5 =	vld [tilespmem:s7+$0x860];
	[smem:$0x7EC] =	sst s18  }
0x11c: {  	s21 =	sor.u32 $0x660, s4;
	s10 =	sor.u32 $0x630, s6;
	[tilespmem:s25+$0x1650] =	vst v4  }
0x11d: {  	s14 =	sor.u32 $0x640, s6;
	v0 =	vld [tilespmem:s21+$0x400];
	[smem:$0x7ED] =	sst s10  }
0x11e: {  	s18 =	sor.u32 $0x650, s6;
	[smem:$0x7EE] =	sst s14  }
0x11f: {  	s16 =	sor.u32 $0x600, s6;
	s21 =	sor.u32 $0x660, s6;
	[smem:$0x7EF] =	sst s18  }
0x120: {  	s8 =	sor.u32 $0x610, s6;
	s6 =	sor.u32 $0x670, s6;
	[dreg:$0x1b] =	wrdreg s21  }
0x121: {  	[dreg:$0xc] =	wrdreg s6  }
0x122: {  	[tilespmem:s25+$0x16D0] =	vst v1  }
0x123: {  	s9 =	sor.u32 $0x620, s5;
	v3 =	vld [tilespmem:s1+$0x860];
	[tilespmem:s25+$0x1750] =	vst v2  }
0x124: {  	s10 =	sor.u32 $0x630, s5;
	v1 =	vld [tilespmem:s12+$0x860];
	[smem:$0x7F0] =	sst s9  }
0x125: {  	[smem:$0x7F1] =	sst s10  }
0x126: {  	s14 =	sor.u32 $0x640, s5;
	[tilespmem:s25+$0x1450] =	vst v6  }
0x127: {  	s9 =	sor.u32 $0x650, s5;
	v2 =	vld [tilespmem:s2+$0x860];
	[smem:$0x7F2] =	sst s14  }
0x128: {  	s18 =	sor.u32 $0x600, s5;
	s10 =	sor.u32 $0x660, s5;
	[smem:$0x7F3] =	sst s9  }
0x129: {  	s21 =	sor.u32 $0x610, s5;
	s5 =	sor.u32 $0x670, s5;
	[dreg:$0x1f] =	wrdreg s10  }
0x12a: {  	[dreg:$0xe] =	wrdreg s5  }
0x12b: {  	[tilespmem:s25+$0x14E0] =	vst v5  }
0x12c: {  	s14 =	sld [smem:$0x7F4];
	_ =	sdelay $0x2  }
0x12d: {  	s5 =	sshll.u32 s14, $0xD  }
0x12e: {  	s6 =	simm.s32 $0x8;
	v4 =	vld [tilespmem:s0+$0x860];
	[smem:$0x7F5] =	sst s5  }
.LBB2_3:
0x12f: {  	_ =	sdelay $0x2  }
0x130: {  	s5 =	sld [smem:s6+$0x0];
	[tilespmem:s25+$0x1560] =	vst v3;
	v3 =	vld [tilespmem:s31+$0x860]  }
0x131: {  	v5 =	vld [tilespmem:s24+$0x860];
	[tilespmem:s25+$0x1BE0] =	vst v0  }
0x132: {  	s4 =	sor.u32 $0x670, s4;
	[tilespmem:s25+$0x15E0] =	vst v1;
	v1 =	vld [tilespmem:s7+$0x870]  }
0x133: {  	s10 =	sshll.u32 s5, $0x9;
	s5 =	sshll.u32 s5, $0x7;
	[tilespmem:s25+$0x1660] =	vst v2;
	v0 =	vld [tilespmem:s4+$0x400]  }
0x134: {  	s14 =	sand.u32 $0xFFFFF800, s10;
	s5 =	sand.u32 $0x180, s5;
	[tilespmem:s25+$0x16E0] =	vst v4;
	v2 =	vld [tilespmem:s1+$0x870]  }
0x135: {  	s14 =	sor.u32 s5, s14;
	s4 =	sor.u32 s10, s5;
	v4 =	vld [tilespmem:s12+$0x870];
	[tilespmem:s25+$0x1760] =	vst v3  }
0x136: {  	s12 =	sor.u32 $0x600, s4;
	s5 =	sor.u32 $0x610, s4;
	v3 =	vld [tilespmem:s14+$0x400];
	[tilespmem:s25+$0x1460] =	vst v5  }
0x137: {  	s10 =	sor.u32 $0x620, s4;
	s9 =	sor.u32 $0x630, s4;
	s7 =	sor.u32 $0x640, s4;
	v5 =	vld [tilespmem:s2+$0x870];
	[tilespmem:s25+$0x14F0] =	vst v1  }
0x138: {  	s1 =	sor.u32 $0x650, s4;
	s2 =	sor.u32 $0x660, s4;
	s4 =	sor.u32 $0x670, s4;
	[tilespmem:s25+$0x1BF0] =	vst v0;
	v0 =	vld [tilespmem:s0+$0x870]  }
0x139: {  	[smem:$0x7D9] =	sst s4;
	s4 =	sshll.u32 s6, $0x9;
	[tilespmem:s25+$0x1570] =	vst v2;
	v1 =	vld [tilespmem:s31+$0x870]  }
0x13a: {  	v2 =	vld [tilespmem:s24+$0x870];
	[tilespmem:s25+$0x15F0] =	vst v4;
	s4 =	sand.u32 $0x3FFFFE00, s4  }
0x13b: {  	s24 =	smov.u32 s14;
	[tilespmem:s4+$0xC00] =	vst v3;
	v3 =	vld [tilespmem:s26+$0x400]  }
0x13c: {  	[tilespmem:s25+$0x1670] =	vst v5;
	v4 =	vld [tilespmem:s24+$0x410]  }
0x13d: {  	[tilespmem:s25+$0x16F0] =	vst v0;
	v0 =	vld [tilespmem:s13+$0x400]  }
0x13e: {  	[smem:$0x7D8] =	sst s2;
	v5 =	vld [tilespmem:s19+$0x400];
	[tilespmem:s25+$0x1770] =	vst v1  }
0x13f: {  	s2 =	sld [smem:$0x7DC];
	[tilespmem:s25+$0x1470] =	vst v2;
	v1 =	vld [tilespmem:s3+$0x400]  }
0x140: {  	v2 =	vld [tilespmem:s16+$0x400];
	[tilespmem:s25+$0x1880] =	vst v3  }
0x141: {  	s3 =	sld [smem:$0x7E0];
	v3 =	vld [tilespmem:s18+$0x400];
	[tilespmem:s4+$0xC10] =	vst v4  }
0x142: {  	s26 =	smov.u32 s12;
	s12 =	sld [smem:$0x7E4];
	[tilespmem:s25+$0x1980] =	vst v0;
	v0 =	vld [tilespmem:s2+$0x400]  }
0x143: {  	[tilespmem:s25+$0x1900] =	vst v5;
	v4 =	vld [tilespmem:s24+$0x420]  }
0x144: {  	[tilespmem:s25+$0x1A00] =	vst v1;
	v1 =	vld [tilespmem:s3+$0x400]  }
0x145: {  	[tilespmem:s25+$0x1A80] =	vst v2;
	v2 =	vld [tilespmem:s12+$0x400]  }
0x146: {  	v5 =	vld [tilespmem:s30+$0x400];
	[tilespmem:s25+$0x1B00] =	vst v3  }
0x147: {  	v3 =	vld [tilespmem:s11+$0x400];
	[tilespmem:s25+$0x1890] =	vst v0  }
0x148: {  	s14 =	sld [smem:$0x7DD];
	v0 =	vld [tilespmem:s8+$0x400];
	[tilespmem:s4+$0xC20] =	vst v4  }
0x149: {  	[tilespmem:s25+$0x1910] =	vst v1;
	v4 =	vld [tilespmem:s24+$0x430]  }
0x14a: {  	s16 =	sld [smem:$0x7E1];
	v1 =	vld [tilespmem:s21+$0x400];
	[tilespmem:s25+$0x1990] =	vst v2  }
0x14b: {  	s18 =	sld [smem:$0x7E5];
	v2 =	vld [tilespmem:s14+$0x400];
	[tilespmem:s25+$0x1800] =	vst v5  }
0x14c: {  	v5 =	vld [tilespmem:s29+$0x400];
	[tilespmem:s25+$0x1A10] =	vst v3  }
0x14d: {  	s19 =	sld [smem:$0x7E8];
	v3 =	vld [tilespmem:s16+$0x400];
	[tilespmem:s25+$0x1A90] =	vst v0  }
0x14e: {  	[smem:$0x7D7] =	sst s26;
	v0 =	vld [tilespmem:s18+$0x400];
	[tilespmem:s4+$0xC30] =	vst v4  }
0x14f: {  	s21 =	sld [smem:$0x7EC];
	[tilespmem:s25+$0x1B10] =	vst v1;
	v4 =	vld [tilespmem:s24+$0x440]  }
0x150: {  	s26 =	sld [smem:$0x7F0];
	[tilespmem:s25+$0x18A0] =	vst v2  }
0x151: {  	s2 =	sld [smem:$0x7DE];
	v1 =	vld [tilespmem:s19+$0x400];
	[tilespmem:s25+$0x1810] =	vst v5  }
0x152: {  	v2 =	vld [tilespmem:s21+$0x400];
	[tilespmem:s25+$0x1920] =	vst v3  }
0x153: {  	v3 =	vld [tilespmem:s26+$0x400];
	[tilespmem:s25+$0x19A0] =	vst v0  }
0x154: {  	s3 =	sld [smem:$0x7E2];
	v0 =	vld [tilespmem:s2+$0x400];
	[tilespmem:s4+$0xC40] =	vst v4  }
0x155: {  	s13 =	smov.u32 s5;
	s5 =	sld [smem:$0x7E6];
	v4 =	vld [tilespmem:s28+$0x400]  }
0x156: {  	s8 =	sld [smem:$0x7E9];
	[tilespmem:s25+$0x1A20] =	vst v1;
	v5 =	vld [tilespmem:s24+$0x450]  }
0x157: {  	s11 =	sld [smem:$0x7F1];
	v1 =	vld [tilespmem:s3+$0x400];
	[tilespmem:s25+$0x1AA0] =	vst v2  }
0x158: {  	s14 =	smov.u32 s10;
	s10 =	sld [smem:$0x7ED];
	v2 =	vld [tilespmem:s5+$0x400];
	[tilespmem:s25+$0x1B20] =	vst v3  }
0x159: {  	v3 =	vld [tilespmem:s8+$0x400];
	[tilespmem:s25+$0x18B0] =	vst v0  }
0x15a: {  	v0 =	vld [tilespmem:s11+$0x400];
	[tilespmem:s25+$0x1820] =	vst v4  }
0x15b: {  	v4 =	vld [tilespmem:s10+$0x400];
	[tilespmem:s4+$0xC50] =	vst v5  }
0x15c: {  	[smem:$0x7D6] =	sst s13;
	[tilespmem:s25+$0x1930] =	vst v1;
	v5 =	vld [tilespmem:s24+$0x460]  }
0x15d: {  	v1 =	vld [tilespmem:s23+$0x400];
	s12 =	sld [smem:$0x7DF]  }
0x15e: {  	s13 =	sld [smem:$0x7E3]  }
0x15f: {  	[tilespmem:s25+$0x19B0] =	vst v2;
	s16 =	sld [smem:$0x7E7]  }
0x160: {  	[tilespmem:s25+$0x1A30] =	vst v3;
	v2 =	vld [tilespmem:s12+$0x400]  }
0x161: {  	s18 =	sld [smem:$0x7EA];
	v3 =	vld [tilespmem:s13+$0x400];
	[tilespmem:s25+$0x1AB0] =	vst v4  }
0x162: {  	s19 =	sld [smem:$0x7EE];
	v4 =	vld [tilespmem:s16+$0x400];
	[tilespmem:s4+$0xC60] =	vst v5  }
0x163: {  	[tilespmem:s25+$0x1B30] =	vst v0;
	s21 =	sld [smem:$0x7F2];
	v5 =	vld [tilespmem:s24+$0x470]  }
0x164: {  	v0 =	vld [tilespmem:s18+$0x400];
	[tilespmem:s25+$0x1830] =	vst v1  }
0x165: {  	v1 =	vld [tilespmem:s19+$0x400];
	[tilespmem:s25+$0x18C0] =	vst v2  }
0x166: {  	s23 =	rddreg [dreg:$0x16];
	[tilespmem:s25+$0x1940] =	vst v3;
	v2 =	vld [tilespmem:s21+$0x400]  }
0x167: {  	s26 =	rddreg [dreg:$0x19];
	v3 =	vld [tilespmem:s22+$0x400];
	[tilespmem:s25+$0x19C0] =	vst v4  }
0x168: {  	s2 =	rddreg [dreg:$0x1e];
	v4 =	vld [tilespmem:s23+$0x400];
	[tilespmem:s4+$0xC70] =	vst v5  }
0x169: {  	s3 =	sld [smem:$0x7EB];
	[tilespmem:s25+$0x1A40] =	vst v0;
	v5 =	vld [tilespmem:s24+$0x600]  }
0x16a: {  	s5 =	sld [smem:$0x7EF];
	v0 =	vld [tilespmem:s26+$0x400];
	[tilespmem:s25+$0x1AC0] =	vst v1  }
0x16b: {  	s29 =	smov.u32 s7;
	s7 =	sld [smem:$0x7F3];
	v1 =	vld [tilespmem:s2+$0x400];
	[tilespmem:s25+$0x1B40] =	vst v2  }
0x16c: {  	[tilespmem:s25+$0x1840] =	vst v3;
	v2 =	vld [tilespmem:s3+$0x400]  }
0x16d: {  	s8 =	rddreg [dreg:$0x10];
	v3 =	vld [tilespmem:s5+$0x400];
	[tilespmem:s25+$0x18D0] =	vst v4  }
0x16e: {  	s30 =	smov.u32 s9;
	s9 =	rddreg [dreg:$0x12];
	v4 =	vld [tilespmem:s7+$0x400];
	[tilespmem:s4+$0x1000] =	vst v5  }
0x16f: {  	s10 =	rddreg [dreg:$0x14];
	[tilespmem:s25+$0x1950] =	vst v0;
	v5 =	vld [tilespmem:s24+$0x610]  }
0x170: {  	s11 =	rddreg [dreg:$0x18];
	[tilespmem:s25+$0x19D0] =	vst v1;
	v1 =	vld [tilespmem:s8+$0x400]  }
0x171: {  	s12 =	sld [smem:s6+$0x7];
	v0 =	vld [tilespmem:s15+$0x400];
	[tilespmem:s25+$0x1A50] =	vst v2  }
0x172: {  	s13 =	sld [smem:s6+$0x1];
	v2 =	vld [tilespmem:s9+$0x400];
	[tilespmem:s25+$0x1AD0] =	vst v3  }
0x173: {  	s16 =	sld [smem:s6+$0x2];
	v3 =	vld [tilespmem:s10+$0x400];
	[tilespmem:s25+$0x1B50] =	vst v4  }
0x174: {  	s18 =	rddreg [dreg:$0x7];
	v4 =	vld [tilespmem:s11+$0x400];
	[tilespmem:s4+$0x1010] =	vst v5  }
0x175: {  	s15 =	rddreg [dreg:$0x1b];
	[tilespmem:s25+$0x18E0] =	vst v1;
	v5 =	vld [tilespmem:s24+$0x620]  }
0x176: {  	s19 =	rddreg [dreg:$0x1f];
	[tilespmem:s25+$0x1850] =	vst v0;
	v0 =	vld [tilespmem:s15+$0x400]  }
0x177: {  	s10 =	rddreg [dreg:$0x5];
	v1 =	vld [tilespmem:s19+$0x400];
	[tilespmem:s25+$0x1960] =	vst v2  }
0x178: {  	s21 =	sld [smem:s6+$0x3];
	s22 =	sshll.u32 s12, $0x9;
	[tilespmem:s25+$0x19E0] =	vst v3;
	v3 =	vld [tilespmem:s10+$0x400]  }
0x179: {  	s0 =	sshll.u32 s12, $0x7;
	[smem:$0x7DA] =	sst s22;
	[tilespmem:s25+$0x1A60] =	vst v4;
	v4 =	vld [tilespmem:s18+$0x400]  }
0x17a: {  	s23 =	sld [smem:s6+$0x4];
	s26 =	sand.u32 $0xFFFFF800, s22;
	s9 =	sand.u32 $0x180, s0;
	v2 =	vld [tilespmem:s20+$0x400];
	[tilespmem:s4+$0x1020] =	vst v5  }
0x17b: {  	s28 =	smov.u32 s1;
	s22 =	rddreg [dreg:$0xc];
	s10 =	sor.u32 s9, s26;
	[tilespmem:s25+$0x1AE0] =	vst v0;
	v0 =	vld [tilespmem:s24+$0x630]  }
0x17c: {  	s1 =	sshll.u32 s13, $0x7;
	s3 =	sshll.u32 s13, $0x9;
	s20 =	rddreg [dreg:$0x6];
	[tilespmem:s25+$0x1B60] =	vst v1;
	v5 =	vld [tilespmem:s10+$0x400]  }
0x17d: {  	s7 =	sshll.u32 s23, $0x7;
	s15 =	sshll.u32 s23, $0x9;
	s23 =	rddreg [dreg:$0xe];
	v1 =	vld [tilespmem:s20+$0x400];
	[tilespmem:s25+$0x18F0] =	vst v3  }
0x17e: {  	s13 =	sshll.u32 s21, $0x9;
	s5 =	sshll.u32 s21, $0x7;
	s21 =	rddreg [dreg:$0xa];
	[tilespmem:s25+$0x1970] =	vst v4;
	v4 =	vld [tilespmem:s23+$0x400]  }
0x17f: {  	s11 =	sld [smem:s6+$0x5];
	[tilespmem:s25+$0x1860] =	vst v2;
	v2 =	vld [tilespmem:s21+$0x400]  }
0x180: {  	s31 =	smov.u32 s17;
	s17 =	sand.u32 $0x180, s1;
	s19 =	sld [smem:s6+$0x6];
	v3 =	vld [tilespmem:s22+$0x400];
	[tilespmem:s4+$0x1030] =	vst v0  }
0x181: {  	s2 =	sshll.u32 s16, $0x7;
	s12 =	sand.u32 $0xFFFFF800, s3;
	s5 =	sand.u32 $0x180, s5;
	[tilespmem:s4+$0xF80] =	vst v5;
	v5 =	vld [tilespmem:s24+$0x640]  }
0x182: {  	s8 =	sshll.u32 s16, $0x9;
	s16 =	sshll.u32 s11, $0x9;
	s0 =	sshll.u32 s11, $0x7;
	[tilespmem:s25+$0x19F0] =	vst v1;
	v1 =	vld [tilespmem:s31+$0x400]  }
0x183: {  	s18 =	sshll.u32 s19, $0x9;
	s11 =	sshll.u32 s19, $0x7;
	s19 =	sand.u32 $0x180, s2;
	[tilespmem:s25+$0x1B70] =	vst v4  }
0x184: {  	s2 =	sand.u32 $0xFFFFF800, s13;
	s11 =	sand.u32 $0x180, s11;
	s20 =	sand.u32 $0xFFFFF800, s15;
	[tilespmem:s25+$0x1A70] =	vst v2  }
0x185: {  	s23 =	sand.u32 $0x180, s0;
	s21 =	sand.u32 $0x180, s7;
	s22 =	sand.u32 $0xFFFFF800, s16;
	[tilespmem:s25+$0x1AF0] =	vst v3  }
0x186: {  	s7 =	sor.u32 s17, s12;
	s12 =	sor.u32 s5, s2;
	s17 =	sor.u32 s3, s17;
	[tilespmem:s4+$0x1040] =	vst v5  }
0x187: {  	s5 =	sor.u32 s13, s5;
	s0 =	sor.u32 s23, s22;
	[tilespmem:s25+$0x1870] =	vst v1;
	s25 =	sor.u32 $0x610, s17  }
0x188: {  	s22 =	sor.u32 s8, s19;
	[smem:$0x7DC] =	sst s25;
	s25 =	sor.u32 $0x620, s17  }
0x189: {  	s2 =	sor.u32 s21, s20;
	[smem:$0x7DD] =	sst s25;
	s25 =	sor.u32 $0x620, s22  }
0x18a: {  	s20 =	sor.u32 s15, s21;
	[smem:$0x7E1] =	sst s25;
	s25 =	sor.u32 $0x620, s5  }
0x18b: {  	s23 =	sor.u32 s16, s23;
	[smem:$0x7E5] =	sst s25;
	s25 =	sor.u32 $0x620, s20  }
0x18c: {  	s15 =	sor.u32 s18, s11;
	[smem:$0x7E8] =	sst s25;
	s25 =	sor.u32 $0x620, s23  }
0x18d: {  	[smem:$0x7EC] =	sst s25;
	s25 =	sor.u32 $0x620, s15  }
0x18e: {  	[smem:$0x7F0] =	sst s25;
	s25 =	sor.u32 $0x630, s17  }
0x18f: {  	[smem:$0x7DE] =	sst s25;
	s25 =	sor.u32 $0x630, s22  }
0x190: {  	[smem:$0x7E2] =	sst s25;
	s25 =	sor.u32 $0x630, s5  }
0x191: {  	[smem:$0x7E6] =	sst s25;
	s25 =	sor.u32 $0x630, s20  }
0x192: {  	[smem:$0x7E9] =	sst s25;
	s25 =	sor.u32 $0x630, s23  }
0x193: {  	[smem:$0x7ED] =	sst s25;
	s25 =	sor.u32 $0x630, s15  }
0x194: {  	[smem:$0x7F1] =	sst s25;
	s25 =	sor.u32 $0x640, s17  }
0x195: {  	[smem:$0x7DF] =	sst s25;
	s25 =	sor.u32 $0x640, s22  }
0x196: {  	[smem:$0x7E3] =	sst s25;
	s25 =	sor.u32 $0x640, s5  }
0x197: {  	[smem:$0x7E7] =	sst s25;
	s25 =	sor.u32 $0x640, s20  }
0x198: {  	v0 =	vld [tilespmem:s10+$0x410];
	[smem:$0x7EA] =	sst s25;
	s25 =	sor.u32 $0x640, s23  }
0x199: {  	[smem:$0x7EE] =	sst s25;
	s25 =	sor.u32 $0x640, s15  }
0x19a: {  	s1 =	sand.u32 $0xFFFFF800, s8;
	v2 =	vld [tilespmem:s7+$0x400];
	[smem:$0x7F2] =	sst s25;
	s25 =	sor.u32 $0x650, s17  }
0x19b: {  	s1 =	sor.u32 s19, s1;
	[dreg:$0x16] =	wrdreg s25;
	s25 =	sor.u32 $0x650, s22  }
0x19c: {  	v3 =	vld [tilespmem:s1+$0x400];
	[dreg:$0x19] =	wrdreg s25;
	s25 =	sor.u32 $0x650, s5  }
0x19d: {  	s26 =	sand.u32 $0xFFFFF800, s18;
	v4 =	vld [tilespmem:s12+$0x400];
	[tilespmem:s4+$0xF90] =	vst v0;
	[dreg:$0x1e] =	wrdreg s25;
	s25 =	sor.u32 $0x650, s20  }
0x19e: {  	s31 =	sor.u32 s11, s26;
	v0 =	vld [tilespmem:s10+$0x420];
	[smem:$0x7EB] =	sst s25;
	s25 =	sor.u32 $0x650, s23  }
0x19f: {  	[tilespmem:s4+$0xC80] =	vst v2;
	v2 =	vld [tilespmem:s31+$0x400];
	[smem:$0x7EF] =	sst s25;
	s25 =	sor.u32 $0x650, s15  }
0x1a0: {  	v5 =	vld [tilespmem:s2+$0x400];
	[smem:$0x7F3] =	sst s25;
	s25 =	sor.u32 $0x660, s17  }
0x1a1: {  	s26 =	sor.u32 $0x600, s17;
	[tilespmem:s4+$0xD00] =	vst v3;
	v3 =	vld [tilespmem:s7+$0x410];
	s17 =	sor.u32 $0x670, s17;
	[dreg:$0x10] =	wrdreg s25  }
0x1a2: {  	[tilespmem:s4+$0xD80] =	vst v4;
	v1 =	vld [tilespmem:s0+$0x400];
	[dreg:$0x5] =	wrdreg s17  }
0x1a3: {  	v4 =	vld [tilespmem:s1+$0x410];
	[tilespmem:s4+$0xFA0] =	vst v0;
	s25 =	sor.u32 $0x660, s22;
	s17 =	sld [smem:$0x7D8]  }
0x1a4: {  	[tilespmem:s4+$0xF00] =	vst v2;
	v0 =	vld [tilespmem:s10+$0x430];
	[dreg:$0x12] =	wrdreg s25;
	s25 =	sor.u32 $0x660, s5  }
0x1a5: {  	[tilespmem:s4+$0xE00] =	vst v5;
	v5 =	vld [tilespmem:s12+$0x410];
	[dreg:$0x14] =	wrdreg s25;
	s25 =	sor.u32 $0x660, s20  }
0x1a6: {  	[tilespmem:s4+$0xC90] =	vst v3;
	v3 =	vld [tilespmem:s31+$0x410];
	[dreg:$0x18] =	wrdreg s25;
	s25 =	sor.u32 $0x660, s23  }
0x1a7: {  	[tilespmem:s4+$0xE80] =	vst v1;
	v1 =	vld [tilespmem:s2+$0x410];
	[dreg:$0x1b] =	wrdreg s25;
	s25 =	sor.u32 $0x660, s15  }
0x1a8: {  	[tilespmem:s4+$0xD10] =	vst v4;
	v2 =	vld [tilespmem:s0+$0x410];
	[dreg:$0x1f] =	wrdreg s25;
	s25 =	sor.u32 $0x670, s22  }
0x1a9: {  	v4 =	vld [tilespmem:s7+$0x420];
	[tilespmem:s4+$0xFB0] =	vst v0;
	[dreg:$0x7] =	wrdreg s25;
	s25 =	sor.u32 $0x670, s23  }
0x1aa: {  	[tilespmem:s4+$0xD90] =	vst v5;
	v0 =	vld [tilespmem:s10+$0x440];
	[dreg:$0xc] =	wrdreg s25  }
0x1ab: {  	s3 =	sor.u32 $0x600, s20;
	s11 =	sor.u32 $0x610, s22;
	v5 =	vld [tilespmem:s1+$0x420];
	[tilespmem:s4+$0xF10] =	vst v3;
	s25 =	sld [smem:$0x7D9]  }
0x1ac: {  	[smem:$0x7E0] =	sst s11;
	s11 =	sor.u32 $0x610, s20;
	[tilespmem:s4+$0xE10] =	vst v1;
	v1 =	vld [tilespmem:s12+$0x420];
	s20 =	sor.u32 $0x670, s20  }
0x1ad: {  	[tilespmem:s4+$0xE90] =	vst v2;
	v2 =	vld [tilespmem:s2+$0x420];
	[dreg:$0xa] =	wrdreg s20  }
0x1ae: {  	[tilespmem:s4+$0xCA0] =	vst v4;
	v3 =	vld [tilespmem:s0+$0x420];
	s20 =	smov.u32 s17;
	s17 =	smov.u32 s25;
	s25 =	smov.u32 s4  }
0x1af: {  	v4 =	vld [tilespmem:s31+$0x420];
	[tilespmem:s25+$0xFC0] =	vst v0  }
0x1b0: {  	[tilespmem:s25+$0xD20] =	vst v5;
	v0 =	vld [tilespmem:s10+$0x450]  }
0x1b1: {  	[tilespmem:s25+$0xDA0] =	vst v1;
	v1 =	vld [tilespmem:s1+$0x430]  }
0x1b2: {  	v5 =	vld [tilespmem:s7+$0x430];
	[tilespmem:s25+$0xE20] =	vst v2  }
0x1b3: {  	[tilespmem:s25+$0xEA0] =	vst v3;
	v2 =	vld [tilespmem:s12+$0x430]  }
0x1b4: {  	[tilespmem:s25+$0xF20] =	vst v4;
	v3 =	vld [tilespmem:s2+$0x430]  }
0x1b5: {  	v4 =	vld [tilespmem:s0+$0x430];
	[tilespmem:s25+$0xFD0] =	vst v0  }
0x1b6: {  	[tilespmem:s25+$0xD30] =	vst v1;
	v1 =	vld [tilespmem:s31+$0x430]  }
0x1b7: {  	[tilespmem:s25+$0xCB0] =	vst v5;
	v0 =	vld [tilespmem:s10+$0x460]  }
0x1b8: {  	[tilespmem:s25+$0xDB0] =	vst v2;
	v2 =	vld [tilespmem:s1+$0x440]  }
0x1b9: {  	v5 =	vld [tilespmem:s7+$0x440];
	[tilespmem:s25+$0xE30] =	vst v3  }
0x1ba: {  	[tilespmem:s25+$0xEB0] =	vst v4;
	v3 =	vld [tilespmem:s12+$0x440]  }
0x1bb: {  	v4 =	vld [tilespmem:s2+$0x440];
	[tilespmem:s25+$0xF30] =	vst v1  }
0x1bc: {  	v1 =	vld [tilespmem:s0+$0x440];
	[tilespmem:s25+$0xFE0] =	vst v0  }
0x1bd: {  	[tilespmem:s25+$0xD40] =	vst v2;
	v2 =	vld [tilespmem:s31+$0x440]  }
0x1be: {  	[tilespmem:s25+$0xCC0] =	vst v5;
	v0 =	vld [tilespmem:s10+$0x470]  }
0x1bf: {  	[tilespmem:s25+$0xDC0] =	vst v3;
	v3 =	vld [tilespmem:s1+$0x450]  }
0x1c0: {  	v5 =	vld [tilespmem:s7+$0x450];
	[tilespmem:s25+$0xE40] =	vst v4  }
0x1c1: {  	v4 =	vld [tilespmem:s12+$0x450];
	[tilespmem:s25+$0xEC0] =	vst v1  }
0x1c2: {  	v1 =	vld [tilespmem:s2+$0x450];
	[tilespmem:s25+$0xF40] =	vst v2  }
0x1c3: {  	v2 =	vld [tilespmem:s0+$0x450];
	[tilespmem:s25+$0xFF0] =	vst v0  }
0x1c4: {  	[tilespmem:s25+$0xD50] =	vst v3;
	v3 =	vld [tilespmem:s31+$0x450]  }
0x1c5: {  	[tilespmem:s25+$0xCD0] =	vst v5;
	v0 =	vld [tilespmem:s10+$0x600]  }
0x1c6: {  	[tilespmem:s25+$0xDD0] =	vst v4;
	v4 =	vld [tilespmem:s1+$0x460]  }
0x1c7: {  	v5 =	vld [tilespmem:s7+$0x460];
	[tilespmem:s25+$0xE50] =	vst v1  }
0x1c8: {  	v1 =	vld [tilespmem:s12+$0x460];
	[tilespmem:s25+$0xED0] =	vst v2  }
0x1c9: {  	v2 =	vld [tilespmem:s2+$0x460];
	[tilespmem:s25+$0xF50] =	vst v3  }
0x1ca: {  	v3 =	vld [tilespmem:s0+$0x460];
	[tilespmem:s25+$0x1380] =	vst v0  }
0x1cb: {  	[tilespmem:s25+$0xD60] =	vst v4;
	v4 =	vld [tilespmem:s31+$0x460]  }
0x1cc: {  	[tilespmem:s25+$0xCE0] =	vst v5;
	v0 =	vld [tilespmem:s10+$0x610]  }
0x1cd: {  	v5 =	vld [tilespmem:s7+$0x470];
	[tilespmem:s25+$0xDE0] =	vst v1  }
0x1ce: {  	v1 =	vld [tilespmem:s1+$0x470];
	[tilespmem:s25+$0xE60] =	vst v2  }
0x1cf: {  	v2 =	vld [tilespmem:s12+$0x470];
	[tilespmem:s25+$0xEE0] =	vst v3  }
0x1d0: {  	v3 =	vld [tilespmem:s2+$0x470];
	[tilespmem:s25+$0xF60] =	vst v4  }
0x1d1: {  	v4 =	vld [tilespmem:s0+$0x470];
	[tilespmem:s25+$0x1390] =	vst v0  }
0x1d2: {  	[tilespmem:s25+$0xCF0] =	vst v5;
	v0 =	vld [tilespmem:s10+$0x620]  }
0x1d3: {  	v5 =	vld [tilespmem:s31+$0x470];
	[tilespmem:s25+$0xD70] =	vst v1  }
0x1d4: {  	v1 =	vld [tilespmem:s7+$0x600];
	[tilespmem:s25+$0xDF0] =	vst v2  }
0x1d5: {  	v2 =	vld [tilespmem:s1+$0x600];
	[tilespmem:s25+$0xE70] =	vst v3  }
0x1d6: {  	v3 =	vld [tilespmem:s12+$0x600];
	[tilespmem:s25+$0xEF0] =	vst v4  }
0x1d7: {  	v4 =	vld [tilespmem:s2+$0x600];
	[tilespmem:s25+$0x13A0] =	vst v0  }
0x1d8: {  	[tilespmem:s25+$0xF70] =	vst v5;
	v0 =	vld [tilespmem:s10+$0x630]  }
0x1d9: {  	v5 =	vld [tilespmem:s0+$0x600];
	[tilespmem:s25+$0x1080] =	vst v1  }
0x1da: {  	v1 =	vld [tilespmem:s31+$0x600];
	[tilespmem:s25+$0x1100] =	vst v2  }
0x1db: {  	v2 =	vld [tilespmem:s7+$0x610];
	[tilespmem:s25+$0x1180] =	vst v3  }
0x1dc: {  	v3 =	vld [tilespmem:s1+$0x610];
	[tilespmem:s25+$0x1200] =	vst v4  }
0x1dd: {  	v4 =	vld [tilespmem:s12+$0x610];
	[tilespmem:s25+$0x13B0] =	vst v0  }
0x1de: {  	[tilespmem:s25+$0x1280] =	vst v5;
	v0 =	vld [tilespmem:s10+$0x640]  }
0x1df: {  	v5 =	vld [tilespmem:s2+$0x610];
	[tilespmem:s25+$0x1300] =	vst v1  }
0x1e0: {  	v1 =	vld [tilespmem:s0+$0x610];
	[tilespmem:s25+$0x1090] =	vst v2  }
0x1e1: {  	v2 =	vld [tilespmem:s31+$0x610];
	[tilespmem:s25+$0x1110] =	vst v3  }
0x1e2: {  	v3 =	vld [tilespmem:s7+$0x620];
	[tilespmem:s25+$0x1190] =	vst v4  }
0x1e3: {  	v4 =	vld [tilespmem:s1+$0x620];
	[tilespmem:s25+$0x13C0] =	vst v0  }
0x1e4: {  	[tilespmem:s25+$0x1210] =	vst v5;
	v0 =	vld [tilespmem:s10+$0x650]  }
0x1e5: {  	v5 =	vld [tilespmem:s12+$0x620];
	[tilespmem:s25+$0x1290] =	vst v1  }
0x1e6: {  	v1 =	vld [tilespmem:s2+$0x620];
	[tilespmem:s25+$0x1310] =	vst v2  }
0x1e7: {  	v2 =	vld [tilespmem:s0+$0x620];
	[tilespmem:s25+$0x10A0] =	vst v3  }
0x1e8: {  	v3 =	vld [tilespmem:s31+$0x620];
	[tilespmem:s25+$0x1120] =	vst v4  }
0x1e9: {  	v4 =	vld [tilespmem:s7+$0x630];
	[tilespmem:s25+$0x13D0] =	vst v0  }
0x1ea: {  	[tilespmem:s25+$0x11A0] =	vst v5;
	v0 =	vld [tilespmem:s10+$0x660]  }
0x1eb: {  	v5 =	vld [tilespmem:s1+$0x630];
	[tilespmem:s25+$0x1220] =	vst v1  }
0x1ec: {  	v1 =	vld [tilespmem:s12+$0x630];
	[tilespmem:s25+$0x12A0] =	vst v2  }
0x1ed: {  	v2 =	vld [tilespmem:s2+$0x630];
	[tilespmem:s25+$0x1320] =	vst v3  }
0x1ee: {  	v3 =	vld [tilespmem:s0+$0x630];
	[tilespmem:s25+$0x10B0] =	vst v4  }
0x1ef: {  	v4 =	vld [tilespmem:s31+$0x630];
	[tilespmem:s25+$0x13E0] =	vst v0  }
0x1f0: {  	[tilespmem:s25+$0x1130] =	vst v5;
	v0 =	vld [tilespmem:s10+$0x670]  }
0x1f1: {  	v5 =	vld [tilespmem:s7+$0x640];
	[tilespmem:s25+$0x11B0] =	vst v1  }
0x1f2: {  	v1 =	vld [tilespmem:s1+$0x640];
	[tilespmem:s25+$0x1230] =	vst v2  }
0x1f3: {  	v2 =	vld [tilespmem:s12+$0x640];
	[tilespmem:s25+$0x12B0] =	vst v3  }
0x1f4: {  	v3 =	vld [tilespmem:s2+$0x640];
	[tilespmem:s25+$0x1330] =	vst v4  }
0x1f5: {  	v4 =	vld [tilespmem:s0+$0x640];
	[tilespmem:s25+$0x13F0] =	vst v0  }
0x1f6: {  	[tilespmem:s25+$0x10C0] =	vst v5;
	v0 =	vld [tilespmem:s10+$0x800]  }
0x1f7: {  	[tilespmem:s25+$0x1140] =	vst v1  }
0x1f8: {  	v5 =	vld [tilespmem:s31+$0x640];
	[tilespmem:s25+$0x11C0] =	vst v2  }
0x1f9: {  	v1 =	vld [tilespmem:s7+$0x650];
	[tilespmem:s25+$0x1240] =	vst v3  }
0x1fa: {  	v2 =	vld [tilespmem:s1+$0x650];
	[tilespmem:s25+$0x12C0] =	vst v4  }
0x1fb: {  	v4 =	vld [tilespmem:s2+$0x650];
	[tilespmem:s25+$0x1780] =	vst v0  }
0x1fc: {  	v0 =	vld [tilespmem:s10+$0x810]  }
0x1fd: {  	v3 =	vld [tilespmem:s12+$0x650];
	[tilespmem:s25+$0x1340] =	vst v5  }
0x1fe: {  	v5 =	vld [tilespmem:s0+$0x650];
	[tilespmem:s25+$0x10D0] =	vst v1  }
0x1ff: {  	v1 =	vld [tilespmem:s31+$0x650];
	[tilespmem:s25+$0x1150] =	vst v2  }
0x200: {  	v2 =	vld [tilespmem:s24+$0x650];
	[tilespmem:s25+$0x1250] =	vst v4  }
0x201: {  	v4 =	vld [tilespmem:s1+$0x660];
	[tilespmem:s25+$0x1790] =	vst v0  }
0x202: {  	[tilespmem:s25+$0x11D0] =	vst v3;
	v0 =	vld [tilespmem:s10+$0x820]  }
0x203: {  	v3 =	vld [tilespmem:s7+$0x660];
	[tilespmem:s25+$0x12D0] =	vst v5  }
0x204: {  	v5 =	vld [tilespmem:s12+$0x660];
	[tilespmem:s25+$0x1350] =	vst v1  }
0x205: {  	v1 =	vld [tilespmem:s2+$0x660];
	[tilespmem:s25+$0x1050] =	vst v2  }
0x206: {  	v2 =	vld [tilespmem:s0+$0x660];
	[tilespmem:s25+$0x1160] =	vst v4  }
0x207: {  	v4 =	vld [tilespmem:s24+$0x660];
	[tilespmem:s25+$0x17A0] =	vst v0  }
0x208: {  	[tilespmem:s25+$0x10E0] =	vst v3;
	v0 =	vld [tilespmem:s10+$0x830]  }
0x209: {  	v3 =	vld [tilespmem:s31+$0x660];
	[tilespmem:s25+$0x11E0] =	vst v5  }
0x20a: {  	v5 =	vld [tilespmem:s7+$0x670];
	[tilespmem:s25+$0x1260] =	vst v1  }
0x20b: {  	v1 =	vld [tilespmem:s1+$0x670];
	[tilespmem:s25+$0x12E0] =	vst v2  }
0x20c: {  	v2 =	vld [tilespmem:s12+$0x670];
	[tilespmem:s25+$0x1060] =	vst v4  }
0x20d: {  	v4 =	vld [tilespmem:s0+$0x670];
	[tilespmem:s25+$0x17B0] =	vst v0  }
0x20e: {  	[tilespmem:s25+$0x1360] =	vst v3;
	v0 =	vld [tilespmem:s10+$0x840]  }
0x20f: {  	v3 =	vld [tilespmem:s2+$0x670];
	[tilespmem:s25+$0x10F0] =	vst v5  }
0x210: {  	v5 =	vld [tilespmem:s31+$0x670];
	[tilespmem:s25+$0x1170] =	vst v1  }
0x211: {  	v1 =	vld [tilespmem:s24+$0x670];
	[tilespmem:s25+$0x11F0] =	vst v2  }
0x212: {  	v2 =	vld [tilespmem:s7+$0x800];
	[tilespmem:s25+$0x12F0] =	vst v4  }
0x213: {  	v4 =	vld [tilespmem:s12+$0x800];
	[tilespmem:s25+$0x17C0] =	vst v0  }
0x214: {  	[tilespmem:s25+$0x1270] =	vst v3;
	v0 =	vld [tilespmem:s10+$0x850]  }
0x215: {  	v3 =	vld [tilespmem:s1+$0x800];
	[tilespmem:s25+$0x1370] =	vst v5  }
0x216: {  	v5 =	vld [tilespmem:s2+$0x800];
	[tilespmem:s25+$0x1070] =	vst v1  }
0x217: {  	v1 =	vld [tilespmem:s0+$0x800];
	[tilespmem:s25+$0x1480] =	vst v2  }
0x218: {  	v2 =	vld [tilespmem:s31+$0x800];
	[tilespmem:s25+$0x1580] =	vst v4  }
0x219: {  	v4 =	vld [tilespmem:s7+$0x810];
	[tilespmem:s25+$0x17D0] =	vst v0  }
0x21a: {  	[tilespmem:s25+$0x1500] =	vst v3;
	v0 =	vld [tilespmem:s10+$0x860]  }
0x21b: {  	v3 =	vld [tilespmem:s24+$0x800];
	[tilespmem:s25+$0x1600] =	vst v5  }
0x21c: {  	v5 =	vld [tilespmem:s1+$0x810];
	[tilespmem:s25+$0x1680] =	vst v1  }
0x21d: {  	v1 =	vld [tilespmem:s12+$0x810];
	[tilespmem:s25+$0x1700] =	vst v2  }
0x21e: {  	v2 =	vld [tilespmem:s2+$0x810];
	[tilespmem:s25+$0x1490] =	vst v4  }
0x21f: {  	v4 =	vld [tilespmem:s31+$0x810];
	[tilespmem:s25+$0x17E0] =	vst v0  }
0x220: {  	[tilespmem:s25+$0x1400] =	vst v3;
	v0 =	vld [tilespmem:s10+$0x870]  }
0x221: {  	v3 =	vld [tilespmem:s0+$0x810];
	[tilespmem:s25+$0x1510] =	vst v5;
	s10 =	sld [smem:$0x7DA]  }
0x222: {  	s21 =	sor.u32 $0x610, s5;
	s18 =	sor.u32 $0x600, s15;
	v5 =	vld [tilespmem:s24+$0x810];
	[tilespmem:s25+$0x1590] =	vst v1  }
0x223: {  	[smem:$0x7E4] =	sst s21;
	s21 =	sor.u32 $0x610, s15;
	s15 =	sor.u32 $0x670, s15;
	v1 =	vld [tilespmem:s7+$0x820];
	[tilespmem:s25+$0x1610] =	vst v2  }
0x224: {  	[dreg:$0xe] =	wrdreg s15;
	v2 =	vld [tilespmem:s1+$0x820];
	[tilespmem:s25+$0x1710] =	vst v4;
	s4 =	sor.u32 s10, s9  }
0x225: {  	s15 =	smov.u32 s28;
	s28 =	smov.u32 s14;
	v4 =	vld [tilespmem:s2+$0x820];
	s14 =	sor.u32 $0x600, s4;
	[tilespmem:s25+$0x17F0] =	vst v0  }
0x226: {  	[tilespmem:s25+$0x1690] =	vst v3;
	v0 =	vld [tilespmem:s14+$0x400]  }
0x227: {  	v3 =	vld [tilespmem:s12+$0x820];
	[tilespmem:s25+$0x1410] =	vst v5  }
0x228: {  	v5 =	vld [tilespmem:s0+$0x820];
	[tilespmem:s25+$0x14A0] =	vst v1  }
0x229: {  	v1 =	vld [tilespmem:s31+$0x820];
	[tilespmem:s25+$0x1520] =	vst v2  }
0x22a: {  	v2 =	vld [tilespmem:s24+$0x820];
	[tilespmem:s25+$0x1620] =	vst v4  }
0x22b: {  	v4 =	vld [tilespmem:s1+$0x830];
	s9 =	sor.u32 $0x610, s4;
	[tilespmem:s25+$0x1B80] =	vst v0  }
0x22c: {  	[tilespmem:s25+$0x15A0] =	vst v3;
	v0 =	vld [tilespmem:s9+$0x400]  }
0x22d: {  	v3 =	vld [tilespmem:s7+$0x830];
	[tilespmem:s25+$0x16A0] =	vst v5  }
0x22e: {  	v5 =	vld [tilespmem:s12+$0x830];
	[tilespmem:s25+$0x1720] =	vst v1  }
0x22f: {  	v1 =	vld [tilespmem:s2+$0x830];
	[tilespmem:s25+$0x1420] =	vst v2  }
0x230: {  	v2 =	vld [tilespmem:s0+$0x830];
	[tilespmem:s25+$0x1530] =	vst v4  }
0x231: {  	v4 =	vld [tilespmem:s24+$0x830];
	s10 =	sor.u32 $0x620, s4;
	[tilespmem:s25+$0x1B90] =	vst v0  }
0x232: {  	[tilespmem:s25+$0x14B0] =	vst v3;
	v0 =	vld [tilespmem:s10+$0x400]  }
0x233: {  	v3 =	vld [tilespmem:s31+$0x830];
	[tilespmem:s25+$0x15B0] =	vst v5  }
0x234: {  	v5 =	vld [tilespmem:s7+$0x840];
	[tilespmem:s25+$0x1630] =	vst v1  }
0x235: {  	v1 =	vld [tilespmem:s1+$0x840];
	[tilespmem:s25+$0x16B0] =	vst v2  }
0x236: {  	v2 =	vld [tilespmem:s12+$0x840];
	[tilespmem:s25+$0x1430] =	vst v4  }
0x237: {  	v4 =	vld [tilespmem:s0+$0x840];
	s14 =	sor.u32 $0x630, s4;
	[tilespmem:s25+$0x1BA0] =	vst v0  }
0x238: {  	[tilespmem:s25+$0x1730] =	vst v3;
	v0 =	vld [tilespmem:s14+$0x400]  }
0x239: {  	v3 =	vld [tilespmem:s2+$0x840];
	[tilespmem:s25+$0x14C0] =	vst v5  }
0x23a: {  	v5 =	vld [tilespmem:s31+$0x840];
	[tilespmem:s25+$0x1540] =	vst v1  }
0x23b: {  	v1 =	vld [tilespmem:s24+$0x840];
	[tilespmem:s25+$0x15C0] =	vst v2  }
0x23c: {  	v2 =	vld [tilespmem:s7+$0x850];
	[tilespmem:s25+$0x16C0] =	vst v4  }
0x23d: {  	v4 =	vld [tilespmem:s12+$0x850];
	s9 =	sor.u32 $0x640, s4;
	[tilespmem:s25+$0x1BB0] =	vst v0  }
0x23e: {  	[tilespmem:s25+$0x1640] =	vst v3;
	v0 =	vld [tilespmem:s9+$0x400]  }
0x23f: {  	v3 =	vld [tilespmem:s1+$0x850];
	[tilespmem:s25+$0x1740] =	vst v5  }
0x240: {  	v5 =	vld [tilespmem:s2+$0x850];
	[tilespmem:s25+$0x1440] =	vst v1  }
0x241: {  	v1 =	vld [tilespmem:s0+$0x850];
	[tilespmem:s25+$0x14D0] =	vst v2  }
0x242: {  	v2 =	vld [tilespmem:s31+$0x850];
	[tilespmem:s25+$0x15D0] =	vst v4  }
0x243: {  	v4 =	vld [tilespmem:s7+$0x860];
	s10 =	sor.u32 $0x650, s4;
	[tilespmem:s25+$0x1BC0] =	vst v0  }
0x244: {  	[tilespmem:s25+$0x1550] =	vst v3;
	v0 =	vld [tilespmem:s10+$0x400]  }
0x245: {  	p1 =	slt.u32 s6, $0x38;
	v6 =	vld [tilespmem:s24+$0x850];
	[tilespmem:s25+$0x1650] =	vst v5  }
.Ltmp0:
0x246: {  	v3 =	vld [tilespmem:s1+$0x860];
	[tilespmem:s25+$0x16D0] =	vst v1;
	(pc) =	sbr.rel @p1 .LBB2_3-.Ltmp0, $4  }
0x247: {  	s6 =	sadd.s32 $0x8, s6;
	s13 =	sor.u32 $0x600, s5;
	s5 =	sor.u32 $0x670, s5;
	v1 =	vld [tilespmem:s12+$0x860];
	[tilespmem:s25+$0x1750] =	vst v2  }
0x248: {  	s19 =	sor.u32 $0x600, s22;
	s16 =	sor.u32 $0x600, s23;
	[dreg:$0x6] =	wrdreg s5;
	v2 =	vld [tilespmem:s2+$0x860];
	[tilespmem:s25+$0x14E0] =	vst v4  }
0x249: {  	s22 =	smov.u32 s29;
	s29 =	sld [smem:$0x7D6];
	v4 =	vld [tilespmem:s0+$0x860];
	s14 =	sor.u32 $0x660, s4;
	[tilespmem:s25+$0x1BD0] =	vst v0  }
0x24a: {  	s8 =	sor.u32 $0x610, s23;
	s23 =	smov.u32 s30;
	s30 =	sld [smem:$0x7D7];
	[tilespmem:s25+$0x1450] =	vst v6;
	v0 =	vld [tilespmem:s14+$0x400]  }
0x24b: {  	_ =	sdelay $0x1  }
0x24c: {  	[tilespmem:s25+$0x1560] =	vst v3;
	v3 =	vld [tilespmem:s31+$0x860]  }
0x24d: {  	v5 =	vld [tilespmem:s24+$0x860];
	[tilespmem:s25+$0x15E0] =	vst v1  }
0x24e: {  	s4 =	sor.u32 $0x670, s4;
	v1 =	vld [tilespmem:s7+$0x870];
	[tilespmem:s25+$0x1BE0] =	vst v0  }
0x24f: {  	[tilespmem:s25+$0x1660] =	vst v2;
	v0 =	vld [tilespmem:s4+$0x400]  }
0x250: {  	[tilespmem:s25+$0x16E0] =	vst v4  }
0x251: {  	v2 =	vld [tilespmem:s1+$0x870];
	[tilespmem:s25+$0x1760] =	vst v3  }
0x252: {  	[tilespmem:s25+$0x1460] =	vst v5;
	v3 =	vld [tilespmem:s12+$0x870]  }
0x253: {  	[tilespmem:s25+$0x14F0] =	vst v1;
	v1 =	vld [tilespmem:s0+$0x870]  }
0x254: {  	[tilespmem:s25+$0x1BF0] =	vst v0;
	v0 =	vld [tilespmem:s2+$0x870]  }
0x255: {  	v4 =	vld [tilespmem:s24+$0x870]  }
0x256: {  	[tilespmem:s25+$0x1570] =	vst v2;
	v2 =	vld [tilespmem:s31+$0x870]  }
0x257: {  	v5 =	vld [tilespmem:s26+$0x400];
	[tilespmem:s25+$0x15F0] =	vst v3  }
0x258: {  	v3 =	vld [tilespmem:s19+$0x400];
	[tilespmem:s25+$0x16F0] =	vst v1  }
0x259: {  	[tilespmem:s25+$0x1670] =	vst v0;
	v0 =	vld [tilespmem:s13+$0x400]  }
0x25a: {  	[tilespmem:s25+$0x1470] =	vst v4;
	v1 =	vld [tilespmem:s3+$0x400]  }
0x25b: {  	[tilespmem:s25+$0x1770] =	vst v2  }
0x25c: {  	[tilespmem:s25+$0x1880] =	vst v5  }
0x25d: {  	[tilespmem:s25+$0x1900] =	vst v3  }
0x25e: {  	v2 =	vld [tilespmem:s16+$0x400];
	s7 =	sld [smem:$0x7DC];
	[tilespmem:s25+$0x1980] =	vst v0  }
0x25f: {  	v4 =	vld [tilespmem:s18+$0x400];
	s9 =	sld [smem:$0x7E0];
	[tilespmem:s25+$0x1A00] =	vst v1  }
0x260: {  	v5 =	vld [tilespmem:s30+$0x400];
	s10 =	sld [smem:$0x7E4]  }
0x261: {  	v3 =	vld [tilespmem:s7+$0x400]  }
0x262: {  	v0 =	vld [tilespmem:s9+$0x400]  }
0x263: {  	[tilespmem:s25+$0x1A80] =	vst v2;
	v1 =	vld [tilespmem:s10+$0x400]  }
0x264: {  	v2 =	vld [tilespmem:s11+$0x400];
	[tilespmem:s25+$0x1B00] =	vst v4  }
0x265: {  	[tilespmem:s25+$0x1800] =	vst v5;
	v4 =	vld [tilespmem:s8+$0x400]  }
0x266: {  	v5 =	vld [tilespmem:s21+$0x400];
	[tilespmem:s25+$0x1890] =	vst v3  }
0x267: {  	v3 =	vld [tilespmem:s29+$0x400];
	[tilespmem:s25+$0x1910] =	vst v0  }
0x268: {  	s11 =	sld [smem:$0x7DD];
	[tilespmem:s25+$0x1990] =	vst v1  }
0x269: {  	s12 =	sld [smem:$0x7E1];
	[tilespmem:s25+$0x1A10] =	vst v2  }
0x26a: {  	s13 =	sld [smem:$0x7E5];
	[tilespmem:s25+$0x1A90] =	vst v4  }
0x26b: {  	v0 =	vld [tilespmem:s11+$0x400];
	s14 =	sld [smem:$0x7E8];
	[tilespmem:s25+$0x1B10] =	vst v5  }
0x26c: {  	v1 =	vld [tilespmem:s12+$0x400];
	s16 =	sld [smem:$0x7EC];
	[tilespmem:s25+$0x1810] =	vst v3  }
0x26d: {  	v2 =	vld [tilespmem:s13+$0x400];
	s18 =	sld [smem:$0x7F0]  }
0x26e: {  	v4 =	vld [tilespmem:s14+$0x400]  }
0x26f: {  	v5 =	vld [tilespmem:s16+$0x400]  }
0x270: {  	v3 =	vld [tilespmem:s18+$0x400];
	[tilespmem:s25+$0x18A0] =	vst v0  }
0x271: {  	[tilespmem:s25+$0x1920] =	vst v1  }
0x272: {  	s19 =	sld [smem:$0x7DE];
	[tilespmem:s25+$0x19A0] =	vst v2  }
0x273: {  	s21 =	sld [smem:$0x7E2];
	[tilespmem:s25+$0x1A20] =	vst v4  }
0x274: {  	v0 =	vld [tilespmem:s28+$0x400];
	s24 =	sld [smem:$0x7E6];
	[tilespmem:s25+$0x1AA0] =	vst v5  }
0x275: {  	v1 =	vld [tilespmem:s19+$0x400];
	s26 =	sld [smem:$0x7E9];
	[tilespmem:s25+$0x1B20] =	vst v3  }
0x276: {  	v2 =	vld [tilespmem:s21+$0x400];
	s1 =	sld [smem:$0x7ED]  }
0x277: {  	v4 =	vld [tilespmem:s24+$0x400]  }
0x278: {  	v5 =	vld [tilespmem:s26+$0x400]  }
0x279: {  	[tilespmem:s25+$0x1820] =	vst v0;
	v3 =	vld [tilespmem:s1+$0x400]  }
0x27a: {  	s2 =	sld [smem:$0x7F1];
	[tilespmem:s25+$0x18B0] =	vst v1  }
0x27b: {  	[tilespmem:s25+$0x1930] =	vst v2  }
0x27c: {  	s3 =	sld [smem:$0x7DF];
	[tilespmem:s25+$0x19B0] =	vst v4  }
0x27d: {  	v0 =	vld [tilespmem:s2+$0x400];
	s4 =	sld [smem:$0x7E3];
	[tilespmem:s25+$0x1A30] =	vst v5  }
0x27e: {  	v1 =	vld [tilespmem:s23+$0x400];
	s5 =	sld [smem:$0x7E7];
	[tilespmem:s25+$0x1AB0] =	vst v3  }
0x27f: {  	v2 =	vld [tilespmem:s3+$0x400];
	s6 =	sld [smem:$0x7EA]  }
0x280: {  	v4 =	vld [tilespmem:s4+$0x400]  }
0x281: {  	v5 =	vld [tilespmem:s5+$0x400]  }
0x282: {  	v3 =	vld [tilespmem:s6+$0x400];
	[tilespmem:s25+$0x1B30] =	vst v0  }
0x283: {  	s7 =	sld [smem:$0x7EE];
	[tilespmem:s25+$0x1830] =	vst v1  }
0x284: {  	[tilespmem:s25+$0x18C0] =	vst v2  }
0x285: {  	s8 =	sld [smem:$0x7F2];
	_ =	sdelay $0x1  }
0x286: {  	v0 =	vld [tilespmem:s7+$0x400]  }
0x287: {  	v1 =	vld [tilespmem:s8+$0x400]  }
0x288: {  	v2 =	vld [tilespmem:s22+$0x400];
	[tilespmem:s25+$0x1940] =	vst v4  }
0x289: {  	[tilespmem:s25+$0x19C0] =	vst v5  }
0x28a: {  	s9 =	rddreg [dreg:$0x16];
	[tilespmem:s25+$0x1A40] =	vst v3  }
0x28b: {  	v4 =	vld [tilespmem:s9+$0x400];
	s10 =	rddreg [dreg:$0x19];
	[tilespmem:s25+$0x1AC0] =	vst v0  }
0x28c: {  	s11 =	rddreg [dreg:$0x1e];
	[tilespmem:s25+$0x1B40] =	vst v1  }
0x28d: {  	s12 =	sld [smem:$0x7EB];
	[tilespmem:s25+$0x1840] =	vst v2  }
0x28e: {  	v3 =	vld [tilespmem:s10+$0x400];
	s13 =	sld [smem:$0x7EF]  }
0x28f: {  	v0 =	vld [tilespmem:s11+$0x400]  }
0x290: {  	[tilespmem:s25+$0x18D0] =	vst v4;
	v1 =	vld [tilespmem:s12+$0x400]  }
0x291: {  	s14 =	sld [smem:$0x7F3];
	v2 =	vld [tilespmem:s13+$0x400];
	_ =	sdelay $0x1  }
0x292: {  	[tilespmem:s25+$0x1950] =	vst v3  }
0x293: {  	[tilespmem:s25+$0x19D0] =	vst v0;
	v4 =	vld [tilespmem:s14+$0x400]  }
0x294: {  	v3 =	vld [tilespmem:s15+$0x400];
	s16 =	rddreg [dreg:$0x10];
	[tilespmem:s25+$0x1A50] =	vst v1  }
0x295: {  	v0 =	vld [tilespmem:s16+$0x400];
	s18 =	rddreg [dreg:$0x12];
	[tilespmem:s25+$0x1AD0] =	vst v2  }
0x296: {  	v1 =	vld [tilespmem:s18+$0x400];
	s19 =	rddreg [dreg:$0x14]  }
0x297: {  	v2 =	vld [tilespmem:s19+$0x400]  }
0x298: {  	[tilespmem:s25+$0x1B50] =	vst v4  }
0x299: {  	s21 =	rddreg [dreg:$0x18];
	[tilespmem:s25+$0x1850] =	vst v3  }
0x29a: {  	v4 =	vld [tilespmem:s21+$0x400];
	s22 =	rddreg [dreg:$0x1b];
	[tilespmem:s25+$0x18E0] =	vst v0  }
0x29b: {  	v3 =	vld [tilespmem:s22+$0x400];
	s23 =	rddreg [dreg:$0x1f];
	[tilespmem:s25+$0x1960] =	vst v1  }
0x29c: {  	v0 =	vld [tilespmem:s23+$0x400];
	[tilespmem:s25+$0x19E0] =	vst v2  }
0x29d: {  	v1 =	vld [tilespmem:s20+$0x400];
	s24 =	rddreg [dreg:$0x5]  }
0x29e: {  	v2 =	vld [tilespmem:s24+$0x400]  }
0x29f: {  	[tilespmem:s25+$0x1A60] =	vst v4  }
0x2a0: {  	s26 =	rddreg [dreg:$0x7];
	[tilespmem:s25+$0x1AE0] =	vst v3  }
0x2a1: {  	v4 =	vld [tilespmem:s26+$0x400];
	s1 =	rddreg [dreg:$0x6];
	[tilespmem:s25+$0x1B60] =	vst v0  }
0x2a2: {  	v3 =	vld [tilespmem:s1+$0x400];
	s2 =	rddreg [dreg:$0xa];
	[tilespmem:s25+$0x1860] =	vst v1  }
0x2a3: {  	v0 =	vld [tilespmem:s2+$0x400];
	s3 =	rddreg [dreg:$0xc];
	[tilespmem:s25+$0x18F0] =	vst v2  }
0x2a4: {  	v1 =	vld [tilespmem:s3+$0x400];
	s4 =	rddreg [dreg:$0xe]  }
0x2a5: {  	v2 =	vld [tilespmem:s4+$0x400]  }
0x2a6: {  	[tilespmem:s25+$0x1970] =	vst v4  }
0x2a7: {  	[tilespmem:s25+$0x19F0] =	vst v3  }
0x2a8: {  	[tilespmem:s25+$0x1A70] =	vst v0  }
0x2a9: {  	[tilespmem:s25+$0x1AF0] =	vst v1  }
0x2aa: {  	[tilespmem:s25+$0x1B70] =	vst v2  }
0x2ab: {  	v4 =	vld [tilespmem:s17+$0x400];
	s5 =	sld [smem:$0x7FB]  }
0x2ac: {  	s6 =	sld [smem:$0x7F5];
	_ =	sdelay $0x2  }
0x2ad: {  	s7 =	rddreg [dreg:$0x2];
	s1 =	sadd.s32 s5, s6  }
0x2ae: {  	s8 =	simm.s32 $0x0;
	s9 =	simm.s32 $0xC00;
	[tilespmem:s25+$0x1870] =	vst v4;
	s0 =	sadd.s32 s7, s1  }
0x2af: {  	[hbm4b:s0+s8] =	stream.linear.scatter [tilespmem:s9], [sflag:$0x1], $0x8000, $0x38;
	[tilespmem:$0x11000] =	vst v63  }
0x2b0: {  	[smem:$0x7BB] =	sst s1;
	s0 =	simm.s32 @!p0 $0x2  }
0x2b1: {  	_ =	swait.ge @!p0 [sflag:s0], $0x8000  }
0x2b2: {  	[sflag:s0] =	ssyncset.done @!p0 $0x0  }
0x2b3: {  	s10 =	simm.s32 $0x4;
	[sflag:s0] =	ssyncadd.s32 @!p0 $0xFFFF8000  }
0x2b4: {  	_ =	swait.ge [sflag:s10], $0x40  }
0x2b5: {  	s11 =	sld [smem:$0x7F4]  }
0x2b6: {  	s0 =	sld [smem:$0x7F8]  }
0x2b7: {  	s2 =	sld [smem:$0x7DB];
	_ =	sdelay $0x1  }
0x2b8: {  	p0 =	seq.s32 s11, $0x7  }
0x2b9: {  	[sflag:s10] =	ssyncset.done $0x0;
	s0 =	sadd.s32 @!p0 s0, s2  }
0x2ba: {  	[sflag:s10] =	ssyncadd.s32 $0xFFFFFFC0;
	s1 =	simm.s32 @!p0 $0x0;
	s0 =	sadd.s32 @!p0 $0x400, s0  }
0x2bb: {  	[smem:s1], [sflag:$0x3] =	stream.linear.gather @!p0 [spmem:s0], $0x40, $0x38;
	[tilespmem:$0x11000] =	vst v63  }
0x2bc: {  	s0 =	sld [smem:$0x80];
	_ =	sdelay $0x2  }
0x2bd: {  	s3 =	sshll.u32 s0, $0x9;
	s0 =	sshll.u32 s0, $0x7  }
0x2be: {  	s12 =	sand.u32 $0xFFFFF800, s3;
	s20 =	sand.u32 $0x180, s0  }
0x2bf: {  	s25 =	sor.u32 s20, s12  }
0x2c0: {  	v0 =	vld [tilespmem:s25+$0x400];
	_ =	sdelay $0x2  }
0x2c1: {  	s13 =	simm.s32 $0x0  }
0x2c2: {  	s23 =	sand.u32 $0x3FFFFE00, s13  }
0x2c3: {  	[tilespmem:s23+$0x8C00] =	vst v0  }
0x2c4: {  	v0 =	vld [tilespmem:s25+$0x410];
	_ =	sdelay $0x4  }
0x2c5: {  	[tilespmem:s23+$0x8C10] =	vst v0  }
0x2c6: {  	v0 =	vld [tilespmem:s25+$0x420];
	_ =	sdelay $0x4  }
0x2c7: {  	[tilespmem:s23+$0x8C20] =	vst v0  }
0x2c8: {  	v0 =	vld [tilespmem:s25+$0x430];
	_ =	sdelay $0x4  }
0x2c9: {  	[tilespmem:s23+$0x8C30] =	vst v0  }
0x2ca: {  	v0 =	vld [tilespmem:s25+$0x440];
	_ =	sdelay $0x4  }
0x2cb: {  	[tilespmem:s23+$0x8C40] =	vst v0  }
0x2cc: {  	v0 =	vld [tilespmem:s25+$0x450];
	_ =	sdelay $0x4  }
0x2cd: {  	[tilespmem:s23+$0x8C50] =	vst v0  }
0x2ce: {  	v0 =	vld [tilespmem:s25+$0x460];
	_ =	sdelay $0x4  }
0x2cf: {  	[tilespmem:s23+$0x8C60] =	vst v0  }
0x2d0: {  	v0 =	vld [tilespmem:s25+$0x470];
	_ =	sdelay $0x4  }
0x2d1: {  	[tilespmem:s23+$0x8C70] =	vst v0  }
0x2d2: {  	v0 =	vld [tilespmem:s25+$0x600];
	_ =	sdelay $0x4  }
0x2d3: {  	[tilespmem:s23+$0x9000] =	vst v0  }
0x2d4: {  	v0 =	vld [tilespmem:s25+$0x610];
	_ =	sdelay $0x4  }
0x2d5: {  	[tilespmem:s23+$0x9010] =	vst v0  }
0x2d6: {  	v0 =	vld [tilespmem:s25+$0x620]  }
0x2d7: {  	s14 =	sld [smem:$0x87]  }
0x2d8: {  	s15 =	sld [smem:$0x81]  }
0x2d9: {  	s16 =	sld [smem:$0x82]  }
0x2da: {  	s5 =	sld [smem:$0x83];
	s19 =	sshll.u32 s14, $0x9;
	s0 =	sshll.u32 s14, $0x7  }
0x2db: {  	s17 =	sld [smem:$0x84];
	s6 =	sand.u32 $0xFFFFF800, s19;
	s4 =	sand.u32 $0x180, s0;
	[tilespmem:s23+$0x9020] =	vst v0  }
0x2dc: {  	s21 =	sor.u32 s4, s6;
	s18 =	sld [smem:$0x85]  }
0x2dd: {  	s22 =	sld [smem:$0x86];
	v0 =	vld [tilespmem:s21+$0x400];
	_ =	sdelay $0x4  }
0x2de: {  	s9 =	sshll.u32 s15, $0x9;
	s1 =	sshll.u32 s15, $0x7;
	s10 =	sshll.u32 s16, $0x9;
	v1 =	vld [tilespmem:s25+$0x630];
	[tilespmem:s23+$0x8F80] =	vst v0  }
0x2df: {  	s2 =	sshll.u32 s16, $0x7;
	s12 =	sand.u32 $0xFFFFF800, s9;
	s13 =	sand.u32 $0x180, s1;
	v0 =	vld [tilespmem:s21+$0x410]  }
0x2e0: {  	s8 =	sshll.u32 s5, $0x9;
	s24 =	sshll.u32 s5, $0x7;
	s16 =	sand.u32 $0xFFFFF800, s10  }
0x2e1: {  	s14 =	sand.u32 $0x180, s2;
	s7 =	sor.u32 s13, s12;
	s6 =	sshll.u32 s17, $0x9  }
0x2e2: {  	s26 =	sshll.u32 s17, $0x7;
	s1 =	sor.u32 s14, s16;
	v2 =	vld [tilespmem:s7+$0x400];
	s16 =	sand.u32 $0x180, s24  }
0x2e3: {  	v3 =	vld [tilespmem:s1+$0x400];
	s17 =	sand.u32 $0x180, s26;
	s5 =	sshll.u32 s18, $0x9;
	s0 =	sshll.u32 s18, $0x7;
	[tilespmem:s23+$0x9030] =	vst v1  }
0x2e4: {  	s18 =	sand.u32 $0xFFFFF800, s8;
	s12 =	sshll.u32 s22, $0x9;
	s2 =	sshll.u32 s22, $0x7;
	v1 =	vld [tilespmem:s25+$0x640];
	[tilespmem:s23+$0x8F90] =	vst v0  }
0x2e5: {  	s11 =	sor.u32 s16, s18;
	s24 =	sand.u32 $0xFFFFF800, s5;
	s15 =	sand.u32 $0x180, s0;
	v0 =	vld [tilespmem:s21+$0x420]  }
0x2e6: {  	v4 =	vld [tilespmem:s11+$0x400];
	s26 =	sand.u32 $0xFFFFF800, s12;
	s18 =	sand.u32 $0x180, s2;
	s2 =	sor.u32 s15, s24  }
0x2e7: {  	s0 =	sor.u32 s18, s26;
	[tilespmem:s23+$0x8C80] =	vst v2;
	v2 =	vld [tilespmem:s2+$0x400]  }
0x2e8: {  	s22 =	sand.u32 $0xFFFFF800, s6;
	[tilespmem:s23+$0x8D00] =	vst v3;
	v3 =	vld [tilespmem:s0+$0x400]  }
0x2e9: {  	s31 =	sor.u32 s17, s22;
	v5 =	vld [tilespmem:s7+$0x410];
	[tilespmem:s23+$0x9040] =	vst v1  }
0x2ea: {  	v1 =	vld [tilespmem:s31+$0x400];
	[tilespmem:s23+$0x8FA0] =	vst v0  }
0x2eb: {  	[tilespmem:s23+$0x8D80] =	vst v4;
	v0 =	vld [tilespmem:s21+$0x430]  }
0x2ec: {  	v4 =	vld [tilespmem:s1+$0x410];
	[tilespmem:s23+$0x8E80] =	vst v2  }
0x2ed: {  	[tilespmem:s23+$0x8F00] =	vst v3;
	v3 =	vld [tilespmem:s2+$0x410]  }
0x2ee: {  	[tilespmem:s23+$0x8C90] =	vst v5;
	v5 =	vld [tilespmem:s0+$0x410]  }
0x2ef: {  	[tilespmem:s23+$0x8E00] =	vst v1;
	v1 =	vld [tilespmem:s11+$0x410]  }
0x2f0: {  	v2 =	vld [tilespmem:s31+$0x410];
	[tilespmem:s23+$0x8FB0] =	vst v0  }
0x2f1: {  	[tilespmem:s23+$0x8D10] =	vst v4;
	v0 =	vld [tilespmem:s21+$0x440]  }
0x2f2: {  	v4 =	vld [tilespmem:s7+$0x420];
	[tilespmem:s23+$0x8E90] =	vst v3  }
0x2f3: {  	[tilespmem:s23+$0x8F10] =	vst v5;
	v5 =	vld [tilespmem:s2+$0x420]  }
0x2f4: {  	[tilespmem:s23+$0x8D90] =	vst v1;
	v1 =	vld [tilespmem:s1+$0x420]  }
0x2f5: {  	[tilespmem:s23+$0x8E10] =	vst v2;
	v2 =	vld [tilespmem:s11+$0x420]  }
0x2f6: {  	v3 =	vld [tilespmem:s31+$0x420];
	[tilespmem:s23+$0x8FC0] =	vst v0  }
0x2f7: {  	[tilespmem:s23+$0x8CA0] =	vst v4;
	v0 =	vld [tilespmem:s21+$0x450]  }
0x2f8: {  	v4 =	vld [tilespmem:s0+$0x420];
	[tilespmem:s23+$0x8EA0] =	vst v5  }
0x2f9: {  	[tilespmem:s23+$0x8D20] =	vst v1;
	v1 =	vld [tilespmem:s7+$0x430]  }
0x2fa: {  	[tilespmem:s23+$0x8DA0] =	vst v2;
	v2 =	vld [tilespmem:s1+$0x430]  }
0x2fb: {  	[tilespmem:s23+$0x8E20] =	vst v3;
	v3 =	vld [tilespmem:s11+$0x430]  }
0x2fc: {  	v5 =	vld [tilespmem:s31+$0x430];
	[tilespmem:s23+$0x8FD0] =	vst v0  }
0x2fd: {  	[tilespmem:s23+$0x8F20] =	vst v4;
	v0 =	vld [tilespmem:s21+$0x460]  }
0x2fe: {  	v4 =	vld [tilespmem:s2+$0x430];
	[tilespmem:s23+$0x8CB0] =	vst v1  }
0x2ff: {  	v1 =	vld [tilespmem:s0+$0x430];
	[tilespmem:s23+$0x8D30] =	vst v2  }
0x300: {  	v2 =	vld [tilespmem:s7+$0x440];
	[tilespmem:s23+$0x8DB0] =	vst v3  }
0x301: {  	v3 =	vld [tilespmem:s1+$0x440];
	[tilespmem:s23+$0x8E30] =	vst v5  }
0x302: {  	v5 =	vld [tilespmem:s11+$0x440];
	[tilespmem:s23+$0x8FE0] =	vst v0  }
0x303: {  	[tilespmem:s23+$0x8EB0] =	vst v4;
	v0 =	vld [tilespmem:s21+$0x470]  }
0x304: {  	v4 =	vld [tilespmem:s31+$0x440];
	[tilespmem:s23+$0x8F30] =	vst v1  }
0x305: {  	v1 =	vld [tilespmem:s2+$0x440];
	[tilespmem:s23+$0x8CC0] =	vst v2  }
0x306: {  	v2 =	vld [tilespmem:s0+$0x440];
	[tilespmem:s23+$0x8D40] =	vst v3  }
0x307: {  	v3 =	vld [tilespmem:s7+$0x450];
	[tilespmem:s23+$0x8DC0] =	vst v5  }
0x308: {  	v5 =	vld [tilespmem:s1+$0x450];
	[tilespmem:s23+$0x8FF0] =	vst v0  }
0x309: {  	[tilespmem:s23+$0x8E40] =	vst v4;
	v0 =	vld [tilespmem:s21+$0x600]  }
0x30a: {  	v4 =	vld [tilespmem:s11+$0x450];
	[tilespmem:s23+$0x8EC0] =	vst v1  }
0x30b: {  	v1 =	vld [tilespmem:s31+$0x450];
	[tilespmem:s23+$0x8F40] =	vst v2  }
0x30c: {  	v2 =	vld [tilespmem:s2+$0x450];
	[tilespmem:s23+$0x8CD0] =	vst v3  }
0x30d: {  	v3 =	vld [tilespmem:s0+$0x450];
	[tilespmem:s23+$0x8D50] =	vst v5  }
0x30e: {  	v5 =	vld [tilespmem:s7+$0x460];
	[tilespmem:s23+$0x9380] =	vst v0  }
0x30f: {  	[tilespmem:s23+$0x8DD0] =	vst v4;
	v0 =	vld [tilespmem:s21+$0x610]  }
0x310: {  	v4 =	vld [tilespmem:s1+$0x460];
	[tilespmem:s23+$0x8E50] =	vst v1  }
0x311: {  	v1 =	vld [tilespmem:s11+$0x460];
	[tilespmem:s23+$0x8ED0] =	vst v2  }
0x312: {  	v2 =	vld [tilespmem:s31+$0x460];
	[tilespmem:s23+$0x8F50] =	vst v3  }
0x313: {  	v3 =	vld [tilespmem:s2+$0x460];
	[tilespmem:s23+$0x8CE0] =	vst v5  }
0x314: {  	v5 =	vld [tilespmem:s0+$0x460];
	[tilespmem:s23+$0x9390] =	vst v0  }
0x315: {  	[tilespmem:s23+$0x8D60] =	vst v4;
	v0 =	vld [tilespmem:s21+$0x620]  }
0x316: {  	v4 =	vld [tilespmem:s7+$0x470];
	[tilespmem:s23+$0x8DE0] =	vst v1  }
0x317: {  	v1 =	vld [tilespmem:s1+$0x470];
	[tilespmem:s23+$0x8E60] =	vst v2  }
0x318: {  	v2 =	vld [tilespmem:s11+$0x470];
	[tilespmem:s23+$0x8EE0] =	vst v3  }
0x319: {  	v3 =	vld [tilespmem:s31+$0x470];
	[tilespmem:s23+$0x8F60] =	vst v5  }
0x31a: {  	v5 =	vld [tilespmem:s2+$0x470];
	[tilespmem:s23+$0x93A0] =	vst v0  }
0x31b: {  	[tilespmem:s23+$0x8CF0] =	vst v4;
	v0 =	vld [tilespmem:s21+$0x630]  }
0x31c: {  	v4 =	vld [tilespmem:s0+$0x470];
	[tilespmem:s23+$0x8D70] =	vst v1  }
0x31d: {  	v1 =	vld [tilespmem:s7+$0x600];
	[tilespmem:s23+$0x8DF0] =	vst v2  }
0x31e: {  	v2 =	vld [tilespmem:s1+$0x600];
	[tilespmem:s23+$0x8E70] =	vst v3  }
0x31f: {  	v3 =	vld [tilespmem:s11+$0x600];
	[tilespmem:s23+$0x8EF0] =	vst v5  }
0x320: {  	v5 =	vld [tilespmem:s31+$0x600];
	[tilespmem:s23+$0x93B0] =	vst v0  }
0x321: {  	[tilespmem:s23+$0x8F70] =	vst v4;
	v0 =	vld [tilespmem:s21+$0x640]  }
0x322: {  	v4 =	vld [tilespmem:s2+$0x600];
	[tilespmem:s23+$0x9080] =	vst v1  }
0x323: {  	v1 =	vld [tilespmem:s0+$0x600];
	[tilespmem:s23+$0x9100] =	vst v2  }
0x324: {  	v2 =	vld [tilespmem:s7+$0x610];
	[tilespmem:s23+$0x9180] =	vst v3  }
0x325: {  	v3 =	vld [tilespmem:s1+$0x610];
	[tilespmem:s23+$0x9200] =	vst v5  }
0x326: {  	v5 =	vld [tilespmem:s11+$0x610];
	[tilespmem:s23+$0x93C0] =	vst v0  }
0x327: {  	[tilespmem:s23+$0x9280] =	vst v4;
	v0 =	vld [tilespmem:s21+$0x650]  }
0x328: {  	v4 =	vld [tilespmem:s31+$0x610];
	[tilespmem:s23+$0x9300] =	vst v1  }
0x329: {  	v1 =	vld [tilespmem:s2+$0x610];
	[tilespmem:s23+$0x9090] =	vst v2  }
0x32a: {  	v2 =	vld [tilespmem:s0+$0x610];
	[tilespmem:s23+$0x9110] =	vst v3  }
0x32b: {  	v3 =	vld [tilespmem:s7+$0x620];
	[tilespmem:s23+$0x9190] =	vst v5  }
0x32c: {  	v5 =	vld [tilespmem:s1+$0x620];
	[tilespmem:s23+$0x93D0] =	vst v0  }
0x32d: {  	[tilespmem:s23+$0x9210] =	vst v4;
	v0 =	vld [tilespmem:s21+$0x660]  }
0x32e: {  	v4 =	vld [tilespmem:s11+$0x620];
	[tilespmem:s23+$0x9290] =	vst v1  }
0x32f: {  	v1 =	vld [tilespmem:s31+$0x620];
	[tilespmem:s23+$0x9310] =	vst v2  }
0x330: {  	v2 =	vld [tilespmem:s2+$0x620];
	[tilespmem:s23+$0x90A0] =	vst v3  }
0x331: {  	v3 =	vld [tilespmem:s0+$0x620];
	[tilespmem:s23+$0x9120] =	vst v5  }
0x332: {  	v5 =	vld [tilespmem:s7+$0x630];
	[tilespmem:s23+$0x93E0] =	vst v0  }
0x333: {  	[tilespmem:s23+$0x91A0] =	vst v4;
	v0 =	vld [tilespmem:s21+$0x670]  }
0x334: {  	v4 =	vld [tilespmem:s1+$0x630];
	[tilespmem:s23+$0x9220] =	vst v1  }
0x335: {  	v1 =	vld [tilespmem:s11+$0x630];
	[tilespmem:s23+$0x92A0] =	vst v2  }
0x336: {  	v2 =	vld [tilespmem:s31+$0x630];
	[tilespmem:s23+$0x9320] =	vst v3  }
0x337: {  	v3 =	vld [tilespmem:s2+$0x630];
	[tilespmem:s23+$0x90B0] =	vst v5  }
0x338: {  	v5 =	vld [tilespmem:s0+$0x630];
	[tilespmem:s23+$0x93F0] =	vst v0  }
0x339: {  	[tilespmem:s23+$0x9130] =	vst v4;
	v0 =	vld [tilespmem:s21+$0x800]  }
0x33a: {  	v4 =	vld [tilespmem:s7+$0x640];
	[tilespmem:s23+$0x91B0] =	vst v1  }
0x33b: {  	v1 =	vld [tilespmem:s1+$0x640];
	[tilespmem:s23+$0x9230] =	vst v2  }
0x33c: {  	v2 =	vld [tilespmem:s11+$0x640];
	[tilespmem:s23+$0x92B0] =	vst v3  }
0x33d: {  	v3 =	vld [tilespmem:s31+$0x640];
	[tilespmem:s23+$0x9330] =	vst v5  }
0x33e: {  	v5 =	vld [tilespmem:s2+$0x640];
	[tilespmem:s23+$0x9780] =	vst v0  }
0x33f: {  	[tilespmem:s23+$0x90C0] =	vst v4;
	v0 =	vld [tilespmem:s21+$0x810]  }
0x340: {  	v4 =	vld [tilespmem:s0+$0x640];
	[tilespmem:s23+$0x9140] =	vst v1  }
0x341: {  	v1 =	vld [tilespmem:s7+$0x650];
	[tilespmem:s23+$0x91C0] =	vst v2  }
0x342: {  	v2 =	vld [tilespmem:s1+$0x650];
	[tilespmem:s23+$0x9240] =	vst v3  }
0x343: {  	v3 =	vld [tilespmem:s11+$0x650];
	[tilespmem:s23+$0x92C0] =	vst v5  }
0x344: {  	v5 =	vld [tilespmem:s31+$0x650];
	[tilespmem:s23+$0x9790] =	vst v0  }
0x345: {  	[tilespmem:s23+$0x9340] =	vst v4;
	v0 =	vld [tilespmem:s21+$0x820]  }
0x346: {  	v4 =	vld [tilespmem:s2+$0x650];
	[tilespmem:s23+$0x90D0] =	vst v1  }
0x347: {  	v1 =	vld [tilespmem:s0+$0x650];
	[tilespmem:s23+$0x9150] =	vst v2  }
0x348: {  	v2 =	vld [tilespmem:s25+$0x650];
	[tilespmem:s23+$0x91D0] =	vst v3  }
0x349: {  	v3 =	vld [tilespmem:s7+$0x660];
	[tilespmem:s23+$0x9250] =	vst v5  }
0x34a: {  	v5 =	vld [tilespmem:s1+$0x660];
	[tilespmem:s23+$0x97A0] =	vst v0  }
0x34b: {  	[tilespmem:s23+$0x92D0] =	vst v4;
	v0 =	vld [tilespmem:s21+$0x830]  }
0x34c: {  	v4 =	vld [tilespmem:s11+$0x660];
	[tilespmem:s23+$0x9350] =	vst v1  }
0x34d: {  	v1 =	vld [tilespmem:s31+$0x660];
	[tilespmem:s23+$0x9050] =	vst v2  }
0x34e: {  	v2 =	vld [tilespmem:s2+$0x660];
	[tilespmem:s23+$0x90E0] =	vst v3  }
0x34f: {  	v3 =	vld [tilespmem:s0+$0x660];
	[tilespmem:s23+$0x9160] =	vst v5  }
0x350: {  	v5 =	vld [tilespmem:s25+$0x660];
	[tilespmem:s23+$0x97B0] =	vst v0  }
0x351: {  	[tilespmem:s23+$0x91E0] =	vst v4;
	v0 =	vld [tilespmem:s21+$0x840]  }
0x352: {  	v4 =	vld [tilespmem:s7+$0x670];
	[tilespmem:s23+$0x9260] =	vst v1  }
0x353: {  	v1 =	vld [tilespmem:s1+$0x670];
	[tilespmem:s23+$0x92E0] =	vst v2  }
0x354: {  	v2 =	vld [tilespmem:s11+$0x670];
	[tilespmem:s23+$0x9360] =	vst v3  }
0x355: {  	v3 =	vld [tilespmem:s31+$0x670];
	[tilespmem:s23+$0x9060] =	vst v5  }
0x356: {  	v5 =	vld [tilespmem:s2+$0x670];
	[tilespmem:s23+$0x97C0] =	vst v0  }
0x357: {  	[tilespmem:s23+$0x90F0] =	vst v4;
	v0 =	vld [tilespmem:s21+$0x850]  }
0x358: {  	v4 =	vld [tilespmem:s0+$0x670];
	[tilespmem:s23+$0x9170] =	vst v1  }
0x359: {  	v1 =	vld [tilespmem:s25+$0x670];
	[tilespmem:s23+$0x91F0] =	vst v2  }
0x35a: {  	v2 =	vld [tilespmem:s7+$0x800];
	[tilespmem:s23+$0x9270] =	vst v3  }
0x35b: {  	v3 =	vld [tilespmem:s1+$0x800];
	[tilespmem:s23+$0x92F0] =	vst v5  }
0x35c: {  	v5 =	vld [tilespmem:s11+$0x800];
	[tilespmem:s23+$0x97D0] =	vst v0  }
0x35d: {  	[tilespmem:s23+$0x9370] =	vst v4;
	v0 =	vld [tilespmem:s21+$0x860]  }
0x35e: {  	v4 =	vld [tilespmem:s31+$0x800];
	[tilespmem:s23+$0x9070] =	vst v1  }
0x35f: {  	v1 =	vld [tilespmem:s2+$0x800];
	[tilespmem:s23+$0x9480] =	vst v2  }
0x360: {  	v2 =	vld [tilespmem:s0+$0x800];
	[tilespmem:s23+$0x9500] =	vst v3  }
0x361: {  	v3 =	vld [tilespmem:s25+$0x800];
	[tilespmem:s23+$0x9580] =	vst v5  }
0x362: {  	v5 =	vld [tilespmem:s7+$0x810];
	[tilespmem:s23+$0x97E0] =	vst v0  }
0x363: {  	[tilespmem:s23+$0x9600] =	vst v4;
	v0 =	vld [tilespmem:s21+$0x870]  }
0x364: {  	v4 =	vld [tilespmem:s1+$0x810];
	[tilespmem:s23+$0x9680] =	vst v1  }
0x365: {  	v1 =	vld [tilespmem:s11+$0x810];
	[tilespmem:s23+$0x9700] =	vst v2  }
0x366: {  	v2 =	vld [tilespmem:s31+$0x810];
	[tilespmem:s23+$0x9400] =	vst v3  }
0x367: {  	s4 =	sor.u32 s19, s4;
	v3 =	vld [tilespmem:s2+$0x810];
	[tilespmem:s23+$0x9490] =	vst v5  }
0x368: {  	s19 =	sor.u32 $0x600, s4;
	v5 =	vld [tilespmem:s0+$0x810];
	[tilespmem:s23+$0x97F0] =	vst v0  }
0x369: {  	[tilespmem:s23+$0x9510] =	vst v4;
	v0 =	vld [tilespmem:s19+$0x400]  }
0x36a: {  	v4 =	vld [tilespmem:s25+$0x810];
	[tilespmem:s23+$0x9590] =	vst v1  }
0x36b: {  	v1 =	vld [tilespmem:s7+$0x820];
	[tilespmem:s23+$0x9610] =	vst v2  }
0x36c: {  	v2 =	vld [tilespmem:s1+$0x820];
	[tilespmem:s23+$0x9690] =	vst v3  }
0x36d: {  	v3 =	vld [tilespmem:s11+$0x820];
	[tilespmem:s23+$0x9710] =	vst v5  }
0x36e: {  	s22 =	sor.u32 $0x610, s4;
	v5 =	vld [tilespmem:s31+$0x820];
	[tilespmem:s23+$0x9B80] =	vst v0  }
0x36f: {  	[tilespmem:s23+$0x9410] =	vst v4;
	v0 =	vld [tilespmem:s22+$0x400]  }
0x370: {  	v4 =	vld [tilespmem:s2+$0x820];
	[tilespmem:s23+$0x94A0] =	vst v1  }
0x371: {  	v1 =	vld [tilespmem:s0+$0x820];
	[tilespmem:s23+$0x9520] =	vst v2  }
0x372: {  	v2 =	vld [tilespmem:s25+$0x820];
	[tilespmem:s23+$0x95A0] =	vst v3  }
0x373: {  	v3 =	vld [tilespmem:s7+$0x830];
	[tilespmem:s23+$0x9620] =	vst v5  }
0x374: {  	s24 =	sor.u32 $0x620, s4;
	v5 =	vld [tilespmem:s1+$0x830];
	[tilespmem:s23+$0x9B90] =	vst v0  }
0x375: {  	[tilespmem:s23+$0x96A0] =	vst v4;
	v0 =	vld [tilespmem:s24+$0x400]  }
0x376: {  	v4 =	vld [tilespmem:s11+$0x830];
	[tilespmem:s23+$0x9720] =	vst v1  }
0x377: {  	v1 =	vld [tilespmem:s31+$0x830];
	[tilespmem:s23+$0x9420] =	vst v2  }
0x378: {  	v2 =	vld [tilespmem:s2+$0x830];
	[tilespmem:s23+$0x94B0] =	vst v3  }
0x379: {  	v3 =	vld [tilespmem:s0+$0x830];
	[tilespmem:s23+$0x9530] =	vst v5  }
0x37a: {  	s26 =	sor.u32 $0x630, s4;
	v5 =	vld [tilespmem:s25+$0x830];
	[tilespmem:s23+$0x9BA0] =	vst v0  }
0x37b: {  	[tilespmem:s23+$0x95B0] =	vst v4;
	v0 =	vld [tilespmem:s26+$0x400]  }
0x37c: {  	v4 =	vld [tilespmem:s7+$0x840];
	[tilespmem:s23+$0x9630] =	vst v1  }
0x37d: {  	v1 =	vld [tilespmem:s1+$0x840];
	[tilespmem:s23+$0x96B0] =	vst v2  }
0x37e: {  	s3 =	sor.u32 s3, s20;
	v2 =	vld [tilespmem:s11+$0x840];
	[tilespmem:s23+$0x9730] =	vst v3  }
0x37f: {  	s9 =	sor.u32 s9, s13;
	s20 =	sor.u32 $0x640, s4;
	s13 =	sor.u32 s6, s17;
	v3 =	vld [tilespmem:s31+$0x840];
	[tilespmem:s23+$0x9430] =	vst v5  }
0x380: {  	s6 =	sor.u32 s5, s15;
	s5 =	sor.u32 s12, s18;
	s12 =	sor.u32 $0x610, s9;
	v5 =	vld [tilespmem:s2+$0x840];
	[tilespmem:s23+$0x9BB0] =	vst v0  }
0x381: {  	v0 =	vld [tilespmem:s20+$0x400];
	[smem:$0x7BC] =	sst s12  }
0x382: {  	s8 =	sor.u32 s8, s16;
	s16 =	sor.u32 $0x620, s9;
	[tilespmem:s23+$0x94C0] =	vst v4  }
0x383: {  	[smem:$0x7BD] =	sst s16  }
0x384: {  	s17 =	sor.u32 $0x630, s9;
	[tilespmem:s23+$0x9540] =	vst v1  }
0x385: {  	s18 =	sor.u32 $0x640, s9;
	s19 =	sor.u32 $0x660, s3;
	v4 =	vld [tilespmem:s0+$0x840];
	[smem:$0x7BE] =	sst s17  }
0x386: {  	s15 =	smov.u32 s19;
	s19 =	sor.u32 $0x650, s9;
	[smem:$0x7BF] =	sst s18  }
0x387: {  	s20 =	sor.u32 $0x660, s9;
	[dreg:$0x17] =	wrdreg s19  }
0x388: {  	[dreg:$0x11] =	wrdreg s20  }
0x389: {  	s10 =	sor.u32 s10, s14;
	[tilespmem:s23+$0x95C0] =	vst v2  }
0x38a: {  	s26 =	sor.u32 $0x600, s9;
	s17 =	sor.u32 $0x670, s9;
	s9 =	sor.u32 $0x610, s10;
	v1 =	vld [tilespmem:s25+$0x840];
	[tilespmem:s23+$0x9640] =	vst v3  }
0x38b: {  	s12 =	sor.u32 $0x620, s10;
	v2 =	vld [tilespmem:s7+$0x850];
	[smem:$0x7C0] =	sst s9  }
0x38c: {  	s16 =	sor.u32 $0x630, s10;
	[smem:$0x7C1] =	sst s12  }
0x38d: {  	[smem:$0x7C2] =	sst s16  }
0x38e: {  	s18 =	sor.u32 $0x640, s10;
	[tilespmem:s23+$0x96C0] =	vst v5  }
0x38f: {  	s20 =	sor.u32 $0x650, s10;
	v3 =	vld [tilespmem:s1+$0x850];
	[smem:$0x7C3] =	sst s18  }
0x390: {  	s9 =	sor.u32 $0x660, s10;
	[dreg:$0x1c] =	wrdreg s20  }
0x391: {  	s12 =	sor.u32 $0x670, s10;
	[dreg:$0x13] =	wrdreg s9  }
0x392: {  	[dreg:$0x9] =	wrdreg s12  }
0x393: {  	[tilespmem:s23+$0x9BC0] =	vst v0  }
0x394: {  	s16 =	sor.u32 $0x650, s4;
	s18 =	sor.u32 $0x610, s8;
	v5 =	vld [tilespmem:s11+$0x850];
	[tilespmem:s23+$0x9740] =	vst v4  }
0x395: {  	s30 =	sor.u32 $0x600, s3;
	s20 =	sor.u32 $0x620, s8;
	v0 =	vld [tilespmem:s16+$0x400];
	[smem:$0x7C4] =	sst s18  }
0x396: {  	s19 =	sor.u32 $0x600, s10;
	s10 =	sor.u32 $0x630, s8;
	[smem:$0x7C5] =	sst s20  }
0x397: {  	s29 =	sor.u32 $0x610, s3;
	s28 =	sor.u32 $0x620, s3;
	[smem:$0x7C6] =	sst s10  }
0x398: {  	s14 =	sor.u32 $0x670, s3;
	s21 =	sor.u32 $0x650, s3;
	s12 =	sor.u32 $0x640, s8;
	[tilespmem:s23+$0x9440] =	vst v1  }
0x399: {  	s22 =	sor.u32 $0x640, s3;
	s16 =	sor.u32 $0x650, s8;
	v4 =	vld [tilespmem:s31+$0x850];
	[smem:$0x7C7] =	sst s12  }
0x39a: {  	s24 =	sor.u32 $0x630, s3;
	s18 =	sor.u32 $0x660, s8;
	[smem:$0x7C8] =	sst s16  }
0x39b: {  	s3 =	sor.u32 $0x600, s8;
	s8 =	sor.u32 $0x670, s8;
	[dreg:$0x15] =	wrdreg s18  }
0x39c: {  	[dreg:$0x8] =	wrdreg s8  }
0x39d: {  	[tilespmem:s23+$0x94D0] =	vst v2  }
0x39e: {  	s20 =	sor.u32 $0x620, s13;
	v1 =	vld [tilespmem:s2+$0x850];
	[tilespmem:s23+$0x9550] =	vst v3  }
0x39f: {  	s9 =	sor.u32 $0x630, s13;
	v2 =	vld [tilespmem:s0+$0x850];
	[smem:$0x7C9] =	sst s20  }
0x3a0: {  	s10 =	sor.u32 $0x640, s13;
	[smem:$0x7CA] =	sst s9  }
0x3a1: {  	s18 =	sor.u32 $0x650, s13;
	[smem:$0x7CB] =	sst s10  }
0x3a2: {  	[smem:$0x7CC] =	sst s18;
	s20 =	sor.u32 $0x660, s13  }
0x3a3: {  	s9 =	sor.u32 $0x670, s13;
	[dreg:$0x1a] =	wrdreg s20  }
0x3a4: {  	[dreg:$0xb] =	wrdreg s9  }
0x3a5: {  	[tilespmem:s23+$0x95D0] =	vst v5  }
0x3a6: {  	s16 =	sor.u32 $0x600, s13;
	v6 =	vld [tilespmem:s25+$0x850];
	[tilespmem:s23+$0x9BD0] =	vst v0  }
0x3a7: {  	s12 =	sor.u32 $0x610, s13;
	s10 =	sor.u32 $0x660, s4;
	s13 =	sor.u32 $0x620, s6;
	v5 =	vld [tilespmem:s7+$0x860];
	[tilespmem:s23+$0x9650] =	vst v4  }
0x3a8: {  	s18 =	sor.u32 $0x630, s6;
	v0 =	vld [tilespmem:s10+$0x400];
	[smem:$0x7CD] =	sst s13  }
0x3a9: {  	[smem:$0x7CE] =	sst s18;
	s10 =	sor.u32 $0x640, s6  }
0x3aa: {  	s13 =	sor.u32 $0x650, s6;
	[smem:$0x7CF] =	sst s10  }
0x3ab: {  	s8 =	sor.u32 $0x610, s6;
	s18 =	sor.u32 $0x660, s6;
	[smem:$0x7D0] =	sst s13  }
0x3ac: {  	s20 =	sor.u32 $0x600, s6;
	s6 =	sor.u32 $0x670, s6;
	[dreg:$0x1d] =	wrdreg s18  }
0x3ad: {  	[dreg:$0xd] =	wrdreg s6  }
0x3ae: {  	[tilespmem:s23+$0x96D0] =	vst v1  }
0x3af: {  	s10 =	sor.u32 $0x620, s5;
	v3 =	vld [tilespmem:s1+$0x860];
	[tilespmem:s23+$0x9750] =	vst v2  }
0x3b0: {  	v1 =	vld [tilespmem:s11+$0x860];
	[smem:$0x7D1] =	sst s10  }
0x3b1: {  	s9 =	sor.u32 $0x630, s5;
	[tilespmem:s23+$0x9450] =	vst v6  }
0x3b2: {  	s10 =	sor.u32 $0x640, s5;
	v2 =	vld [tilespmem:s31+$0x860];
	[smem:$0x7D2] =	sst s9  }
0x3b3: {  	[smem:$0x7D3] =	sst s10;
	s9 =	sor.u32 $0x650, s5  }
0x3b4: {  	s18 =	sor.u32 $0x600, s5;
	s10 =	sor.u32 $0x660, s5;
	[smem:$0x7D4] =	sst s9  }
0x3b5: {  	s13 =	sor.u32 $0x610, s5;
	s5 =	sor.u32 $0x670, s5;
	[smem:$0x7D5] =	sst s10  }
0x3b6: {  	[dreg:$0xf] =	wrdreg s5  }
0x3b7: {  	s6 =	simm.s32 $0x8;
	[tilespmem:s23+$0x94E0] =	vst v5;
	v4 =	vld [tilespmem:s2+$0x860]  }
.LBB2_5:
0x3b8: {  	_ =	sdelay $0x2  }
0x3b9: {  	s5 =	sld [smem:s6+$0x80];
	[tilespmem:s23+$0x9560] =	vst v3;
	v3 =	vld [tilespmem:s0+$0x860]  }
0x3ba: {  	v5 =	vld [tilespmem:s25+$0x860];
	[tilespmem:s23+$0x9BE0] =	vst v0  }
0x3bb: {  	s4 =	sor.u32 $0x670, s4;
	[tilespmem:s23+$0x95E0] =	vst v1;
	v1 =	vld [tilespmem:s7+$0x870]  }
0x3bc: {  	s10 =	sshll.u32 s5, $0x9;
	s5 =	sshll.u32 s5, $0x7;
	[tilespmem:s23+$0x9660] =	vst v2;
	v0 =	vld [tilespmem:s4+$0x400]  }
0x3bd: {  	[smem:$0x7B5] =	sst s14;
	s14 =	sand.u32 $0xFFFFF800, s10;
	s5 =	sand.u32 $0x180, s5;
	[tilespmem:s23+$0x96E0] =	vst v4;
	v2 =	vld [tilespmem:s1+$0x870]  }
0x3be: {  	s14 =	sor.u32 s5, s14;
	s4 =	sor.u32 s10, s5;
	v4 =	vld [tilespmem:s11+$0x870];
	[tilespmem:s23+$0x9760] =	vst v3  }
0x3bf: {  	s11 =	sor.u32 $0x600, s4;
	s5 =	sor.u32 $0x610, s4;
	v3 =	vld [tilespmem:s14+$0x400];
	[tilespmem:s23+$0x9460] =	vst v5  }
0x3c0: {  	s10 =	sor.u32 $0x620, s4;
	s9 =	sor.u32 $0x630, s4;
	s7 =	sor.u32 $0x640, s4;
	v5 =	vld [tilespmem:s31+$0x870];
	[tilespmem:s23+$0x94F0] =	vst v1  }
0x3c1: {  	s1 =	sor.u32 $0x650, s4;
	s31 =	sor.u32 $0x660, s4;
	s4 =	sor.u32 $0x670, s4;
	[tilespmem:s23+$0x9BF0] =	vst v0;
	v0 =	vld [tilespmem:s2+$0x870]  }
0x3c2: {  	[smem:$0x7B9] =	sst s4;
	s4 =	sshll.u32 s6, $0x9;
	[tilespmem:s23+$0x9570] =	vst v2;
	v1 =	vld [tilespmem:s0+$0x870]  }
0x3c3: {  	v2 =	vld [tilespmem:s25+$0x870];
	[tilespmem:s23+$0x95F0] =	vst v4;
	s4 =	sand.u32 $0x3FFFFE00, s4  }
0x3c4: {  	[tilespmem:s4+$0x8C00] =	vst v3;
	v3 =	vld [tilespmem:s26+$0x400]  }
0x3c5: {  	s25 =	smov.u32 s14;
	[tilespmem:s23+$0x9670] =	vst v5;
	v5 =	vld [tilespmem:s19+$0x400]  }
0x3c6: {  	v4 =	vld [tilespmem:s25+$0x410];
	[tilespmem:s23+$0x96F0] =	vst v0  }
0x3c7: {  	[tilespmem:s23+$0x9770] =	vst v1;
	v1 =	vld [tilespmem:s16+$0x400]  }
0x3c8: {  	[tilespmem:s23+$0x9470] =	vst v2  }
0x3c9: {  	s19 =	sld [smem:$0x7C0];
	v0 =	vld [tilespmem:s3+$0x400];
	[tilespmem:s23+$0x9880] =	vst v3  }
0x3ca: {  	v2 =	vld [tilespmem:s20+$0x400];
	[tilespmem:s23+$0x9900] =	vst v5  }
0x3cb: {  	v3 =	vld [tilespmem:s18+$0x400];
	[tilespmem:s4+$0x8C10] =	vst v4  }
0x3cc: {  	s18 =	sld [smem:$0x7BC];
	[tilespmem:s23+$0x9A00] =	vst v1;
	v1 =	vld [tilespmem:s19+$0x400]  }
0x3cd: {  	s20 =	sld [smem:$0x7C4];
	v4 =	vld [tilespmem:s25+$0x420]  }
0x3ce: {  	[tilespmem:s23+$0x9980] =	vst v0;
	v5 =	vld [tilespmem:s30+$0x400]  }
0x3cf: {  	[tilespmem:s23+$0x9A80] =	vst v2;
	v0 =	vld [tilespmem:s18+$0x400]  }
0x3d0: {  	v2 =	vld [tilespmem:s20+$0x400];
	[tilespmem:s23+$0x9B00] =	vst v3  }
0x3d1: {  	v3 =	vld [tilespmem:s12+$0x400];
	[tilespmem:s23+$0x9910] =	vst v1  }
0x3d2: {  	v1 =	vld [tilespmem:s13+$0x400];
	[tilespmem:s4+$0x8C20] =	vst v4  }
0x3d3: {  	s2 =	sld [smem:$0x7BD];
	v4 =	vld [tilespmem:s25+$0x430];
	[tilespmem:s23+$0x9800] =	vst v5  }
0x3d4: {  	s3 =	sld [smem:$0x7C1];
	[tilespmem:s23+$0x9890] =	vst v0;
	v0 =	vld [tilespmem:s8+$0x400]  }
0x3d5: {  	[tilespmem:s23+$0x9990] =	vst v2;
	s8 =	sld [smem:$0x7C9];
	v5 =	vld [tilespmem:s29+$0x400]  }
0x3d6: {  	v2 =	vld [tilespmem:s2+$0x400];
	[tilespmem:s23+$0x9A10] =	vst v3  }
0x3d7: {  	s26 =	smov.u32 s5;
	s5 =	sld [smem:$0x7C5];
	v3 =	vld [tilespmem:s3+$0x400];
	[tilespmem:s23+$0x9B10] =	vst v1  }
0x3d8: {  	s16 =	smov.u32 s11;
	s11 =	sld [smem:$0x7CD];
	v1 =	vld [tilespmem:s8+$0x400];
	[tilespmem:s4+$0x8C30] =	vst v4  }
0x3d9: {  	[smem:$0x7B7] =	sst s16;
	[tilespmem:s23+$0x9A90] =	vst v0;
	v4 =	vld [tilespmem:s25+$0x440]  }
0x3da: {  	s12 =	sld [smem:$0x7D1];
	[tilespmem:s23+$0x9810] =	vst v5  }
0x3db: {  	s16 =	sld [smem:$0x7C2];
	v0 =	vld [tilespmem:s5+$0x400];
	[tilespmem:s23+$0x98A0] =	vst v2  }
0x3dc: {  	v2 =	vld [tilespmem:s11+$0x400];
	[tilespmem:s23+$0x9920] =	vst v3  }
0x3dd: {  	v3 =	vld [tilespmem:s12+$0x400];
	[tilespmem:s23+$0x9A20] =	vst v1  }
0x3de: {  	s13 =	sld [smem:$0x7BE];
	v1 =	vld [tilespmem:s16+$0x400];
	[tilespmem:s4+$0x8C40] =	vst v4  }
0x3df: {  	v4 =	vld [tilespmem:s28+$0x400]  }
0x3e0: {  	s18 =	sld [smem:$0x7C6];
	[tilespmem:s23+$0x99A0] =	vst v0;
	v5 =	vld [tilespmem:s25+$0x450]  }
0x3e1: {  	s19 =	sld [smem:$0x7CA];
	v0 =	vld [tilespmem:s13+$0x400];
	[tilespmem:s23+$0x9AA0] =	vst v2  }
0x3e2: {  	s20 =	sld [smem:$0x7CE];
	[tilespmem:s23+$0x9B20] =	vst v3  }
0x3e3: {  	[smem:$0x7B6] =	sst s26;
	v2 =	vld [tilespmem:s18+$0x400];
	[tilespmem:s23+$0x9930] =	vst v1  }
0x3e4: {  	s26 =	sld [smem:$0x7D2];
	v3 =	vld [tilespmem:s19+$0x400];
	[tilespmem:s23+$0x9820] =	vst v4  }
0x3e5: {  	v4 =	vld [tilespmem:s20+$0x400];
	[tilespmem:s4+$0x8C50] =	vst v5  }
0x3e6: {  	[smem:$0x7B8] =	sst s31;
	[tilespmem:s23+$0x98B0] =	vst v0;
	v5 =	vld [tilespmem:s25+$0x460]  }
0x3e7: {  	v0 =	vld [tilespmem:s26+$0x400];
	s0 =	sld [smem:$0x7BF]  }
0x3e8: {  	s2 =	sld [smem:$0x7C3]  }
0x3e9: {  	v1 =	vld [tilespmem:s24+$0x400];
	[tilespmem:s23+$0x99B0] =	vst v2;
	s3 =	sld [smem:$0x7C7]  }
0x3ea: {  	[tilespmem:s23+$0x9A30] =	vst v3;
	v2 =	vld [tilespmem:s0+$0x400]  }
0x3eb: {  	s5 =	sld [smem:$0x7CB];
	v3 =	vld [tilespmem:s2+$0x400];
	[tilespmem:s23+$0x9AB0] =	vst v4  }
0x3ec: {  	s8 =	sld [smem:$0x7CF];
	v4 =	vld [tilespmem:s3+$0x400];
	[tilespmem:s4+$0x8C60] =	vst v5  }
0x3ed: {  	s30 =	smov.u32 s9;
	s9 =	sld [smem:$0x7D3];
	[tilespmem:s23+$0x9B30] =	vst v0;
	v5 =	vld [tilespmem:s25+$0x470]  }
0x3ee: {  	v0 =	vld [tilespmem:s5+$0x400];
	[tilespmem:s23+$0x9830] =	vst v1  }
0x3ef: {  	s14 =	smov.u32 s10;
	s10 =	rddreg [dreg:$0x17];
	v1 =	vld [tilespmem:s8+$0x400];
	[tilespmem:s23+$0x98C0] =	vst v2  }
0x3f0: {  	s11 =	rddreg [dreg:$0x1c];
	[tilespmem:s23+$0x9940] =	vst v3;
	v2 =	vld [tilespmem:s9+$0x400]  }
0x3f1: {  	s12 =	sld [smem:$0x7C8];
	v3 =	vld [tilespmem:s22+$0x400];
	[tilespmem:s23+$0x99C0] =	vst v4  }
0x3f2: {  	s13 =	sld [smem:$0x7CC];
	v4 =	vld [tilespmem:s10+$0x400];
	[tilespmem:s4+$0x8C70] =	vst v5  }
0x3f3: {  	s16 =	sld [smem:$0x7D0];
	[tilespmem:s23+$0x9A40] =	vst v0;
	v5 =	vld [tilespmem:s25+$0x600]  }
0x3f4: {  	s18 =	sld [smem:$0x7D4];
	v0 =	vld [tilespmem:s11+$0x400];
	[tilespmem:s23+$0x9AC0] =	vst v1  }
0x3f5: {  	s19 =	rddreg [dreg:$0x11];
	v1 =	vld [tilespmem:s12+$0x400];
	[tilespmem:s23+$0x9B40] =	vst v2  }
0x3f6: {  	s20 =	rddreg [dreg:$0x13];
	[tilespmem:s23+$0x9840] =	vst v3;
	v2 =	vld [tilespmem:s13+$0x400]  }
0x3f7: {  	s26 =	sld [smem:s6+$0x81];
	v3 =	vld [tilespmem:s16+$0x400];
	[tilespmem:s23+$0x98D0] =	vst v4  }
0x3f8: {  	s24 =	sld [smem:s6+$0x87];
	v4 =	vld [tilespmem:s18+$0x400];
	[tilespmem:s4+$0x9000] =	vst v5  }
0x3f9: {  	s29 =	smov.u32 s7;
	s28 =	smov.u32 s1;
	s7 =	sld [smem:s6+$0x82];
	[tilespmem:s23+$0x9950] =	vst v0;
	v5 =	vld [tilespmem:s25+$0x610]  }
0x3fa: {  	s3 =	sshll.u32 s26, $0x9;
	s1 =	sshll.u32 s26, $0x7;
	s26 =	rddreg [dreg:$0xf];
	[tilespmem:s23+$0x99D0] =	vst v1;
	v1 =	vld [tilespmem:s19+$0x400]  }
0x3fb: {  	s5 =	rddreg [dreg:$0x1d];
	v0 =	vld [tilespmem:s21+$0x400];
	[tilespmem:s23+$0x9A50] =	vst v2  }
0x3fc: {  	v2 =	vld [tilespmem:s20+$0x400];
	[tilespmem:s23+$0x9AD0] =	vst v3;
	s21 =	rddreg [dreg:$0x15]  }
0x3fd: {  	s22 =	rddreg [dreg:$0x1a];
	v3 =	vld [tilespmem:s21+$0x400];
	[tilespmem:s23+$0x9B50] =	vst v4  }
0x3fe: {  	s10 =	sld [smem:$0x7D5];
	v4 =	vld [tilespmem:s22+$0x400];
	[tilespmem:s4+$0x9010] =	vst v5  }
0x3ff: {  	s11 =	sld [smem:s6+$0x83];
	[tilespmem:s23+$0x98E0] =	vst v1;
	v5 =	vld [tilespmem:s25+$0x620]  }
0x400: {  	s0 =	sshll.u32 s24, $0x7;
	s13 =	sshll.u32 s24, $0x9;
	s24 =	rddreg [dreg:$0xd];
	[tilespmem:s23+$0x9850] =	vst v0;
	v0 =	vld [tilespmem:s5+$0x400]  }
0x401: {  	[smem:$0x7BA] =	sst s13;
	v1 =	vld [tilespmem:s10+$0x400];
	[tilespmem:s23+$0x9960] =	vst v2  }
0x402: {  	s19 =	rddreg [dreg:$0x9];
	[tilespmem:s23+$0x99E0] =	vst v3;
	v3 =	vld [tilespmem:s17+$0x400]  }
0x403: {  	s18 =	sld [smem:s6+$0x85];
	[tilespmem:s23+$0x9A60] =	vst v4;
	v4 =	vld [tilespmem:s19+$0x400]  }
0x404: {  	s9 =	sand.u32 $0x180, s0;
	s16 =	sand.u32 $0xFFFFF800, s13;
	v2 =	vld [tilespmem:s15+$0x400];
	s15 =	sld [smem:s6+$0x84];
	[tilespmem:s4+$0x9020] =	vst v5  }
0x405: {  	s2 =	sshll.u32 s7, $0x7;
	s20 =	sld [smem:s6+$0x86];
	s10 =	sor.u32 s9, s16;
	[tilespmem:s23+$0x9AE0] =	vst v0;
	v0 =	vld [tilespmem:s25+$0x630]  }
0x406: {  	s8 =	sshll.u32 s7, $0x9;
	s0 =	sshll.u32 s18, $0x7;
	s21 =	rddreg [dreg:$0x8];
	[tilespmem:s23+$0x9B60] =	vst v1;
	v5 =	vld [tilespmem:s10+$0x400]  }
0x407: {  	s22 =	rddreg [dreg:$0xb];
	s17 =	sand.u32 $0xFFFFF800, s3;
	v1 =	vld [tilespmem:s21+$0x400];
	s13 =	sshll.u32 s15, $0x9;
	[tilespmem:s23+$0x98F0] =	vst v3  }
0x408: {  	s7 =	sshll.u32 s15, $0x7;
	s15 =	sshll.u32 s18, $0x9;
	s18 =	sand.u32 $0x180, s1;
	[tilespmem:s23+$0x9970] =	vst v4;
	v4 =	vld [tilespmem:s26+$0x400]  }
0x409: {  	s21 =	sand.u32 $0x180, s7;
	s7 =	sor.u32 s18, s17;
	s17 =	sld [smem:$0x7B5];
	[tilespmem:s23+$0x9860] =	vst v2;
	v2 =	vld [tilespmem:s22+$0x400]  }
0x40a: {  	v3 =	vld [tilespmem:s24+$0x400];
	[tilespmem:s4+$0x9030] =	vst v0  }
0x40b: {  	[tilespmem:s4+$0x8F80] =	vst v5;
	v5 =	vld [tilespmem:s25+$0x640]  }
0x40c: {  	s12 =	sshll.u32 s11, $0x9;
	s5 =	sshll.u32 s11, $0x7;
	s11 =	sshll.u32 s20, $0x7;
	[tilespmem:s23+$0x99F0] =	vst v1;
	v1 =	vld [tilespmem:s17+$0x400]  }
0x40d: {  	s19 =	sand.u32 $0x180, s2;
	s2 =	sand.u32 $0xFFFFF800, s12;
	s5 =	sand.u32 $0x180, s5;
	[tilespmem:s23+$0x9B70] =	vst v4  }
0x40e: {  	s26 =	sand.u32 $0x180, s11;
	s22 =	sand.u32 $0xFFFFF800, s15;
	s24 =	sand.u32 $0x180, s0;
	[tilespmem:s23+$0x9A70] =	vst v2  }
0x40f: {  	s11 =	sor.u32 s5, s2;
	s2 =	sor.u32 s24, s22;
	s22 =	sor.u32 s8, s19;
	[tilespmem:s23+$0x9AF0] =	vst v3  }
0x410: {  	s5 =	sor.u32 s12, s5;
	s12 =	sor.u32 $0x610, s22;
	s17 =	sor.u32 s3, s18;
	[tilespmem:s4+$0x9040] =	vst v5  }
0x411: {  	s16 =	sshll.u32 s20, $0x9;
	[smem:$0x7C0] =	sst s12;
	[tilespmem:s23+$0x9870] =	vst v1;
	s23 =	sor.u32 $0x610, s17  }
0x412: {  	s20 =	sand.u32 $0xFFFFF800, s13;
	[smem:$0x7BC] =	sst s23;
	s23 =	sor.u32 $0x620, s17  }
0x413: {  	s31 =	sor.u32 s21, s20;
	[smem:$0x7BD] =	sst s23;
	s23 =	sor.u32 $0x620, s22  }
0x414: {  	s21 =	sor.u32 s13, s21;
	[smem:$0x7C1] =	sst s23;
	s23 =	sor.u32 $0x620, s5  }
0x415: {  	s24 =	sor.u32 s15, s24;
	[smem:$0x7C5] =	sst s23;
	s23 =	sor.u32 $0x620, s21  }
0x416: {  	s15 =	sor.u32 s16, s26;
	[smem:$0x7C9] =	sst s23;
	s23 =	sor.u32 $0x620, s24  }
0x417: {  	[smem:$0x7CD] =	sst s23;
	s23 =	sor.u32 $0x620, s15  }
0x418: {  	[smem:$0x7D1] =	sst s23;
	s23 =	sor.u32 $0x630, s17  }
0x419: {  	[smem:$0x7BE] =	sst s23;
	s23 =	sor.u32 $0x630, s22  }
0x41a: {  	[smem:$0x7C2] =	sst s23;
	s23 =	sor.u32 $0x630, s5  }
0x41b: {  	[smem:$0x7C6] =	sst s23;
	s23 =	sor.u32 $0x630, s21  }
0x41c: {  	[smem:$0x7CA] =	sst s23;
	s23 =	sor.u32 $0x630, s24  }
0x41d: {  	[smem:$0x7CE] =	sst s23;
	s23 =	sor.u32 $0x630, s15  }
0x41e: {  	[smem:$0x7D2] =	sst s23;
	s23 =	sor.u32 $0x640, s17  }
0x41f: {  	[smem:$0x7BF] =	sst s23;
	s23 =	sor.u32 $0x640, s22  }
0x420: {  	[smem:$0x7C3] =	sst s23;
	s23 =	sor.u32 $0x640, s5  }
0x421: {  	[smem:$0x7C7] =	sst s23;
	s23 =	sor.u32 $0x640, s21  }
0x422: {  	v0 =	vld [tilespmem:s10+$0x410];
	[smem:$0x7CB] =	sst s23;
	s23 =	sor.u32 $0x640, s24  }
0x423: {  	[smem:$0x7CF] =	sst s23;
	s23 =	sor.u32 $0x640, s15  }
0x424: {  	s1 =	sand.u32 $0xFFFFF800, s8;
	v2 =	vld [tilespmem:s7+$0x400];
	[smem:$0x7D3] =	sst s23;
	s23 =	sor.u32 $0x650, s17  }
0x425: {  	s1 =	sor.u32 s19, s1;
	[dreg:$0x17] =	wrdreg s23;
	s23 =	sor.u32 $0x650, s22  }
0x426: {  	v3 =	vld [tilespmem:s1+$0x400];
	[dreg:$0x1c] =	wrdreg s23;
	s23 =	sor.u32 $0x650, s5  }
0x427: {  	s0 =	sand.u32 $0xFFFFF800, s16;
	v4 =	vld [tilespmem:s11+$0x400];
	[tilespmem:s4+$0x8F90] =	vst v0;
	[smem:$0x7C8] =	sst s23;
	s23 =	sor.u32 $0x650, s21  }
0x428: {  	s0 =	sor.u32 s26, s0;
	v0 =	vld [tilespmem:s10+$0x420];
	[smem:$0x7CC] =	sst s23;
	s23 =	sor.u32 $0x650, s24  }
0x429: {  	[tilespmem:s4+$0x8C80] =	vst v2;
	v2 =	vld [tilespmem:s0+$0x400];
	[smem:$0x7D0] =	sst s23;
	s23 =	sor.u32 $0x650, s15  }
0x42a: {  	v5 =	vld [tilespmem:s31+$0x400];
	[smem:$0x7D4] =	sst s23;
	s23 =	sor.u32 $0x660, s17  }
0x42b: {  	[tilespmem:s4+$0x8D00] =	vst v3;
	v3 =	vld [tilespmem:s7+$0x410];
	[dreg:$0x11] =	wrdreg s23;
	s23 =	sor.u32 $0x660, s22  }
0x42c: {  	[tilespmem:s4+$0x8D80] =	vst v4;
	v1 =	vld [tilespmem:s2+$0x400];
	[dreg:$0x13] =	wrdreg s23;
	s23 =	sor.u32 $0x660, s5  }
0x42d: {  	v4 =	vld [tilespmem:s1+$0x410];
	[tilespmem:s4+$0x8FA0] =	vst v0;
	[dreg:$0x15] =	wrdreg s23;
	s23 =	sor.u32 $0x660, s21  }
0x42e: {  	s16 =	sor.u32 $0x600, s21;
	[tilespmem:s4+$0x8F00] =	vst v2;
	v0 =	vld [tilespmem:s10+$0x430];
	[dreg:$0x1a] =	wrdreg s23;
	s23 =	sor.u32 $0x660, s24  }
0x42f: {  	s12 =	sor.u32 $0x610, s21;
	[tilespmem:s4+$0x8E00] =	vst v5;
	v5 =	vld [tilespmem:s11+$0x410];
	[dreg:$0x1d] =	wrdreg s23;
	s23 =	sor.u32 $0x660, s15  }
0x430: {  	[tilespmem:s4+$0x8C90] =	vst v3;
	v3 =	vld [tilespmem:s0+$0x410];
	[smem:$0x7D5] =	sst s23;
	s23 =	sor.u32 $0x670, s21;
	s21 =	smov.u32 s28  }
0x431: {  	[tilespmem:s4+$0x8E80] =	vst v1;
	v1 =	vld [tilespmem:s31+$0x410];
	s28 =	smov.u32 s14;
	s14 =	sor.u32 $0x670, s24;
	[dreg:$0xb] =	wrdreg s23  }
0x432: {  	[tilespmem:s4+$0x8D10] =	vst v4;
	v2 =	vld [tilespmem:s2+$0x410];
	[dreg:$0xd] =	wrdreg s14  }
0x433: {  	v4 =	vld [tilespmem:s7+$0x420];
	[tilespmem:s4+$0x8FB0] =	vst v0;
	s23 =	sor.u32 $0x670, s15;
	s14 =	sld [smem:$0x7B8]  }
0x434: {  	[tilespmem:s4+$0x8D90] =	vst v5;
	v0 =	vld [tilespmem:s10+$0x440];
	[dreg:$0xf] =	wrdreg s23  }
0x435: {  	v5 =	vld [tilespmem:s1+$0x420];
	[tilespmem:s4+$0x8F10] =	vst v3;
	s23 =	sld [smem:$0x7B9]  }
0x436: {  	s13 =	sor.u32 $0x610, s5;
	[tilespmem:s4+$0x8E10] =	vst v1;
	v1 =	vld [tilespmem:s11+$0x420]  }
0x437: {  	[smem:$0x7C4] =	sst s13;
	s13 =	sor.u32 $0x610, s15;
	s18 =	sor.u32 $0x600, s15;
	[tilespmem:s4+$0x8E90] =	vst v2;
	v2 =	vld [tilespmem:s31+$0x420]  }
0x438: {  	[tilespmem:s4+$0x8CA0] =	vst v4;
	v3 =	vld [tilespmem:s2+$0x420];
	s15 =	smov.u32 s14;
	s14 =	smov.u32 s23;
	s23 =	smov.u32 s4  }
0x439: {  	v4 =	vld [tilespmem:s0+$0x420];
	[tilespmem:s23+$0x8FC0] =	vst v0  }
0x43a: {  	[tilespmem:s23+$0x8D20] =	vst v5;
	v0 =	vld [tilespmem:s10+$0x450]  }
0x43b: {  	[tilespmem:s23+$0x8DA0] =	vst v1;
	v1 =	vld [tilespmem:s1+$0x430]  }
0x43c: {  	v5 =	vld [tilespmem:s7+$0x430];
	[tilespmem:s23+$0x8E20] =	vst v2  }
0x43d: {  	[tilespmem:s23+$0x8EA0] =	vst v3;
	v2 =	vld [tilespmem:s11+$0x430]  }
0x43e: {  	[tilespmem:s23+$0x8F20] =	vst v4;
	v3 =	vld [tilespmem:s31+$0x430]  }
0x43f: {  	v4 =	vld [tilespmem:s2+$0x430];
	[tilespmem:s23+$0x8FD0] =	vst v0  }
0x440: {  	[tilespmem:s23+$0x8D30] =	vst v1;
	v1 =	vld [tilespmem:s0+$0x430]  }
0x441: {  	[tilespmem:s23+$0x8CB0] =	vst v5;
	v0 =	vld [tilespmem:s10+$0x460]  }
0x442: {  	[tilespmem:s23+$0x8DB0] =	vst v2;
	v2 =	vld [tilespmem:s1+$0x440]  }
0x443: {  	v5 =	vld [tilespmem:s7+$0x440];
	[tilespmem:s23+$0x8E30] =	vst v3  }
0x444: {  	[tilespmem:s23+$0x8EB0] =	vst v4;
	v3 =	vld [tilespmem:s11+$0x440]  }
0x445: {  	v4 =	vld [tilespmem:s31+$0x440];
	[tilespmem:s23+$0x8F30] =	vst v1  }
0x446: {  	v1 =	vld [tilespmem:s2+$0x440];
	[tilespmem:s23+$0x8FE0] =	vst v0  }
0x447: {  	[tilespmem:s23+$0x8D40] =	vst v2;
	v2 =	vld [tilespmem:s0+$0x440]  }
0x448: {  	[tilespmem:s23+$0x8CC0] =	vst v5;
	v0 =	vld [tilespmem:s10+$0x470]  }
0x449: {  	[tilespmem:s23+$0x8DC0] =	vst v3;
	v3 =	vld [tilespmem:s1+$0x450]  }
0x44a: {  	v5 =	vld [tilespmem:s7+$0x450];
	[tilespmem:s23+$0x8E40] =	vst v4  }
0x44b: {  	v4 =	vld [tilespmem:s11+$0x450];
	[tilespmem:s23+$0x8EC0] =	vst v1  }
0x44c: {  	v1 =	vld [tilespmem:s31+$0x450];
	[tilespmem:s23+$0x8F40] =	vst v2  }
0x44d: {  	v2 =	vld [tilespmem:s2+$0x450];
	[tilespmem:s23+$0x8FF0] =	vst v0  }
0x44e: {  	[tilespmem:s23+$0x8D50] =	vst v3;
	v3 =	vld [tilespmem:s0+$0x450]  }
0x44f: {  	[tilespmem:s23+$0x8CD0] =	vst v5;
	v0 =	vld [tilespmem:s10+$0x600]  }
0x450: {  	[tilespmem:s23+$0x8DD0] =	vst v4;
	v4 =	vld [tilespmem:s1+$0x460]  }
0x451: {  	v5 =	vld [tilespmem:s7+$0x460];
	[tilespmem:s23+$0x8E50] =	vst v1  }
0x452: {  	v1 =	vld [tilespmem:s11+$0x460];
	[tilespmem:s23+$0x8ED0] =	vst v2  }
0x453: {  	v2 =	vld [tilespmem:s31+$0x460];
	[tilespmem:s23+$0x8F50] =	vst v3  }
0x454: {  	v3 =	vld [tilespmem:s2+$0x460];
	[tilespmem:s23+$0x9380] =	vst v0  }
0x455: {  	[tilespmem:s23+$0x8D60] =	vst v4;
	v4 =	vld [tilespmem:s0+$0x460]  }
0x456: {  	[tilespmem:s23+$0x8CE0] =	vst v5;
	v0 =	vld [tilespmem:s10+$0x610]  }
0x457: {  	v5 =	vld [tilespmem:s7+$0x470];
	[tilespmem:s23+$0x8DE0] =	vst v1  }
0x458: {  	v1 =	vld [tilespmem:s1+$0x470];
	[tilespmem:s23+$0x8E60] =	vst v2  }
0x459: {  	v2 =	vld [tilespmem:s11+$0x470];
	[tilespmem:s23+$0x8EE0] =	vst v3  }
0x45a: {  	v3 =	vld [tilespmem:s31+$0x470];
	[tilespmem:s23+$0x8F60] =	vst v4  }
0x45b: {  	v4 =	vld [tilespmem:s2+$0x470];
	[tilespmem:s23+$0x9390] =	vst v0  }
0x45c: {  	[tilespmem:s23+$0x8CF0] =	vst v5;
	v0 =	vld [tilespmem:s10+$0x620]  }
0x45d: {  	v5 =	vld [tilespmem:s0+$0x470];
	[tilespmem:s23+$0x8D70] =	vst v1  }
0x45e: {  	v1 =	vld [tilespmem:s7+$0x600];
	[tilespmem:s23+$0x8DF0] =	vst v2  }
0x45f: {  	v2 =	vld [tilespmem:s1+$0x600];
	[tilespmem:s23+$0x8E70] =	vst v3  }
0x460: {  	v3 =	vld [tilespmem:s11+$0x600];
	[tilespmem:s23+$0x8EF0] =	vst v4  }
0x461: {  	v4 =	vld [tilespmem:s31+$0x600];
	[tilespmem:s23+$0x93A0] =	vst v0  }
0x462: {  	[tilespmem:s23+$0x8F70] =	vst v5;
	v0 =	vld [tilespmem:s10+$0x630]  }
0x463: {  	v5 =	vld [tilespmem:s2+$0x600];
	[tilespmem:s23+$0x9080] =	vst v1  }
0x464: {  	v1 =	vld [tilespmem:s0+$0x600];
	[tilespmem:s23+$0x9100] =	vst v2  }
0x465: {  	v2 =	vld [tilespmem:s7+$0x610];
	[tilespmem:s23+$0x9180] =	vst v3  }
0x466: {  	v3 =	vld [tilespmem:s1+$0x610];
	[tilespmem:s23+$0x9200] =	vst v4  }
0x467: {  	v4 =	vld [tilespmem:s11+$0x610];
	[tilespmem:s23+$0x93B0] =	vst v0  }
0x468: {  	[tilespmem:s23+$0x9280] =	vst v5;
	v0 =	vld [tilespmem:s10+$0x640]  }
0x469: {  	v5 =	vld [tilespmem:s31+$0x610];
	[tilespmem:s23+$0x9300] =	vst v1  }
0x46a: {  	v1 =	vld [tilespmem:s2+$0x610];
	[tilespmem:s23+$0x9090] =	vst v2  }
0x46b: {  	v2 =	vld [tilespmem:s0+$0x610];
	[tilespmem:s23+$0x9110] =	vst v3  }
0x46c: {  	v3 =	vld [tilespmem:s7+$0x620];
	[tilespmem:s23+$0x9190] =	vst v4  }
0x46d: {  	v4 =	vld [tilespmem:s1+$0x620];
	[tilespmem:s23+$0x93C0] =	vst v0  }
0x46e: {  	[tilespmem:s23+$0x9210] =	vst v5;
	v0 =	vld [tilespmem:s10+$0x650]  }
0x46f: {  	v5 =	vld [tilespmem:s11+$0x620];
	[tilespmem:s23+$0x9290] =	vst v1  }
0x470: {  	v1 =	vld [tilespmem:s31+$0x620];
	[tilespmem:s23+$0x9310] =	vst v2  }
0x471: {  	v2 =	vld [tilespmem:s2+$0x620];
	[tilespmem:s23+$0x90A0] =	vst v3  }
0x472: {  	v3 =	vld [tilespmem:s0+$0x620];
	[tilespmem:s23+$0x9120] =	vst v4  }
0x473: {  	v4 =	vld [tilespmem:s7+$0x630];
	[tilespmem:s23+$0x93D0] =	vst v0  }
0x474: {  	[tilespmem:s23+$0x91A0] =	vst v5;
	v0 =	vld [tilespmem:s10+$0x660]  }
0x475: {  	v5 =	vld [tilespmem:s1+$0x630];
	[tilespmem:s23+$0x9220] =	vst v1  }
0x476: {  	v1 =	vld [tilespmem:s11+$0x630];
	[tilespmem:s23+$0x92A0] =	vst v2  }
0x477: {  	v2 =	vld [tilespmem:s31+$0x630];
	[tilespmem:s23+$0x9320] =	vst v3  }
0x478: {  	v3 =	vld [tilespmem:s2+$0x630];
	[tilespmem:s23+$0x90B0] =	vst v4  }
0x479: {  	v4 =	vld [tilespmem:s0+$0x630];
	[tilespmem:s23+$0x93E0] =	vst v0  }
0x47a: {  	[tilespmem:s23+$0x9130] =	vst v5;
	v0 =	vld [tilespmem:s10+$0x670]  }
0x47b: {  	v5 =	vld [tilespmem:s7+$0x640];
	[tilespmem:s23+$0x91B0] =	vst v1  }
0x47c: {  	v1 =	vld [tilespmem:s1+$0x640];
	[tilespmem:s23+$0x9230] =	vst v2  }
0x47d: {  	v2 =	vld [tilespmem:s11+$0x640];
	[tilespmem:s23+$0x92B0] =	vst v3  }
0x47e: {  	v3 =	vld [tilespmem:s31+$0x640];
	[tilespmem:s23+$0x9330] =	vst v4  }
0x47f: {  	v4 =	vld [tilespmem:s2+$0x640];
	[tilespmem:s23+$0x93F0] =	vst v0  }
0x480: {  	[tilespmem:s23+$0x90C0] =	vst v5;
	v0 =	vld [tilespmem:s10+$0x800]  }
0x481: {  	[tilespmem:s23+$0x9140] =	vst v1  }
0x482: {  	v5 =	vld [tilespmem:s0+$0x640];
	[tilespmem:s23+$0x91C0] =	vst v2  }
0x483: {  	v1 =	vld [tilespmem:s7+$0x650];
	[tilespmem:s23+$0x9240] =	vst v3  }
0x484: {  	v2 =	vld [tilespmem:s1+$0x650];
	[tilespmem:s23+$0x92C0] =	vst v4  }
0x485: {  	v4 =	vld [tilespmem:s31+$0x650];
	[tilespmem:s23+$0x9780] =	vst v0  }
0x486: {  	v0 =	vld [tilespmem:s10+$0x810]  }
0x487: {  	v3 =	vld [tilespmem:s11+$0x650];
	[tilespmem:s23+$0x9340] =	vst v5  }
0x488: {  	v5 =	vld [tilespmem:s2+$0x650];
	[tilespmem:s23+$0x90D0] =	vst v1  }
0x489: {  	v1 =	vld [tilespmem:s0+$0x650];
	[tilespmem:s23+$0x9150] =	vst v2  }
0x48a: {  	v2 =	vld [tilespmem:s25+$0x650];
	[tilespmem:s23+$0x9250] =	vst v4  }
0x48b: {  	v4 =	vld [tilespmem:s1+$0x660];
	[tilespmem:s23+$0x9790] =	vst v0  }
0x48c: {  	[tilespmem:s23+$0x91D0] =	vst v3;
	v0 =	vld [tilespmem:s10+$0x820]  }
0x48d: {  	v3 =	vld [tilespmem:s7+$0x660];
	[tilespmem:s23+$0x92D0] =	vst v5  }
0x48e: {  	v5 =	vld [tilespmem:s11+$0x660];
	[tilespmem:s23+$0x9350] =	vst v1  }
0x48f: {  	v1 =	vld [tilespmem:s31+$0x660];
	[tilespmem:s23+$0x9050] =	vst v2  }
0x490: {  	v2 =	vld [tilespmem:s2+$0x660];
	[tilespmem:s23+$0x9160] =	vst v4  }
0x491: {  	v4 =	vld [tilespmem:s25+$0x660];
	[tilespmem:s23+$0x97A0] =	vst v0  }
0x492: {  	[tilespmem:s23+$0x90E0] =	vst v3;
	v0 =	vld [tilespmem:s10+$0x830]  }
0x493: {  	v3 =	vld [tilespmem:s0+$0x660];
	[tilespmem:s23+$0x91E0] =	vst v5  }
0x494: {  	v5 =	vld [tilespmem:s7+$0x670];
	[tilespmem:s23+$0x9260] =	vst v1  }
0x495: {  	v1 =	vld [tilespmem:s1+$0x670];
	[tilespmem:s23+$0x92E0] =	vst v2  }
0x496: {  	v2 =	vld [tilespmem:s11+$0x670];
	[tilespmem:s23+$0x9060] =	vst v4  }
0x497: {  	v4 =	vld [tilespmem:s2+$0x670];
	[tilespmem:s23+$0x97B0] =	vst v0  }
0x498: {  	[tilespmem:s23+$0x9360] =	vst v3;
	v0 =	vld [tilespmem:s10+$0x840]  }
0x499: {  	v3 =	vld [tilespmem:s31+$0x670];
	[tilespmem:s23+$0x90F0] =	vst v5  }
0x49a: {  	v5 =	vld [tilespmem:s0+$0x670];
	[tilespmem:s23+$0x9170] =	vst v1  }
0x49b: {  	v1 =	vld [tilespmem:s25+$0x670];
	[tilespmem:s23+$0x91F0] =	vst v2  }
0x49c: {  	v2 =	vld [tilespmem:s7+$0x800];
	[tilespmem:s23+$0x92F0] =	vst v4  }
0x49d: {  	v4 =	vld [tilespmem:s11+$0x800];
	[tilespmem:s23+$0x97C0] =	vst v0  }
0x49e: {  	[tilespmem:s23+$0x9270] =	vst v3;
	v0 =	vld [tilespmem:s10+$0x850]  }
0x49f: {  	v3 =	vld [tilespmem:s1+$0x800];
	[tilespmem:s23+$0x9370] =	vst v5  }
0x4a0: {  	v5 =	vld [tilespmem:s31+$0x800];
	[tilespmem:s23+$0x9070] =	vst v1  }
0x4a1: {  	v1 =	vld [tilespmem:s2+$0x800];
	[tilespmem:s23+$0x9480] =	vst v2  }
0x4a2: {  	v2 =	vld [tilespmem:s0+$0x800];
	[tilespmem:s23+$0x9580] =	vst v4  }
0x4a3: {  	v4 =	vld [tilespmem:s7+$0x810];
	[tilespmem:s23+$0x97D0] =	vst v0  }
0x4a4: {  	[tilespmem:s23+$0x9500] =	vst v3;
	v0 =	vld [tilespmem:s10+$0x860]  }
0x4a5: {  	v3 =	vld [tilespmem:s25+$0x800];
	[tilespmem:s23+$0x9600] =	vst v5  }
0x4a6: {  	v5 =	vld [tilespmem:s1+$0x810];
	[tilespmem:s23+$0x9680] =	vst v1  }
0x4a7: {  	v1 =	vld [tilespmem:s11+$0x810];
	[tilespmem:s23+$0x9700] =	vst v2  }
0x4a8: {  	v2 =	vld [tilespmem:s31+$0x810];
	[tilespmem:s23+$0x9490] =	vst v4  }
0x4a9: {  	s3 =	sor.u32 $0x600, s5;
	s5 =	sor.u32 $0x670, s5;
	v4 =	vld [tilespmem:s0+$0x810];
	[tilespmem:s23+$0x97E0] =	vst v0  }
0x4aa: {  	[dreg:$0x8] =	wrdreg s5;
	[tilespmem:s23+$0x9400] =	vst v3;
	v0 =	vld [tilespmem:s10+$0x870]  }
0x4ab: {  	s5 =	sld [smem:$0x7BA];
	v3 =	vld [tilespmem:s2+$0x810];
	[tilespmem:s23+$0x9510] =	vst v5  }
0x4ac: {  	v5 =	vld [tilespmem:s25+$0x810];
	[tilespmem:s23+$0x9590] =	vst v1  }
0x4ad: {  	v1 =	vld [tilespmem:s7+$0x820];
	[tilespmem:s23+$0x9610] =	vst v2  }
0x4ae: {  	s4 =	sor.u32 s5, s9;
	v2 =	vld [tilespmem:s1+$0x820];
	[tilespmem:s23+$0x9710] =	vst v4  }
0x4af: {  	v4 =	vld [tilespmem:s31+$0x820];
	s10 =	sor.u32 $0x600, s4;
	[tilespmem:s23+$0x97F0] =	vst v0  }
0x4b0: {  	[tilespmem:s23+$0x9690] =	vst v3;
	v0 =	vld [tilespmem:s10+$0x400]  }
0x4b1: {  	v3 =	vld [tilespmem:s11+$0x820];
	[tilespmem:s23+$0x9410] =	vst v5  }
0x4b2: {  	v5 =	vld [tilespmem:s2+$0x820];
	[tilespmem:s23+$0x94A0] =	vst v1  }
0x4b3: {  	v1 =	vld [tilespmem:s0+$0x820];
	[tilespmem:s23+$0x9520] =	vst v2  }
0x4b4: {  	v2 =	vld [tilespmem:s25+$0x820];
	[tilespmem:s23+$0x9620] =	vst v4  }
0x4b5: {  	s9 =	sor.u32 $0x610, s4;
	v4 =	vld [tilespmem:s1+$0x830];
	[tilespmem:s23+$0x9B80] =	vst v0  }
0x4b6: {  	[tilespmem:s23+$0x95A0] =	vst v3;
	v0 =	vld [tilespmem:s9+$0x400]  }
0x4b7: {  	v3 =	vld [tilespmem:s7+$0x830];
	[tilespmem:s23+$0x96A0] =	vst v5  }
0x4b8: {  	v5 =	vld [tilespmem:s11+$0x830];
	[tilespmem:s23+$0x9720] =	vst v1  }
0x4b9: {  	v1 =	vld [tilespmem:s31+$0x830];
	[tilespmem:s23+$0x9420] =	vst v2  }
0x4ba: {  	v2 =	vld [tilespmem:s2+$0x830];
	[tilespmem:s23+$0x9530] =	vst v4  }
0x4bb: {  	v4 =	vld [tilespmem:s25+$0x830];
	s10 =	sor.u32 $0x620, s4;
	[tilespmem:s23+$0x9B90] =	vst v0  }
0x4bc: {  	[tilespmem:s23+$0x94B0] =	vst v3;
	v0 =	vld [tilespmem:s10+$0x400]  }
0x4bd: {  	v3 =	vld [tilespmem:s0+$0x830];
	[tilespmem:s23+$0x95B0] =	vst v5  }
0x4be: {  	v5 =	vld [tilespmem:s7+$0x840];
	[tilespmem:s23+$0x9630] =	vst v1  }
0x4bf: {  	v1 =	vld [tilespmem:s1+$0x840];
	[tilespmem:s23+$0x96B0] =	vst v2  }
0x4c0: {  	v2 =	vld [tilespmem:s11+$0x840];
	[tilespmem:s23+$0x9430] =	vst v4  }
0x4c1: {  	v4 =	vld [tilespmem:s2+$0x840];
	s9 =	sor.u32 $0x630, s4;
	[tilespmem:s23+$0x9BA0] =	vst v0  }
0x4c2: {  	[tilespmem:s23+$0x9730] =	vst v3;
	v0 =	vld [tilespmem:s9+$0x400]  }
0x4c3: {  	v3 =	vld [tilespmem:s31+$0x840];
	[tilespmem:s23+$0x94C0] =	vst v5  }
0x4c4: {  	v5 =	vld [tilespmem:s0+$0x840];
	[tilespmem:s23+$0x9540] =	vst v1  }
0x4c5: {  	v1 =	vld [tilespmem:s25+$0x840];
	[tilespmem:s23+$0x95C0] =	vst v2  }
0x4c6: {  	v2 =	vld [tilespmem:s7+$0x850];
	[tilespmem:s23+$0x96C0] =	vst v4  }
0x4c7: {  	v4 =	vld [tilespmem:s11+$0x850];
	s10 =	sor.u32 $0x640, s4;
	[tilespmem:s23+$0x9BB0] =	vst v0  }
0x4c8: {  	[tilespmem:s23+$0x9640] =	vst v3;
	v0 =	vld [tilespmem:s10+$0x400]  }
0x4c9: {  	v3 =	vld [tilespmem:s1+$0x850];
	[tilespmem:s23+$0x9740] =	vst v5  }
0x4ca: {  	v5 =	vld [tilespmem:s31+$0x850];
	[tilespmem:s23+$0x9440] =	vst v1  }
0x4cb: {  	v1 =	vld [tilespmem:s2+$0x850];
	[tilespmem:s23+$0x94D0] =	vst v2  }
0x4cc: {  	v2 =	vld [tilespmem:s0+$0x850];
	[tilespmem:s23+$0x95D0] =	vst v4  }
0x4cd: {  	v4 =	vld [tilespmem:s7+$0x860];
	s9 =	sor.u32 $0x650, s4;
	[tilespmem:s23+$0x9BC0] =	vst v0  }
0x4ce: {  	[tilespmem:s23+$0x9550] =	vst v3;
	v0 =	vld [tilespmem:s9+$0x400]  }
0x4cf: {  	p0 =	slt.u32 s6, $0x38;
	v6 =	vld [tilespmem:s25+$0x850];
	[tilespmem:s23+$0x9650] =	vst v5  }
.Ltmp1:
0x4d0: {  	s6 =	sadd.s32 $0x8, s6;
	v3 =	vld [tilespmem:s1+$0x860];
	[tilespmem:s23+$0x96D0] =	vst v1;
	(pc) =	sbr.rel @p0 .LBB2_5-.Ltmp1, $4  }
0x4d1: {  	s19 =	sor.u32 $0x600, s22;
	s20 =	sor.u32 $0x600, s24;
	s22 =	sor.u32 $0x670, s22;
	v1 =	vld [tilespmem:s11+$0x860];
	[tilespmem:s23+$0x9750] =	vst v2  }
0x4d2: {  	s8 =	sor.u32 $0x610, s24;
	s26 =	sor.u32 $0x600, s17;
	[dreg:$0x9] =	wrdreg s22;
	v2 =	vld [tilespmem:s31+$0x860];
	[tilespmem:s23+$0x94E0] =	vst v4  }
0x4d3: {  	s22 =	smov.u32 s29;
	s29 =	sld [smem:$0x7B6];
	v4 =	vld [tilespmem:s2+$0x860];
	s10 =	sor.u32 $0x660, s4;
	[tilespmem:s23+$0x9BD0] =	vst v0  }
0x4d4: {  	s17 =	sor.u32 $0x670, s17;
	s24 =	smov.u32 s30;
	s30 =	sld [smem:$0x7B7];
	[tilespmem:s23+$0x9450] =	vst v6;
	v0 =	vld [tilespmem:s10+$0x400]  }
0x4d5: {  	[tilespmem:s23+$0x9560] =	vst v3;
	v56 =	vld [tilespmem:s0+$0x860]  }
0x4d6: {  	v5 =	vld [tilespmem:s25+$0x860];
	[tilespmem:s23+$0x95E0] =	vst v1  }
0x4d7: {  	v57 =	vld [tilespmem:s7+$0x870];
	[tilespmem:s23+$0x9660] =	vst v2  }
0x4d8: {  	v58 =	vld [tilespmem:s1+$0x870];
	[tilespmem:s23+$0x96E0] =	vst v4  }
0x4d9: {  	v59 =	vld [tilespmem:s11+$0x870];
	[tilespmem:s23+$0x9BE0] =	vst v0  }
0x4da: {  	v60 =	vld [tilespmem:s31+$0x870];
	[tilespmem:s23+$0x9760] =	vst v56  }
0x4db: {  	s4 =	sor.u32 $0x670, s4;
	v61 =	vld [tilespmem:s2+$0x870];
	[tilespmem:s23+$0x9460] =	vst v5  }
0x4dc: {  	v0 =	vld [tilespmem:s4+$0x400];
	[tilespmem:s23+$0x94F0] =	vst v57  }
0x4dd: {  	v62 =	vld [tilespmem:s0+$0x870];
	[tilespmem:s23+$0x9570] =	vst v58  }
0x4de: {  	v63 =	vld [tilespmem:s25+$0x870];
	[tilespmem:s23+$0x95F0] =	vst v59  }
0x4df: {  	v8 =	vld [tilespmem:s26+$0x400];
	[tilespmem:s23+$0x9670] =	vst v60  }
0x4e0: {  	v9 =	vld [tilespmem:s19+$0x400];
	[tilespmem:s23+$0x96F0] =	vst v61  }
0x4e1: {  	v10 =	vld [tilespmem:s3+$0x400];
	[tilespmem:s23+$0x9BF0] =	vst v0  }
0x4e2: {  	v11 =	vld [tilespmem:s16+$0x400];
	[tilespmem:s23+$0x9770] =	vst v62  }
0x4e3: {  	[tilespmem:s23+$0x9470] =	vst v63  }
0x4e4: {  	[tilespmem:s23+$0x9880] =	vst v8  }
0x4e5: {  	[tilespmem:s23+$0x9900] =	vst v9  }
0x4e6: {  	v12 =	vld [tilespmem:s20+$0x400];
	s6 =	sld [smem:$0x7BC];
	[tilespmem:s23+$0x9980] =	vst v10  }
0x4e7: {  	v13 =	vld [tilespmem:s18+$0x400];
	s7 =	sld [smem:$0x7C0];
	[tilespmem:s23+$0x9A00] =	vst v11  }
0x4e8: {  	v14 =	vld [tilespmem:s30+$0x400];
	s9 =	sld [smem:$0x7C4]  }
0x4e9: {  	v15 =	vld [tilespmem:s6+$0x400]  }
0x4ea: {  	v16 =	vld [tilespmem:s7+$0x400]  }
0x4eb: {  	[tilespmem:s23+$0x9A80] =	vst v12;
	v17 =	vld [tilespmem:s9+$0x400]  }
0x4ec: {  	v18 =	vld [tilespmem:s12+$0x400];
	[tilespmem:s23+$0x9B00] =	vst v13  }
0x4ed: {  	v19 =	vld [tilespmem:s8+$0x400];
	[tilespmem:s23+$0x9800] =	vst v14  }
0x4ee: {  	v20 =	vld [tilespmem:s13+$0x400];
	[tilespmem:s23+$0x9890] =	vst v15  }
0x4ef: {  	v21 =	vld [tilespmem:s29+$0x400];
	[tilespmem:s23+$0x9910] =	vst v16  }
0x4f0: {  	s10 =	sld [smem:$0x7BD];
	[tilespmem:s23+$0x9990] =	vst v17  }
0x4f1: {  	s11 =	sld [smem:$0x7C1];
	[tilespmem:s23+$0x9A10] =	vst v18  }
0x4f2: {  	s12 =	sld [smem:$0x7C5];
	[tilespmem:s23+$0x9A90] =	vst v19  }
0x4f3: {  	v22 =	vld [tilespmem:s10+$0x400];
	s13 =	sld [smem:$0x7C9];
	[tilespmem:s23+$0x9B10] =	vst v20  }
0x4f4: {  	v23 =	vld [tilespmem:s11+$0x400];
	s16 =	sld [smem:$0x7CD];
	[tilespmem:s23+$0x9810] =	vst v21  }
0x4f5: {  	v24 =	vld [tilespmem:s12+$0x400];
	s18 =	sld [smem:$0x7D1]  }
0x4f6: {  	v25 =	vld [tilespmem:s13+$0x400]  }
0x4f7: {  	v26 =	vld [tilespmem:s16+$0x400]  }
0x4f8: {  	v27 =	vld [tilespmem:s18+$0x400];
	[tilespmem:s23+$0x98A0] =	vst v22  }
0x4f9: {  	v28 =	vld [tilespmem:s28+$0x400];
	[tilespmem:s23+$0x9920] =	vst v23  }
0x4fa: {  	s19 =	sld [smem:$0x7BE];
	[tilespmem:s23+$0x99A0] =	vst v24  }
0x4fb: {  	s20 =	sld [smem:$0x7C2];
	[tilespmem:s23+$0x9A20] =	vst v25  }
0x4fc: {  	s25 =	sld [smem:$0x7C6];
	[tilespmem:s23+$0x9AA0] =	vst v26  }
0x4fd: {  	v29 =	vld [tilespmem:s19+$0x400];
	s26 =	sld [smem:$0x7CA];
	[tilespmem:s23+$0x9B20] =	vst v27  }
0x4fe: {  	v30 =	vld [tilespmem:s20+$0x400];
	s28 =	sld [smem:$0x7CE];
	[tilespmem:s23+$0x9820] =	vst v28  }
0x4ff: {  	v31 =	vld [tilespmem:s25+$0x400];
	s29 =	sld [smem:$0x7D2]  }
0x500: {  	v32 =	vld [tilespmem:s26+$0x400]  }
0x501: {  	v33 =	vld [tilespmem:s28+$0x400]  }
0x502: {  	v34 =	vld [tilespmem:s29+$0x400];
	[tilespmem:s23+$0x98B0] =	vst v29  }
0x503: {  	v35 =	vld [tilespmem:s24+$0x400];
	[tilespmem:s23+$0x9930] =	vst v30  }
0x504: {  	s30 =	sld [smem:$0x7BF];
	[tilespmem:s23+$0x99B0] =	vst v31  }
0x505: {  	s31 =	sld [smem:$0x7C3];
	[tilespmem:s23+$0x9A30] =	vst v32  }
0x506: {  	s1 =	sld [smem:$0x7C7];
	[tilespmem:s23+$0x9AB0] =	vst v33  }
0x507: {  	v36 =	vld [tilespmem:s30+$0x400];
	s2 =	sld [smem:$0x7CB];
	[tilespmem:s23+$0x9B30] =	vst v34  }
0x508: {  	v37 =	vld [tilespmem:s31+$0x400];
	s3 =	sld [smem:$0x7CF];
	[tilespmem:s23+$0x9830] =	vst v35  }
0x509: {  	v38 =	vld [tilespmem:s1+$0x400];
	s4 =	sld [smem:$0x7D3]  }
0x50a: {  	v39 =	vld [tilespmem:s2+$0x400]  }
0x50b: {  	v40 =	vld [tilespmem:s3+$0x400]  }
0x50c: {  	v41 =	vld [tilespmem:s4+$0x400];
	[tilespmem:s23+$0x98C0] =	vst v36  }
0x50d: {  	v42 =	vld [tilespmem:s22+$0x400];
	[tilespmem:s23+$0x9940] =	vst v37  }
0x50e: {  	s5 =	rddreg [dreg:$0x17];
	[tilespmem:s23+$0x99C0] =	vst v38  }
0x50f: {  	s6 =	rddreg [dreg:$0x1c];
	[tilespmem:s23+$0x9A40] =	vst v39  }
0x510: {  	s7 =	sld [smem:$0x7C8];
	[tilespmem:s23+$0x9AC0] =	vst v40  }
0x511: {  	v43 =	vld [tilespmem:s5+$0x400];
	s8 =	sld [smem:$0x7CC];
	[tilespmem:s23+$0x9B40] =	vst v41  }
0x512: {  	v44 =	vld [tilespmem:s6+$0x400];
	s9 =	sld [smem:$0x7D0];
	[tilespmem:s23+$0x9840] =	vst v42  }
0x513: {  	v45 =	vld [tilespmem:s7+$0x400];
	s10 =	sld [smem:$0x7D4]  }
0x514: {  	v46 =	vld [tilespmem:s8+$0x400]  }
0x515: {  	v47 =	vld [tilespmem:s9+$0x400]  }
0x516: {  	[tilespmem:s23+$0x98D0] =	vst v43;
	v48 =	vld [tilespmem:s10+$0x400]  }
0x517: {  	v49 =	vld [tilespmem:s21+$0x400];
	[tilespmem:s23+$0x9950] =	vst v44  }
0x518: {  	s11 =	rddreg [dreg:$0x11];
	[tilespmem:s23+$0x99D0] =	vst v45  }
0x519: {  	s12 =	rddreg [dreg:$0x13];
	[tilespmem:s23+$0x9A50] =	vst v46  }
0x51a: {  	s13 =	rddreg [dreg:$0x15];
	[tilespmem:s23+$0x9AD0] =	vst v47  }
0x51b: {  	v50 =	vld [tilespmem:s11+$0x400];
	s16 =	rddreg [dreg:$0x1a];
	[tilespmem:s23+$0x9B50] =	vst v48  }
0x51c: {  	v51 =	vld [tilespmem:s12+$0x400];
	s18 =	rddreg [dreg:$0x1d];
	[tilespmem:s23+$0x9850] =	vst v49  }
0x51d: {  	v52 =	vld [tilespmem:s13+$0x400];
	s19 =	sld [smem:$0x7D5]  }
0x51e: {  	v53 =	vld [tilespmem:s16+$0x400]  }
0x51f: {  	v54 =	vld [tilespmem:s18+$0x400]  }
0x520: {  	[tilespmem:s23+$0x98E0] =	vst v50;
	v55 =	vld [tilespmem:s19+$0x400]  }
0x521: {  	[tilespmem:s23+$0x9960] =	vst v51  }
0x522: {  	v56 =	vld [tilespmem:s15+$0x400];
	[tilespmem:s23+$0x99E0] =	vst v52  }
0x523: {  	v57 =	vld [tilespmem:s17+$0x400];
	s20 =	rddreg [dreg:$0x9];
	[tilespmem:s23+$0x9A60] =	vst v53  }
0x524: {  	v58 =	vld [tilespmem:s20+$0x400];
	s21 =	rddreg [dreg:$0x8];
	[tilespmem:s23+$0x9AE0] =	vst v54  }
0x525: {  	v59 =	vld [tilespmem:s21+$0x400];
	s22 =	rddreg [dreg:$0xb];
	[tilespmem:s23+$0x9B60] =	vst v55  }
0x526: {  	v60 =	vld [tilespmem:s22+$0x400];
	s24 =	rddreg [dreg:$0xd]  }
0x527: {  	[tilespmem:s23+$0x9860] =	vst v56;
	v61 =	vld [tilespmem:s24+$0x400]  }
0x528: {  	s25 =	rddreg [dreg:$0xf];
	[tilespmem:s23+$0x98F0] =	vst v57;
	v63 =	vld [tilespmem:s14+$0x400]  }
0x529: {  	[tilespmem:s23+$0x9970] =	vst v58;
	v62 =	vld [tilespmem:s25+$0x400]  }
0x52a: {  	[tilespmem:s23+$0x99F0] =	vst v59  }
0x52b: {  	[tilespmem:s23+$0x9A70] =	vst v60  }
0x52c: {  	[tilespmem:s23+$0x9AF0] =	vst v61  }
0x52d: {  	[tilespmem:s23+$0x9870] =	vst v63  }
0x52e: {  	[tilespmem:s23+$0x9B70] =	vst v62  }
0x52f: {  	s31 =	sld [smem:$0x7F4];
	_ =	sdelay $0x2  }
0x530: {  	s20 =	sadd.s32 $0x1, s31  }
0x531: {  	s26 =	sld [smem:$0x7FC];
	p0 =	sne.s32 s20, $0x8  }
.Ltmp2:
0x532: {  	s28 =	sld [smem:$0x7BB];
	(pc) =	sbr.rel @p0 .LBB2_2-.Ltmp2, $3  }
0x533: {  	_ =	sdelay $0x1  }
0x534: {  	s29 =	simm.s32 $0x0;
	s30 =	simm.s32 $0x8C00;
	s0 =	sadd.s32 s28, s26  }
0x535: {  	[hbm4b:s0+s29] =	stream.linear.scatter [tilespmem:s30], [sflag:$0x2], $0x8000, $0x38;
	[tilespmem:$0x11000] =	vst v63  }
0x536: {  	s0 =	simm.s32 $0x1  }
0x537: {  	_ =	swait.ge [sflag:s0], $0x8000  }
0x538: {  	[sflag:s0] =	ssyncset.done $0x0  }
0x539: {  	s1 =	simm.s32 $0x2;
	[sflag:s0] =	ssyncadd.s32 $0xFFFF8000  }
0x53a: {  	_ =	swait.ge [sflag:s1], $0x8000  }
0x53b: {  	s2 =	sld [smem:$0x7F6]  }
0x53c: {  	s31 =	sld [smem:$0x7FD];
	_ =	sdelay $0x1  }
0x53d: {  	s2 =	sadd.s32 $0x1, s2  }
0x53e: {  	p0 =	sne.s32 s2, s31  }
.Ltmp3:
0x53f: {  	_ = 	snop;
	(pc) =	sbr.rel @p0 .LBB2_1-.Ltmp3, $3  }
0x540: {  	_ =	sdelay $0x1  }
0x541: {  	[sflag:s1] =	ssyncset.done $0x0  }
0x542: {  	[sflag:s1] =	ssyncadd.s32 $0xFFFF8000  }
0x543: {  	_ =	sfence.sel $0x180000  }
0x544: {  	[bflag:$0x0] =	sbarrier.arrive $0xFFFF  }
0x545: {  	_ =	strace $0x90000047  }
0x546: {  	s0 =	stileid.u32;
	[bflag:$0x2] =	sbarrier.arrive $0xFFFF  }
0x547: {  	p0 =	sne.s32 s0, $0x0;
	s0 =	rddreg [dreg:$0x4]  }
0x548: {  	s0 =	sadd.s32 @!p0 $0x100000, s0  }
0x549: {  	[sflag:s0] =	ssyncadd.tile.s32 @!p0 $0x1;
	_ =	shalt  }
.Lfunc_end2:
_tile_overlayer_lowered:
.L_overlay_start_2:
0x54a: {  	(tag) =	ssettag $0x2  }
0x54b: {  	s0 =	rddreg [dreg:$0x0];
	s2 =	stileid.u32  }
0x54c: {  	s1 =	rddreg [dreg:$0x1];
	p0 =	sne.s32 s2, $0x0  }
0x54d: {  	s3 =	rddreg [dreg:$0x2];
	[bflag:$0x3] =	sbarrier.arrive $0xFFFF;
	s2 =	simm.s32 @!p0 $0x1C05  }
0x54e: {  	[timem:s3], [sflag:s2] =	dma.local @!p0 [hbm:s0], s1  }
0x54f: {  	s0 =	simm.s32 @!p0 $0x5  }
0x550: {  	_ =	swait.ge @!p0 [sflag:s0], s1  }
0x551: {  	s1 =	ssub.s32 @!p0 $0x0, s1;
	[sflag:s0] =	ssyncset.done @!p0 $0x0  }
0x552: {  	[sflag:s0] =	ssyncadd.s32 @!p0 s1  }
0x553: {  	[bflag:$0x3] =	sbarrier.arrive $0xFFFF  }
0x554: {  	_ =	shalt  }

</sc_bundles>
